<compile_context>
chip_gen: v7x
topology: tpu7x:2x2x1
jax: 0.10.2.dev20260603
libtpu: 0.0.44.dev20260713+nightly
codegen_flags: <defaults>
</compile_context>

<pallas_src>
import functools
import jax
import jax.numpy as jnp
from jax import lax
from jax.experimental import pallas as pl
from jax.experimental.pallas import tpu as pltpu, tpu_sc as plsc

_SEQ, _DIM = 8192, 1024
_SCALE = _DIM ** (-0.5)
_NC, _NS = 2, 16
_NW = _NC * _NS
_ROWS_W = _SEQ // _NW
_CH_ROWS = 16
_NCHUNK = _ROWS_W // _CH_ROWS
_NBUF = 7
_CH_E = _CH_ROWS * _DIM

_mesh = plsc.VectorSubcoreMesh(core_axis_name="c", subcore_axis_name="s")


@functools.partial(
    pl.kernel,
    out_type=jax.ShapeDtypeStruct((_SEQ, _DIM), jnp.float32),
    mesh=_mesh,
    scratch_types=[pltpu.VMEM((_NBUF * _CH_ROWS, _DIM), jnp.float32)]
    + [pltpu.SemaphoreType.DMA] * (2 * _NBUF),
)
def _sc_scale(emb_hbm, out_hbm, buf, *sems):
    in_sems = sems[:_NBUF]
    out_sems = sems[_NBUF:]
    wid = lax.axis_index("c") * _NS + lax.axis_index("s")
    base = wid * _ROWS_W
    in_d = [None] * _NCHUNK
    out_d = [None] * _NCHUNK
    waited = [False] * _NCHUNK
    for i in range(min(_NBUF, _NCHUNK)):
        in_d[i] = pltpu.async_copy(
            emb_hbm.at[pl.ds(base + i * _CH_ROWS, _CH_ROWS)],
            buf.at[pl.ds(i * _CH_ROWS, _CH_ROWS)],
            in_sems[i],
        )
    for i in range(_NCHUNK):
        b = i % _NBUF
        in_d[i].wait()
        row0 = b * _CH_ROWS

        @plsc.parallel_loop(0, _CH_E, 16, unroll=8)
        def _(j):
            r = row0 + (j >> 10)
            c = pl.multiple_of(j & (_DIM - 1), 16)
            buf[r, pl.ds(c, 16)] = buf[r, pl.ds(c, 16)] * _SCALE

        out_d[i] = pltpu.async_copy(
            buf.at[pl.ds(row0, _CH_ROWS)],
            out_hbm.at[pl.ds(base + i * _CH_ROWS, _CH_ROWS)],
            out_sems[b],
        )
        j = i - 1
        if j >= 0 and j + _NBUF < _NCHUNK:
            out_d[j].wait()
            waited[j] = True
            in_d[j + _NBUF] = pltpu.async_copy(
                emb_hbm.at[pl.ds(base + (j + _NBUF) * _CH_ROWS, _CH_ROWS)],
                buf.at[pl.ds((j % _NBUF) * _CH_ROWS, _CH_ROWS)],
                in_sems[j % _NBUF],
            )
    for i in range(_NCHUNK):
        if not waited[i]:
            out_d[i].wait()


def kernel(x, emb):
    del x
    return _sc_scale(emb)

# --- scband reference (transcript-rebuilt; emitter-appended) ---
"""Pipeline reference for scband-absolute-positional-embedding-22686017258314 (READ-ONLY COPY).

The authoritative reference and input builder live on the scoring server;
editing this copy changes nothing except your own understanding.
"""

import jax, jax.numpy as jnp
import numpy as np

DIM = 1024
MAX_SEQ_LEN = 8192

def setup_inputs(seed: int = 0) -> dict:
    key = jax.random.key(seed)
    k1, k2 = jax.random.split(key)
    x = jax.random.normal(k1, (4, 8192, DIM), dtype=jnp.float32)
    emb = jax.random.normal(k2, (MAX_SEQ_LEN, DIM), dtype=jnp.float32) * 0.02
    return {"x": x, "emb": emb}

def reference(x, emb):
    scale = DIM ** (-0.5)
    seq_len = x.shape[1]
    assert seq_len <= MAX_SEQ_LEN
    pos = jnp.arange(seq_len)
    pos_emb = jnp.take(emb, pos, axis=0)
    pos_emb = pos_emb * scale
    return pos_emb

if __name__ == "__main__":
    import jax
    _d = setup_inputs()
    print(jax.jit(kernel)(*tuple(_d.values())))

</pallas_src>

<mosaic_0001>
#map = affine_map<(d0, d1) -> (0, 0)>
module attributes {stable_mosaic.version = 14 : i64} {
  func.func @_sc_scale(%arg0: i32, %arg1: i32, %arg2: memref<8192x1024xf32, #tpu.memory_space<hbm>>, %arg3: memref<8192x1024xf32, #tpu.memory_space<hbm>>, %arg4: memref<112x1024xf32, #tpu.memory_space<vmem>>, %arg5: memref<!tpu.dma_semaphore, #tpu.memory_space<semaphore_mem>>, %arg6: memref<!tpu.dma_semaphore, #tpu.memory_space<semaphore_mem>>, %arg7: memref<!tpu.dma_semaphore, #tpu.memory_space<semaphore_mem>>, %arg8: memref<!tpu.dma_semaphore, #tpu.memory_space<semaphore_mem>>, %arg9: memref<!tpu.dma_semaphore, #tpu.memory_space<semaphore_mem>>, %arg10: memref<!tpu.dma_semaphore, #tpu.memory_space<semaphore_mem>>, %arg11: memref<!tpu.dma_semaphore, #tpu.memory_space<semaphore_mem>>, %arg12: memref<!tpu.dma_semaphore, #tpu.memory_space<semaphore_mem>>, %arg13: memref<!tpu.dma_semaphore, #tpu.memory_space<semaphore_mem>>, %arg14: memref<!tpu.dma_semaphore, #tpu.memory_space<semaphore_mem>>, %arg15: memref<!tpu.dma_semaphore, #tpu.memory_space<semaphore_mem>>, %arg16: memref<!tpu.dma_semaphore, #tpu.memory_space<semaphore_mem>>, %arg17: memref<!tpu.dma_semaphore, #tpu.memory_space<semaphore_mem>>, %arg18: memref<!tpu.dma_semaphore, #tpu.memory_space<semaphore_mem>>) attributes {dimension_semantics = [#tpu.dimension_semantics<core_parallel>, #tpu.dimension_semantics<subcore_parallel>], iteration_bounds = array<i64: 2, 16>, scalar_prefetch = 0 : i64, scratch_operands = 15 : i64, tpu.core_type = #tpu.core_type<sc_vector_subcore>, window_params = [{transform_indices = #map}, {transform_indices = #map}]} {
    %mul3A = arith.constant 16 : i32
    %mul3A_0 = arith.muli %arg0, %mul3A : i32
    %add3A = arith.addi %mul3A_0, %arg1 : i32
    %mul3A_1 = arith.constant 256 : i32
    %mul3A_2 = arith.muli %add3A, %mul3A_1 : i32
    %add3A_3 = arith.constant 0 : i32
    %add3A_4 = arith.addi %mul3A_2, %add3A_3 : i32
    %dma_start3A = arith.constant 0 : i32
    %dma_start3A_5 = arith.constant 0 : i32
    %dma_start3A_6 = tpu.memref_slice %arg4[%dma_start3A, %dma_start3A_5] : memref<112x1024xf32, #tpu.memory_space<vmem>> -> memref<16x1024xf32, #tpu.memory_space<vmem>>
    %dma_start3A_7 = arith.constant 0 : i32
    %dma_start3A_8 = tpu.memref_slice %arg2[%add3A_4, %dma_start3A_7] : memref<8192x1024xf32, #tpu.memory_space<hbm>> -> memref<16x1024xf32, #tpu.memory_space<hbm>>
    %dma_start3A_9 = arith.constant 0 : i32
    %dma_start3A_10 = arith.constant 0 : i32
    %dma_start3A_11 = tpu.memref_slice %arg4[%dma_start3A_9, %dma_start3A_10] : memref<112x1024xf32, #tpu.memory_space<vmem>> -> memref<16x1024xf32, #tpu.memory_space<vmem>>
    %dma_start3A_12 = arith.constant 0 : i32
    %dma_start3A_13 = tpu.memref_slice %arg2[%add3A_4, %dma_start3A_12] : memref<8192x1024xf32, #tpu.memory_space<hbm>> -> memref<16x1024xf32, #tpu.memory_space<hbm>>
    tpu.enqueue_dma source(%dma_start3A_13 : memref<16x1024xf32, #tpu.memory_space<hbm>>) target(%dma_start3A_11 : memref<16x1024xf32, #tpu.memory_space<vmem>>) target_semaphore(%arg5 : memref<!tpu.dma_semaphore, #tpu.memory_space<semaphore_mem>>)
    %add3A_14 = arith.constant 16 : i32
    %add3A_15 = arith.addi %mul3A_2, %add3A_14 : i32
    %dma_start3A_16 = arith.constant 16 : i32
    %dma_start3A_17 = arith.constant 0 : i32
    %dma_start3A_18 = tpu.memref_slice %arg4[%dma_start3A_16, %dma_start3A_17] : memref<112x1024xf32, #tpu.memory_space<vmem>> -> memref<16x1024xf32, #tpu.memory_space<vmem>>
    %dma_start3A_19 = arith.constant 0 : i32
    %dma_start3A_20 = tpu.memref_slice %arg2[%add3A_15, %dma_start3A_19] : memref<8192x1024xf32, #tpu.memory_space<hbm>> -> memref<16x1024xf32, #tpu.memory_space<hbm>>
    %dma_start3A_21 = arith.constant 16 : i32
    %dma_start3A_22 = arith.constant 0 : i32
    %dma_start3A_23 = tpu.memref_slice %arg4[%dma_start3A_21, %dma_start3A_22] : memref<112x1024xf32, #tpu.memory_space<vmem>> -> memref<16x1024xf32, #tpu.memory_space<vmem>>
    %dma_start3A_24 = arith.constant 0 : i32
    %dma_start3A_25 = tpu.memref_slice %arg2[%add3A_15, %dma_start3A_24] : memref<8192x1024xf32, #tpu.memory_space<hbm>> -> memref<16x1024xf32, #tpu.memory_space<hbm>>
    tpu.enqueue_dma source(%dma_start3A_25 : memref<16x1024xf32, #tpu.memory_space<hbm>>) target(%dma_start3A_23 : memref<16x1024xf32, #tpu.memory_space<vmem>>) target_semaphore(%arg6 : memref<!tpu.dma_semaphore, #tpu.memory_space<semaphore_mem>>)
    %add3A_26 = arith.constant 32 : i32
    %add3A_27 = arith.addi %mul3A_2, %add3A_26 : i32
    %dma_start3A_28 = arith.constant 32 : i32
    %dma_start3A_29 = arith.constant 0 : i32
    %dma_start3A_30 = tpu.memref_slice %arg4[%dma_start3A_28, %dma_start3A_29] : memref<112x1024xf32, #tpu.memory_space<vmem>> -> memref<16x1024xf32, #tpu.memory_space<vmem>>
    %dma_start3A_31 = arith.constant 0 : i32
    %dma_start3A_32 = tpu.memref_slice %arg2[%add3A_27, %dma_start3A_31] : memref<8192x1024xf32, #tpu.memory_space<hbm>> -> memref<16x1024xf32, #tpu.memory_space<hbm>>
    %dma_start3A_33 = arith.constant 32 : i32
    %dma_start3A_34 = arith.constant 0 : i32
    %dma_start3A_35 = tpu.memref_slice %arg4[%dma_start3A_33, %dma_start3A_34] : memref<112x1024xf32, #tpu.memory_space<vmem>> -> memref<16x1024xf32, #tpu.memory_space<vmem>>
    %dma_start3A_36 = arith.constant 0 : i32
    %dma_start3A_37 = tpu.memref_slice %arg2[%add3A_27, %dma_start3A_36] : memref<8192x1024xf32, #tpu.memory_space<hbm>> -> memref<16x1024xf32, #tpu.memory_space<hbm>>
    tpu.enqueue_dma source(%dma_start3A_37 : memref<16x1024xf32, #tpu.memory_space<hbm>>) target(%dma_start3A_35 : memref<16x1024xf32, #tpu.memory_space<vmem>>) target_semaphore(%arg7 : memref<!tpu.dma_semaphore, #tpu.memory_space<semaphore_mem>>)
    %add3A_38 = arith.constant 48 : i32
    %add3A_39 = arith.addi %mul3A_2, %add3A_38 : i32
    %dma_start3A_40 = arith.constant 48 : i32
    %dma_start3A_41 = arith.constant 0 : i32
    %dma_start3A_42 = tpu.memref_slice %arg4[%dma_start3A_40, %dma_start3A_41] : memref<112x1024xf32, #tpu.memory_space<vmem>> -> memref<16x1024xf32, #tpu.memory_space<vmem>>
    %dma_start3A_43 = arith.constant 0 : i32
    %dma_start3A_44 = tpu.memref_slice %arg2[%add3A_39, %dma_start3A_43] : memref<8192x1024xf32, #tpu.memory_space<hbm>> -> memref<16x1024xf32, #tpu.memory_space<hbm>>
    %dma_start3A_45 = arith.constant 48 : i32
    %dma_start3A_46 = arith.constant 0 : i32
    %dma_start3A_47 = tpu.memref_slice %arg4[%dma_start3A_45, %dma_start3A_46] : memref<112x1024xf32, #tpu.memory_space<vmem>> -> memref<16x1024xf32, #tpu.memory_space<vmem>>
    %dma_start3A_48 = arith.constant 0 : i32
    %dma_start3A_49 = tpu.memref_slice %arg2[%add3A_39, %dma_start3A_48] : memref<8192x1024xf32, #tpu.memory_space<hbm>> -> memref<16x1024xf32, #tpu.memory_space<hbm>>
    tpu.enqueue_dma source(%dma_start3A_49 : memref<16x1024xf32, #tpu.memory_space<hbm>>) target(%dma_start3A_47 : memref<16x1024xf32, #tpu.memory_space<vmem>>) target_semaphore(%arg8 : memref<!tpu.dma_semaphore, #tpu.memory_space<semaphore_mem>>)
    %add3A_50 = arith.constant 64 : i32
    %add3A_51 = arith.addi %mul3A_2, %add3A_50 : i32
    %dma_start3A_52 = arith.constant 64 : i32
    %dma_start3A_53 = arith.constant 0 : i32
    %dma_start3A_54 = tpu.memref_slice %arg4[%dma_start3A_52, %dma_start3A_53] : memref<112x1024xf32, #tpu.memory_space<vmem>> -> memref<16x1024xf32, #tpu.memory_space<vmem>>
    %dma_start3A_55 = arith.constant 0 : i32
    %dma_start3A_56 = tpu.memref_slice %arg2[%add3A_51, %dma_start3A_55] : memref<8192x1024xf32, #tpu.memory_space<hbm>> -> memref<16x1024xf32, #tpu.memory_space<hbm>>
    %dma_start3A_57 = arith.constant 64 : i32
    %dma_start3A_58 = arith.constant 0 : i32
    %dma_start3A_59 = tpu.memref_slice %arg4[%dma_start3A_57, %dma_start3A_58] : memref<112x1024xf32, #tpu.memory_space<vmem>> -> memref<16x1024xf32, #tpu.memory_space<vmem>>
    %dma_start3A_60 = arith.constant 0 : i32
    %dma_start3A_61 = tpu.memref_slice %arg2[%add3A_51, %dma_start3A_60] : memref<8192x1024xf32, #tpu.memory_space<hbm>> -> memref<16x1024xf32, #tpu.memory_space<hbm>>
    tpu.enqueue_dma source(%dma_start3A_61 : memref<16x1024xf32, #tpu.memory_space<hbm>>) target(%dma_start3A_59 : memref<16x1024xf32, #tpu.memory_space<vmem>>) target_semaphore(%arg9 : memref<!tpu.dma_semaphore, #tpu.memory_space<semaphore_mem>>)
    %add3A_62 = arith.constant 80 : i32
    %add3A_63 = arith.addi %mul3A_2, %add3A_62 : i32
    %dma_start3A_64 = arith.constant 80 : i32
    %dma_start3A_65 = arith.constant 0 : i32
    %dma_start3A_66 = tpu.memref_slice %arg4[%dma_start3A_64, %dma_start3A_65] : memref<112x1024xf32, #tpu.memory_space<vmem>> -> memref<16x1024xf32, #tpu.memory_space<vmem>>
    %dma_start3A_67 = arith.constant 0 : i32
    %dma_start3A_68 = tpu.memref_slice %arg2[%add3A_63, %dma_start3A_67] : memref<8192x1024xf32, #tpu.memory_space<hbm>> -> memref<16x1024xf32, #tpu.memory_space<hbm>>
    %dma_start3A_69 = arith.constant 80 : i32
    %dma_start3A_70 = arith.constant 0 : i32
    %dma_start3A_71 = tpu.memref_slice %arg4[%dma_start3A_69, %dma_start3A_70] : memref<112x1024xf32, #tpu.memory_space<vmem>> -> memref<16x1024xf32, #tpu.memory_space<vmem>>
    %dma_start3A_72 = arith.constant 0 : i32
    %dma_start3A_73 = tpu.memref_slice %arg2[%add3A_63, %dma_start3A_72] : memref<8192x1024xf32, #tpu.memory_space<hbm>> -> memref<16x1024xf32, #tpu.memory_space<hbm>>
    tpu.enqueue_dma source(%dma_start3A_73 : memref<16x1024xf32, #tpu.memory_space<hbm>>) target(%dma_start3A_71 : memref<16x1024xf32, #tpu.memory_space<vmem>>) target_semaphore(%arg10 : memref<!tpu.dma_semaphore, #tpu.memory_space<semaphore_mem>>)
    %add3A_74 = arith.constant 96 : i32
    %add3A_75 = arith.addi %mul3A_2, %add3A_74 : i32
    %dma_start3A_76 = arith.constant 96 : i32
    %dma_start3A_77 = arith.constant 0 : i32
    %dma_start3A_78 = tpu.memref_slice %arg4[%dma_start3A_76, %dma_start3A_77] : memref<112x1024xf32, #tpu.memory_space<vmem>> -> memref<16x1024xf32, #tpu.memory_space<vmem>>
    %dma_start3A_79 = arith.constant 0 : i32
    %dma_start3A_80 = tpu.memref_slice %arg2[%add3A_75, %dma_start3A_79] : memref<8192x1024xf32, #tpu.memory_space<hbm>> -> memref<16x1024xf32, #tpu.memory_space<hbm>>
    %dma_start3A_81 = arith.constant 96 : i32
    %dma_start3A_82 = arith.constant 0 : i32
    %dma_start3A_83 = tpu.memref_slice %arg4[%dma_start3A_81, %dma_start3A_82] : memref<112x1024xf32, #tpu.memory_space<vmem>> -> memref<16x1024xf32, #tpu.memory_space<vmem>>
    %dma_start3A_84 = arith.constant 0 : i32
    %dma_start3A_85 = tpu.memref_slice %arg2[%add3A_75, %dma_start3A_84] : memref<8192x1024xf32, #tpu.memory_space<hbm>> -> memref<16x1024xf32, #tpu.memory_space<hbm>>
    tpu.enqueue_dma source(%dma_start3A_85 : memref<16x1024xf32, #tpu.memory_space<hbm>>) target(%dma_start3A_83 : memref<16x1024xf32, #tpu.memory_space<vmem>>) target_semaphore(%arg11 : memref<!tpu.dma_semaphore, #tpu.memory_space<semaphore_mem>>)
    %dma_wait3A = arith.constant 0 : i32
    %dma_wait3A_86 = arith.constant 0 : i32
    %dma_wait3A_87 = tpu.memref_slice %arg4[%dma_wait3A, %dma_wait3A_86] : memref<112x1024xf32, #tpu.memory_space<vmem>> -> memref<16x1024xf32, #tpu.memory_space<vmem>>
    %dma_wait3A_88 = arith.constant 0 : i32
    %dma_wait3A_89 = tpu.memref_slice %arg2[%add3A_4, %dma_wait3A_88] : memref<8192x1024xf32, #tpu.memory_space<hbm>> -> memref<16x1024xf32, #tpu.memory_space<hbm>>
    %dma_wait3A_90 = arith.constant 0 : i32
    %dma_wait3A_91 = arith.constant 0 : i32
    %dma_wait3A_92 = tpu.memref_slice %arg4[%dma_wait3A_90, %dma_wait3A_91] : memref<112x1024xf32, #tpu.memory_space<vmem>> -> memref<16x1024xf32, #tpu.memory_space<vmem>>
    %dma_wait3A_93 = arith.constant 0 : i32
    %dma_wait3A_94 = tpu.memref_slice %arg2[%add3A_4, %dma_wait3A_93] : memref<8192x1024xf32, #tpu.memory_space<hbm>> -> memref<16x1024xf32, #tpu.memory_space<hbm>>
    tpu.wait_dma2 semaphore(%arg5 : memref<!tpu.dma_semaphore, #tpu.memory_space<semaphore_mem>>) src(%dma_wait3A_94 : memref<16x1024xf32, #tpu.memory_space<hbm>>) dst(%dma_wait3A_92 : memref<16x1024xf32, #tpu.memory_space<vmem>>)
    %parallel_loop3A = arith.constant 0 : i32
    %parallel_loop3A_95 = arith.constant 16384 : i32
    %parallel_loop3A_96 = arith.constant 16 : i32
    scf.for %parallel_loop3A_752 = %parallel_loop3A to %parallel_loop3A_95 step %parallel_loop3A_96  : i32 {
      %parallel_loop3A_753 = arith.constant 10 : i32
      %parallel_loop3A_754 = arith.shrsi %parallel_loop3A_752, %parallel_loop3A_753 : i32
      %parallel_loop3A_755 = arith.constant 0 : i32
      %parallel_loop3A_756 = arith.addi %parallel_loop3A_755, %parallel_loop3A_754 : i32
      %parallel_loop3A_757 = arith.constant 1023 : i32
      %parallel_loop3A_758 = arith.andi %parallel_loop3A_752, %parallel_loop3A_757 : i32
      %parallel_loop3A_759 = tpu.assume_multiple %parallel_loop3A_758, 16 : i32
      %parallel_loop3A_760 = arith.index_cast %parallel_loop3A_756 : i32 to index
      %parallel_loop3A_761 = arith.index_cast %parallel_loop3A_759 : i32 to index
      %parallel_loop3A_762 = tpu.vector_load %arg4[%parallel_loop3A_760, %parallel_loop3A_761] {strides = array<i32>} : memref<112x1024xf32, #tpu.memory_space<vmem>>, vector<1x16xf32>,
      %parallel_loop3A_763 = vector.shape_cast %parallel_loop3A_762 : vector<1x16xf32> to vector<16xf32>
      %parallel_loop3A_764 = arith.constant 3.125000e-02 : f32
      %parallel_loop3A_765 = vector.broadcast %parallel_loop3A_764 : f32 to vector<16xf32>
      %parallel_loop3A_766 = arith.mulf %parallel_loop3A_763, %parallel_loop3A_765 : vector<16xf32>
      %parallel_loop3A_767 = arith.index_cast %parallel_loop3A_756 : i32 to index
      %parallel_loop3A_768 = arith.index_cast %parallel_loop3A_759 : i32 to index
      %parallel_loop3A_769 = tpu.vector_load %arg4[%parallel_loop3A_767, %parallel_loop3A_768] {strides = array<i32>} : memref<112x1024xf32, #tpu.memory_space<vmem>>, vector<1x16xf32>,
      %parallel_loop3A_770 = vector.shape_cast %parallel_loop3A_769 : vector<1x16xf32> to vector<16xf32>
      %parallel_loop3A_771 = vector.shape_cast %parallel_loop3A_766 : vector<16xf32> to vector<1x16xf32>
      tpu.vector_store %arg4[%parallel_loop3A_767, %parallel_loop3A_768], %parallel_loop3A_771 {strides = array<i32>} : memref<112x1024xf32, #tpu.memory_space<vmem>>, vector<1x16xf32>,
    } {sc.loop_unroll_factor = 8 : i64, sc.parallel_access}
    %add3A_97 = arith.constant 0 : i32
    %add3A_98 = arith.addi %mul3A_2, %add3A_97 : i32
    %dma_start3A_99 = arith.constant 0 : i32
    %dma_start3A_100 = arith.constant 0 : i32
    %dma_start3A_101 = tpu.memref_slice %arg4[%dma_start3A_99, %dma_start3A_100] : memref<112x1024xf32, #tpu.memory_space<vmem>> -> memref<16x1024xf32, #tpu.memory_space<vmem>>
    %dma_start3A_102 = arith.constant 0 : i32
    %dma_start3A_103 = tpu.memref_slice %arg3[%add3A_98, %dma_start3A_102] : memref<8192x1024xf32, #tpu.memory_space<hbm>> -> memref<16x1024xf32, #tpu.memory_space<hbm>>
    %dma_start3A_104 = arith.constant 0 : i32
    %dma_start3A_105 = tpu.memref_slice %arg3[%add3A_98, %dma_start3A_104] : memref<8192x1024xf32, #tpu.memory_space<hbm>> -> memref<16x1024xf32, #tpu.memory_space<hbm>>
    %dma_start3A_106 = arith.constant 0 : i32
    %dma_start3A_107 = arith.constant 0 : i32
    %dma_start3A_108 = tpu.memref_slice %arg4[%dma_start3A_106, %dma_start3A_107] : memref<112x1024xf32, #tpu.memory_space<vmem>> -> memref<16x1024xf32, #tpu.memory_space<vmem>>
    tpu.enqueue_dma source(%dma_start3A_108 : memref<16x1024xf32, #tpu.memory_space<vmem>>) target(%dma_start3A_105 : memref<16x1024xf32, #tpu.memory_space<hbm>>) target_semaphore(%arg12 : memref<!tpu.dma_semaphore, #tpu.memory_space<semaphore_mem>>)
    %dma_wait3A_109 = arith.constant 16 : i32
    %dma_wait3A_110 = arith.constant 0 : i32
    %dma_wait3A_111 = tpu.memref_slice %arg4[%dma_wait3A_109, %dma_wait3A_110] : memref<112x1024xf32, #tpu.memory_space<vmem>> -> memref<16x1024xf32, #tpu.memory_space<vmem>>
    %dma_wait3A_112 = arith.constant 0 : i32
    %dma_wait3A_113 = tpu.memref_slice %arg2[%add3A_15, %dma_wait3A_112] : memref<8192x1024xf32, #tpu.memory_space<hbm>> -> memref<16x1024xf32, #tpu.memory_space<hbm>>
    %dma_wait3A_114 = arith.constant 16 : i32
    %dma_wait3A_115 = arith.constant 0 : i32
    %dma_wait3A_116 = tpu.memref_slice %arg4[%dma_wait3A_114, %dma_wait3A_115] : memref<112x1024xf32, #tpu.memory_space<vmem>> -> memref<16x1024xf32, #tpu.memory_space<vmem>>
    %dma_wait3A_117 = arith.constant 0 : i32
    %dma_wait3A_118 = tpu.memref_slice %arg2[%add3A_15, %dma_wait3A_117] : memref<8192x1024xf32, #tpu.memory_space<hbm>> -> memref<16x1024xf32, #tpu.memory_space<hbm>>
    tpu.wait_dma2 semaphore(%arg6 : memref<!tpu.dma_semaphore, #tpu.memory_space<semaphore_mem>>) src(%dma_wait3A_118 : memref<16x1024xf32, #tpu.memory_space<hbm>>) dst(%dma_wait3A_116 : memref<16x1024xf32, #tpu.memory_space<vmem>>)
    %parallel_loop3A_119 = arith.constant 0 : i32
    %parallel_loop3A_120 = arith.constant 16384 : i32
    %parallel_loop3A_121 = arith.constant 16 : i32
    scf.for %parallel_loop3A_752 = %parallel_loop3A_119 to %parallel_loop3A_120 step %parallel_loop3A_121  : i32 {
      %parallel_loop3A_753 = arith.constant 10 : i32
      %parallel_loop3A_754 = arith.shrsi %parallel_loop3A_752, %parallel_loop3A_753 : i32
      %parallel_loop3A_755 = arith.constant 16 : i32
      %parallel_loop3A_756 = arith.addi %parallel_loop3A_755, %parallel_loop3A_754 : i32
      %parallel_loop3A_757 = arith.constant 1023 : i32
      %parallel_loop3A_758 = arith.andi %parallel_loop3A_752, %parallel_loop3A_757 : i32
      %parallel_loop3A_759 = tpu.assume_multiple %parallel_loop3A_758, 16 : i32
      %parallel_loop3A_760 = arith.index_cast %parallel_loop3A_756 : i32 to index
      %parallel_loop3A_761 = arith.index_cast %parallel_loop3A_759 : i32 to index
      %parallel_loop3A_762 = tpu.vector_load %arg4[%parallel_loop3A_760, %parallel_loop3A_761] {strides = array<i32>} : memref<112x1024xf32, #tpu.memory_space<vmem>>, vector<1x16xf32>,
      %parallel_loop3A_763 = vector.shape_cast %parallel_loop3A_762 : vector<1x16xf32> to vector<16xf32>
      %parallel_loop3A_764 = arith.constant 3.125000e-02 : f32
      %parallel_loop3A_765 = vector.broadcast %parallel_loop3A_764 : f32 to vector<16xf32>
      %parallel_loop3A_766 = arith.mulf %parallel_loop3A_763, %parallel_loop3A_765 : vector<16xf32>
      %parallel_loop3A_767 = arith.index_cast %parallel_loop3A_756 : i32 to index
      %parallel_loop3A_768 = arith.index_cast %parallel_loop3A_759 : i32 to index
      %parallel_loop3A_769 = tpu.vector_load %arg4[%parallel_loop3A_767, %parallel_loop3A_768] {strides = array<i32>} : memref<112x1024xf32, #tpu.memory_space<vmem>>, vector<1x16xf32>,
      %parallel_loop3A_770 = vector.shape_cast %parallel_loop3A_769 : vector<1x16xf32> to vector<16xf32>
      %parallel_loop3A_771 = vector.shape_cast %parallel_loop3A_766 : vector<16xf32> to vector<1x16xf32>
      tpu.vector_store %arg4[%parallel_loop3A_767, %parallel_loop3A_768], %parallel_loop3A_771 {strides = array<i32>} : memref<112x1024xf32, #tpu.memory_space<vmem>>, vector<1x16xf32>,
    } {sc.loop_unroll_factor = 8 : i64, sc.parallel_access}
    %add3A_122 = arith.constant 16 : i32
    %add3A_123 = arith.addi %mul3A_2, %add3A_122 : i32
    %dma_start3A_124 = arith.constant 16 : i32
    %dma_start3A_125 = arith.constant 0 : i32
    %dma_start3A_126 = tpu.memref_slice %arg4[%dma_start3A_124, %dma_start3A_125] : memref<112x1024xf32, #tpu.memory_space<vmem>> -> memref<16x1024xf32, #tpu.memory_space<vmem>>
    %dma_start3A_127 = arith.constant 0 : i32
    %dma_start3A_128 = tpu.memref_slice %arg3[%add3A_123, %dma_start3A_127] : memref<8192x1024xf32, #tpu.memory_space<hbm>> -> memref<16x1024xf32, #tpu.memory_space<hbm>>
    %dma_start3A_129 = arith.constant 0 : i32
    %dma_start3A_130 = tpu.memref_slice %arg3[%add3A_123, %dma_start3A_129] : memref<8192x1024xf32, #tpu.memory_space<hbm>> -> memref<16x1024xf32, #tpu.memory_space<hbm>>
    %dma_start3A_131 = arith.constant 16 : i32
    %dma_start3A_132 = arith.constant 0 : i32
    %dma_start3A_133 = tpu.memref_slice %arg4[%dma_start3A_131, %dma_start3A_132] : memref<112x1024xf32, #tpu.memory_space<vmem>> -> memref<16x1024xf32, #tpu.memory_space<vmem>>
    tpu.enqueue_dma source(%dma_start3A_133 : memref<16x1024xf32, #tpu.memory_space<vmem>>) target(%dma_start3A_130 : memref<16x1024xf32, #tpu.memory_space<hbm>>) target_semaphore(%arg13 : memref<!tpu.dma_semaphore, #tpu.memory_space<semaphore_mem>>)
    %dma_wait3A_134 = arith.constant 0 : i32
    %dma_wait3A_135 = arith.constant 0 : i32
    %dma_wait3A_136 = tpu.memref_slice %arg4[%dma_wait3A_134, %dma_wait3A_135] : memref<112x1024xf32, #tpu.memory_space<vmem>> -> memref<16x1024xf32, #tpu.memory_space<vmem>>
    %dma_wait3A_137 = arith.constant 0 : i32
    %dma_wait3A_138 = tpu.memref_slice %arg3[%add3A_98, %dma_wait3A_137] : memref<8192x1024xf32, #tpu.memory_space<hbm>> -> memref<16x1024xf32, #tpu.memory_space<hbm>>
    %dma_wait3A_139 = arith.constant 0 : i32
    %dma_wait3A_140 = tpu.memref_slice %arg3[%add3A_98, %dma_wait3A_139] : memref<8192x1024xf32, #tpu.memory_space<hbm>> -> memref<16x1024xf32, #tpu.memory_space<hbm>>
    %dma_wait3A_141 = arith.constant 0 : i32
    %dma_wait3A_142 = arith.constant 0 : i32
    %dma_wait3A_143 = tpu.memref_slice %arg4[%dma_wait3A_141, %dma_wait3A_142] : memref<112x1024xf32, #tpu.memory_space<vmem>> -> memref<16x1024xf32, #tpu.memory_space<vmem>>
    tpu.wait_dma2 semaphore(%arg12 : memref<!tpu.dma_semaphore, #tpu.memory_space<semaphore_mem>>) src(%dma_wait3A_143 : memref<16x1024xf32, #tpu.memory_space<vmem>>) dst(%dma_wait3A_140 : memref<16x1024xf32, #tpu.memory_space<hbm>>)
    %add3A_144 = arith.constant 112 : i32
    %add3A_145 = arith.addi %mul3A_2, %add3A_144 : i32
    %dma_start3A_146 = arith.constant 0 : i32
    %dma_start3A_147 = arith.constant 0 : i32
    %dma_start3A_148 = tpu.memref_slice %arg4[%dma_start3A_146, %dma_start3A_147] : memref<112x1024xf32, #tpu.memory_space<vmem>> -> memref<16x1024xf32, #tpu.memory_space<vmem>>
    %dma_start3A_149 = arith.constant 0 : i32
    %dma_start3A_150 = tpu.memref_slice %arg2[%add3A_145, %dma_start3A_149] : memref<8192x1024xf32, #tpu.memory_space<hbm>> -> memref<16x1024xf32, #tpu.memory_space<hbm>>
    %dma_start3A_151 = arith.constant 0 : i32
    %dma_start3A_152 = arith.constant 0 : i32
    %dma_start3A_153 = tpu.memref_slice %arg4[%dma_start3A_151, %dma_start3A_152] : memref<112x1024xf32, #tpu.memory_space<vmem>> -> memref<16x1024xf32, #tpu.memory_space<vmem>>
    %dma_start3A_154 = arith.constant 0 : i32
    %dma_start3A_155 = tpu.memref_slice %arg2[%add3A_145, %dma_start3A_154] : memref<8192x1024xf32, #tpu.memory_space<hbm>> -> memref<16x1024xf32, #tpu.memory_space<hbm>>
    tpu.enqueue_dma source(%dma_start3A_155 : memref<16x1024xf32, #tpu.memory_space<hbm>>) target(%dma_start3A_153 : memref<16x1024xf32, #tpu.memory_space<vmem>>) target_semaphore(%arg5 : memref<!tpu.dma_semaphore, #tpu.memory_space<semaphore_mem>>)
    %dma_wait3A_156 = arith.constant 32 : i32
    %dma_wait3A_157 = arith.constant 0 : i32
    %dma_wait3A_158 = tpu.memref_slice %arg4[%dma_wait3A_156, %dma_wait3A_157] : memref<112x1024xf32, #tpu.memory_space<vmem>> -> memref<16x1024xf32, #tpu.memory_space<vmem>>
    %dma_wait3A_159 = arith.constant 0 : i32
    %dma_wait3A_160 = tpu.memref_slice %arg2[%add3A_27, %dma_wait3A_159] : memref<8192x1024xf32, #tpu.memory_space<hbm>> -> memref<16x1024xf32, #tpu.memory_space<hbm>>
    %dma_wait3A_161 = arith.constant 32 : i32
    %dma_wait3A_162 = arith.constant 0 : i32
    %dma_wait3A_163 = tpu.memref_slice %arg4[%dma_wait3A_161, %dma_wait3A_162] : memref<112x1024xf32, #tpu.memory_space<vmem>> -> memref<16x1024xf32, #tpu.memory_space<vmem>>
    %dma_wait3A_164 = arith.constant 0 : i32
    %dma_wait3A_165 = tpu.memref_slice %arg2[%add3A_27, %dma_wait3A_164] : memref<8192x1024xf32, #tpu.memory_space<hbm>> -> memref<16x1024xf32, #tpu.memory_space<hbm>>
    tpu.wait_dma2 semaphore(%arg7 : memref<!tpu.dma_semaphore, #tpu.memory_space<semaphore_mem>>) src(%dma_wait3A_165 : memref<16x1024xf32, #tpu.memory_space<hbm>>) dst(%dma_wait3A_163 : memref<16x1024xf32, #tpu.memory_space<vmem>>)
    %parallel_loop3A_166 = arith.constant 0 : i32
    %parallel_loop3A_167 = arith.constant 16384 : i32
    %parallel_loop3A_168 = arith.constant 16 : i32
    scf.for %parallel_loop3A_752 = %parallel_loop3A_166 to %parallel_loop3A_167 step %parallel_loop3A_168  : i32 {
      %parallel_loop3A_753 = arith.constant 10 : i32
      %parallel_loop3A_754 = arith.shrsi %parallel_loop3A_752, %parallel_loop3A_753 : i32
      %parallel_loop3A_755 = arith.constant 32 : i32
      %parallel_loop3A_756 = arith.addi %parallel_loop3A_755, %parallel_loop3A_754 : i32
      %parallel_loop3A_757 = arith.constant 1023 : i32
      %parallel_loop3A_758 = arith.andi %parallel_loop3A_752, %parallel_loop3A_757 : i32
      %parallel_loop3A_759 = tpu.assume_multiple %parallel_loop3A_758, 16 : i32
      %parallel_loop3A_760 = arith.index_cast %parallel_loop3A_756 : i32 to index
      %parallel_loop3A_761 = arith.index_cast %parallel_loop3A_759 : i32 to index
      %parallel_loop3A_762 = tpu.vector_load %arg4[%parallel_loop3A_760, %parallel_loop3A_761] {strides = array<i32>} : memref<112x1024xf32, #tpu.memory_space<vmem>>, vector<1x16xf32>,
      %parallel_loop3A_763 = vector.shape_cast %parallel_loop3A_762 : vector<1x16xf32> to vector<16xf32>
      %parallel_loop3A_764 = arith.constant 3.125000e-02 : f32
      %parallel_loop3A_765 = vector.broadcast %parallel_loop3A_764 : f32 to vector<16xf32>
      %parallel_loop3A_766 = arith.mulf %parallel_loop3A_763, %parallel_loop3A_765 : vector<16xf32>
      %parallel_loop3A_767 = arith.index_cast %parallel_loop3A_756 : i32 to index
      %parallel_loop3A_768 = arith.index_cast %parallel_loop3A_759 : i32 to index
      %parallel_loop3A_769 = tpu.vector_load %arg4[%parallel_loop3A_767, %parallel_loop3A_768] {strides = array<i32>} : memref<112x1024xf32, #tpu.memory_space<vmem>>, vector<1x16xf32>,
      %parallel_loop3A_770 = vector.shape_cast %parallel_loop3A_769 : vector<1x16xf32> to vector<16xf32>
      %parallel_loop3A_771 = vector.shape_cast %parallel_loop3A_766 : vector<16xf32> to vector<1x16xf32>
      tpu.vector_store %arg4[%parallel_loop3A_767, %parallel_loop3A_768], %parallel_loop3A_771 {strides = array<i32>} : memref<112x1024xf32, #tpu.memory_space<vmem>>, vector<1x16xf32>,
    } {sc.loop_unroll_factor = 8 : i64, sc.parallel_access}
    %add3A_169 = arith.constant 32 : i32
    %add3A_170 = arith.addi %mul3A_2, %add3A_169 : i32
    %dma_start3A_171 = arith.constant 32 : i32
    %dma_start3A_172 = arith.constant 0 : i32
    %dma_start3A_173 = tpu.memref_slice %arg4[%dma_start3A_171, %dma_start3A_172] : memref<112x1024xf32, #tpu.memory_space<vmem>> -> memref<16x1024xf32, #tpu.memory_space<vmem>>
    %dma_start3A_174 = arith.constant 0 : i32
    %dma_start3A_175 = tpu.memref_slice %arg3[%add3A_170, %dma_start3A_174] : memref<8192x1024xf32, #tpu.memory_space<hbm>> -> memref<16x1024xf32, #tpu.memory_space<hbm>>
    %dma_start3A_176 = arith.constant 0 : i32
    %dma_start3A_177 = tpu.memref_slice %arg3[%add3A_170, %dma_start3A_176] : memref<8192x1024xf32, #tpu.memory_space<hbm>> -> memref<16x1024xf32, #tpu.memory_space<hbm>>
    %dma_start3A_178 = arith.constant 32 : i32
    %dma_start3A_179 = arith.constant 0 : i32
    %dma_start3A_180 = tpu.memref_slice %arg4[%dma_start3A_178, %dma_start3A_179] : memref<112x1024xf32, #tpu.memory_space<vmem>> -> memref<16x1024xf32, #tpu.memory_space<vmem>>
    tpu.enqueue_dma source(%dma_start3A_180 : memref<16x1024xf32, #tpu.memory_space<vmem>>) target(%dma_start3A_177 : memref<16x1024xf32, #tpu.memory_space<hbm>>) target_semaphore(%arg14 : memref<!tpu.dma_semaphore, #tpu.memory_space<semaphore_mem>>)
    %dma_wait3A_181 = arith.constant 16 : i32
    %dma_wait3A_182 = arith.constant 0 : i32
    %dma_wait3A_183 = tpu.memref_slice %arg4[%dma_wait3A_181, %dma_wait3A_182] : memref<112x1024xf32, #tpu.memory_space<vmem>> -> memref<16x1024xf32, #tpu.memory_space<vmem>>
    %dma_wait3A_184 = arith.constant 0 : i32
    %dma_wait3A_185 = tpu.memref_slice %arg3[%add3A_123, %dma_wait3A_184] : memref<8192x1024xf32, #tpu.memory_space<hbm>> -> memref<16x1024xf32, #tpu.memory_space<hbm>>
    %dma_wait3A_186 = arith.constant 0 : i32
    %dma_wait3A_187 = tpu.memref_slice %arg3[%add3A_123, %dma_wait3A_186] : memref<8192x1024xf32, #tpu.memory_space<hbm>> -> memref<16x1024xf32, #tpu.memory_space<hbm>>
    %dma_wait3A_188 = arith.constant 16 : i32
    %dma_wait3A_189 = arith.constant 0 : i32
    %dma_wait3A_190 = tpu.memref_slice %arg4[%dma_wait3A_188, %dma_wait3A_189] : memref<112x1024xf32, #tpu.memory_space<vmem>> -> memref<16x1024xf32, #tpu.memory_space<vmem>>
    tpu.wait_dma2 semaphore(%arg13 : memref<!tpu.dma_semaphore, #tpu.memory_space<semaphore_mem>>) src(%dma_wait3A_190 : memref<16x1024xf32, #tpu.memory_space<vmem>>) dst(%dma_wait3A_187 : memref<16x1024xf32, #tpu.memory_space<hbm>>)
    %add3A_191 = arith.constant 128 : i32
    %add3A_192 = arith.addi %mul3A_2, %add3A_191 : i32
    %dma_start3A_193 = arith.constant 16 : i32
    %dma_start3A_194 = arith.constant 0 : i32
    %dma_start3A_195 = tpu.memref_slice %arg4[%dma_start3A_193, %dma_start3A_194] : memref<112x1024xf32, #tpu.memory_space<vmem>> -> memref<16x1024xf32, #tpu.memory_space<vmem>>
    %dma_start3A_196 = arith.constant 0 : i32
    %dma_start3A_197 = tpu.memref_slice %arg2[%add3A_192, %dma_start3A_196] : memref<8192x1024xf32, #tpu.memory_space<hbm>> -> memref<16x1024xf32, #tpu.memory_space<hbm>>
    %dma_start3A_198 = arith.constant 16 : i32
    %dma_start3A_199 = arith.constant 0 : i32
    %dma_start3A_200 = tpu.memref_slice %arg4[%dma_start3A_198, %dma_start3A_199] : memref<112x1024xf32, #tpu.memory_space<vmem>> -> memref<16x1024xf32, #tpu.memory_space<vmem>>
    %dma_start3A_201 = arith.constant 0 : i32
    %dma_start3A_202 = tpu.memref_slice %arg2[%add3A_192, %dma_start3A_201] : memref<8192x1024xf32, #tpu.memory_space<hbm>> -> memref<16x1024xf32, #tpu.memory_space<hbm>>
    tpu.enqueue_dma source(%dma_start3A_202 : memref<16x1024xf32, #tpu.memory_space<hbm>>) target(%dma_start3A_200 : memref<16x1024xf32, #tpu.memory_space<vmem>>) target_semaphore(%arg6 : memref<!tpu.dma_semaphore, #tpu.memory_space<semaphore_mem>>)
    %dma_wait3A_203 = arith.constant 48 : i32
    %dma_wait3A_204 = arith.constant 0 : i32
    %dma_wait3A_205 = tpu.memref_slice %arg4[%dma_wait3A_203, %dma_wait3A_204] : memref<112x1024xf32, #tpu.memory_space<vmem>> -> memref<16x1024xf32, #tpu.memory_space<vmem>>
    %dma_wait3A_206 = arith.constant 0 : i32
    %dma_wait3A_207 = tpu.memref_slice %arg2[%add3A_39, %dma_wait3A_206] : memref<8192x1024xf32, #tpu.memory_space<hbm>> -> memref<16x1024xf32, #tpu.memory_space<hbm>>
    %dma_wait3A_208 = arith.constant 48 : i32
    %dma_wait3A_209 = arith.constant 0 : i32
    %dma_wait3A_210 = tpu.memref_slice %arg4[%dma_wait3A_208, %dma_wait3A_209] : memref<112x1024xf32, #tpu.memory_space<vmem>> -> memref<16x1024xf32, #tpu.memory_space<vmem>>
    %dma_wait3A_211 = arith.constant 0 : i32
    %dma_wait3A_212 = tpu.memref_slice %arg2[%add3A_39, %dma_wait3A_211] : memref<8192x1024xf32, #tpu.memory_space<hbm>> -> memref<16x1024xf32, #tpu.memory_space<hbm>>
    tpu.wait_dma2 semaphore(%arg8 : memref<!tpu.dma_semaphore, #tpu.memory_space<semaphore_mem>>) src(%dma_wait3A_212 : memref<16x1024xf32, #tpu.memory_space<hbm>>) dst(%dma_wait3A_210 : memref<16x1024xf32, #tpu.memory_space<vmem>>)
    %parallel_loop3A_213 = arith.constant 0 : i32
    %parallel_loop3A_214 = arith.constant 16384 : i32
    %parallel_loop3A_215 = arith.constant 16 : i32
    scf.for %parallel_loop3A_752 = %parallel_loop3A_213 to %parallel_loop3A_214 step %parallel_loop3A_215  : i32 {
      %parallel_loop3A_753 = arith.constant 10 : i32
      %parallel_loop3A_754 = arith.shrsi %parallel_loop3A_752, %parallel_loop3A_753 : i32
      %parallel_loop3A_755 = arith.constant 48 : i32
      %parallel_loop3A_756 = arith.addi %parallel_loop3A_755, %parallel_loop3A_754 : i32
      %parallel_loop3A_757 = arith.constant 1023 : i32
      %parallel_loop3A_758 = arith.andi %parallel_loop3A_752, %parallel_loop3A_757 : i32
      %parallel_loop3A_759 = tpu.assume_multiple %parallel_loop3A_758, 16 : i32
      %parallel_loop3A_760 = arith.index_cast %parallel_loop3A_756 : i32 to index
      %parallel_loop3A_761 = arith.index_cast %parallel_loop3A_759 : i32 to index
      %parallel_loop3A_762 = tpu.vector_load %arg4[%parallel_loop3A_760, %parallel_loop3A_761] {strides = array<i32>} : memref<112x1024xf32, #tpu.memory_space<vmem>>, vector<1x16xf32>,
      %parallel_loop3A_763 = vector.shape_cast %parallel_loop3A_762 : vector<1x16xf32> to vector<16xf32>
      %parallel_loop3A_764 = arith.constant 3.125000e-02 : f32
      %parallel_loop3A_765 = vector.broadcast %parallel_loop3A_764 : f32 to vector<16xf32>
      %parallel_loop3A_766 = arith.mulf %parallel_loop3A_763, %parallel_loop3A_765 : vector<16xf32>
      %parallel_loop3A_767 = arith.index_cast %parallel_loop3A_756 : i32 to index
      %parallel_loop3A_768 = arith.index_cast %parallel_loop3A_759 : i32 to index
      %parallel_loop3A_769 = tpu.vector_load %arg4[%parallel_loop3A_767, %parallel_loop3A_768] {strides = array<i32>} : memref<112x1024xf32, #tpu.memory_space<vmem>>, vector<1x16xf32>,
      %parallel_loop3A_770 = vector.shape_cast %parallel_loop3A_769 : vector<1x16xf32> to vector<16xf32>
      %parallel_loop3A_771 = vector.shape_cast %parallel_loop3A_766 : vector<16xf32> to vector<1x16xf32>
      tpu.vector_store %arg4[%parallel_loop3A_767, %parallel_loop3A_768], %parallel_loop3A_771 {strides = array<i32>} : memref<112x1024xf32, #tpu.memory_space<vmem>>, vector<1x16xf32>,
    } {sc.loop_unroll_factor = 8 : i64, sc.parallel_access}
    %add3A_216 = arith.constant 48 : i32
    %add3A_217 = arith.addi %mul3A_2, %add3A_216 : i32
    %dma_start3A_218 = arith.constant 48 : i32
    %dma_start3A_219 = arith.constant 0 : i32
    %dma_start3A_220 = tpu.memref_slice %arg4[%dma_start3A_218, %dma_start3A_219] : memref<112x1024xf32, #tpu.memory_space<vmem>> -> memref<16x1024xf32, #tpu.memory_space<vmem>>
    %dma_start3A_221 = arith.constant 0 : i32
    %dma_start3A_222 = tpu.memref_slice %arg3[%add3A_217, %dma_start3A_221] : memref<8192x1024xf32, #tpu.memory_space<hbm>> -> memref<16x1024xf32, #tpu.memory_space<hbm>>
    %dma_start3A_223 = arith.constant 0 : i32
    %dma_start3A_224 = tpu.memref_slice %arg3[%add3A_217, %dma_start3A_223] : memref<8192x1024xf32, #tpu.memory_space<hbm>> -> memref<16x1024xf32, #tpu.memory_space<hbm>>
    %dma_start3A_225 = arith.constant 48 : i32
    %dma_start3A_226 = arith.constant 0 : i32
    %dma_start3A_227 = tpu.memref_slice %arg4[%dma_start3A_225, %dma_start3A_226] : memref<112x1024xf32, #tpu.memory_space<vmem>> -> memref<16x1024xf32, #tpu.memory_space<vmem>>
    tpu.enqueue_dma source(%dma_start3A_227 : memref<16x1024xf32, #tpu.memory_space<vmem>>) target(%dma_start3A_224 : memref<16x1024xf32, #tpu.memory_space<hbm>>) target_semaphore(%arg15 : memref<!tpu.dma_semaphore, #tpu.memory_space<semaphore_mem>>)
    %dma_wait3A_228 = arith.constant 32 : i32
    %dma_wait3A_229 = arith.constant 0 : i32
    %dma_wait3A_230 = tpu.memref_slice %arg4[%dma_wait3A_228, %dma_wait3A_229] : memref<112x1024xf32, #tpu.memory_space<vmem>> -> memref<16x1024xf32, #tpu.memory_space<vmem>>
    %dma_wait3A_231 = arith.constant 0 : i32
    %dma_wait3A_232 = tpu.memref_slice %arg3[%add3A_170, %dma_wait3A_231] : memref<8192x1024xf32, #tpu.memory_space<hbm>> -> memref<16x1024xf32, #tpu.memory_space<hbm>>
    %dma_wait3A_233 = arith.constant 0 : i32
    %dma_wait3A_234 = tpu.memref_slice %arg3[%add3A_170, %dma_wait3A_233] : memref<8192x1024xf32, #tpu.memory_space<hbm>> -> memref<16x1024xf32, #tpu.memory_space<hbm>>
    %dma_wait3A_235 = arith.constant 32 : i32
    %dma_wait3A_236 = arith.constant 0 : i32
    %dma_wait3A_237 = tpu.memref_slice %arg4[%dma_wait3A_235, %dma_wait3A_236] : memref<112x1024xf32, #tpu.memory_space<vmem>> -> memref<16x1024xf32, #tpu.memory_space<vmem>>
    tpu.wait_dma2 semaphore(%arg14 : memref<!tpu.dma_semaphore, #tpu.memory_space<semaphore_mem>>) src(%dma_wait3A_237 : memref<16x1024xf32, #tpu.memory_space<vmem>>) dst(%dma_wait3A_234 : memref<16x1024xf32, #tpu.memory_space<hbm>>)
    %add3A_238 = arith.constant 144 : i32
    %add3A_239 = arith.addi %mul3A_2, %add3A_238 : i32
    %dma_start3A_240 = arith.constant 32 : i32
    %dma_start3A_241 = arith.constant 0 : i32
    %dma_start3A_242 = tpu.memref_slice %arg4[%dma_start3A_240, %dma_start3A_241] : memref<112x1024xf32, #tpu.memory_space<vmem>> -> memref<16x1024xf32, #tpu.memory_space<vmem>>
    %dma_start3A_243 = arith.constant 0 : i32
    %dma_start3A_244 = tpu.memref_slice %arg2[%add3A_239, %dma_start3A_243] : memref<8192x1024xf32, #tpu.memory_space<hbm>> -> memref<16x1024xf32, #tpu.memory_space<hbm>>
    %dma_start3A_245 = arith.constant 32 : i32
    %dma_start3A_246 = arith.constant 0 : i32
    %dma_start3A_247 = tpu.memref_slice %arg4[%dma_start3A_245, %dma_start3A_246] : memref<112x1024xf32, #tpu.memory_space<vmem>> -> memref<16x1024xf32, #tpu.memory_space<vmem>>
    %dma_start3A_248 = arith.constant 0 : i32
    %dma_start3A_249 = tpu.memref_slice %arg2[%add3A_239, %dma_start3A_248] : memref<8192x1024xf32, #tpu.memory_space<hbm>> -> memref<16x1024xf32, #tpu.memory_space<hbm>>
    tpu.enqueue_dma source(%dma_start3A_249 : memref<16x1024xf32, #tpu.memory_space<hbm>>) target(%dma_start3A_247 : memref<16x1024xf32, #tpu.memory_space<vmem>>) target_semaphore(%arg7 : memref<!tpu.dma_semaphore, #tpu.memory_space<semaphore_mem>>)
    %dma_wait3A_250 = arith.constant 64 : i32
    %dma_wait3A_251 = arith.constant 0 : i32
    %dma_wait3A_252 = tpu.memref_slice %arg4[%dma_wait3A_250, %dma_wait3A_251] : memref<112x1024xf32, #tpu.memory_space<vmem>> -> memref<16x1024xf32, #tpu.memory_space<vmem>>
    %dma_wait3A_253 = arith.constant 0 : i32
    %dma_wait3A_254 = tpu.memref_slice %arg2[%add3A_51, %dma_wait3A_253] : memref<8192x1024xf32, #tpu.memory_space<hbm>> -> memref<16x1024xf32, #tpu.memory_space<hbm>>
    %dma_wait3A_255 = arith.constant 64 : i32
    %dma_wait3A_256 = arith.constant 0 : i32
    %dma_wait3A_257 = tpu.memref_slice %arg4[%dma_wait3A_255, %dma_wait3A_256] : memref<112x1024xf32, #tpu.memory_space<vmem>> -> memref<16x1024xf32, #tpu.memory_space<vmem>>
    %dma_wait3A_258 = arith.constant 0 : i32
    %dma_wait3A_259 = tpu.memref_slice %arg2[%add3A_51, %dma_wait3A_258] : memref<8192x1024xf32, #tpu.memory_space<hbm>> -> memref<16x1024xf32, #tpu.memory_space<hbm>>
    tpu.wait_dma2 semaphore(%arg9 : memref<!tpu.dma_semaphore, #tpu.memory_space<semaphore_mem>>) src(%dma_wait3A_259 : memref<16x1024xf32, #tpu.memory_space<hbm>>) dst(%dma_wait3A_257 : memref<16x1024xf32, #tpu.memory_space<vmem>>)
    %parallel_loop3A_260 = arith.constant 0 : i32
    %parallel_loop3A_261 = arith.constant 16384 : i32
    %parallel_loop3A_262 = arith.constant 16 : i32
    scf.for %parallel_loop3A_752 = %parallel_loop3A_260 to %parallel_loop3A_261 step %parallel_loop3A_262  : i32 {
      %parallel_loop3A_753 = arith.constant 10 : i32
      %parallel_loop3A_754 = arith.shrsi %parallel_loop3A_752, %parallel_loop3A_753 : i32
      %parallel_loop3A_755 = arith.constant 64 : i32
      %parallel_loop3A_756 = arith.addi %parallel_loop3A_755, %parallel_loop3A_754 : i32
      %parallel_loop3A_757 = arith.constant 1023 : i32
      %parallel_loop3A_758 = arith.andi %parallel_loop3A_752, %parallel_loop3A_757 : i32
      %parallel_loop3A_759 = tpu.assume_multiple %parallel_loop3A_758, 16 : i32
      %parallel_loop3A_760 = arith.index_cast %parallel_loop3A_756 : i32 to index
      %parallel_loop3A_761 = arith.index_cast %parallel_loop3A_759 : i32 to index
      %parallel_loop3A_762 = tpu.vector_load %arg4[%parallel_loop3A_760, %parallel_loop3A_761] {strides = array<i32>} : memref<112x1024xf32, #tpu.memory_space<vmem>>, vector<1x16xf32>,
      %parallel_loop3A_763 = vector.shape_cast %parallel_loop3A_762 : vector<1x16xf32> to vector<16xf32>
      %parallel_loop3A_764 = arith.constant 3.125000e-02 : f32
      %parallel_loop3A_765 = vector.broadcast %parallel_loop3A_764 : f32 to vector<16xf32>
      %parallel_loop3A_766 = arith.mulf %parallel_loop3A_763, %parallel_loop3A_765 : vector<16xf32>
      %parallel_loop3A_767 = arith.index_cast %parallel_loop3A_756 : i32 to index
      %parallel_loop3A_768 = arith.index_cast %parallel_loop3A_759 : i32 to index
      %parallel_loop3A_769 = tpu.vector_load %arg4[%parallel_loop3A_767, %parallel_loop3A_768] {strides = array<i32>} : memref<112x1024xf32, #tpu.memory_space<vmem>>, vector<1x16xf32>,
      %parallel_loop3A_770 = vector.shape_cast %parallel_loop3A_769 : vector<1x16xf32> to vector<16xf32>
      %parallel_loop3A_771 = vector.shape_cast %parallel_loop3A_766 : vector<16xf32> to vector<1x16xf32>
      tpu.vector_store %arg4[%parallel_loop3A_767, %parallel_loop3A_768], %parallel_loop3A_771 {strides = array<i32>} : memref<112x1024xf32, #tpu.memory_space<vmem>>, vector<1x16xf32>,
    } {sc.loop_unroll_factor = 8 : i64, sc.parallel_access}
    %add3A_263 = arith.constant 64 : i32
    %add3A_264 = arith.addi %mul3A_2, %add3A_263 : i32
    %dma_start3A_265 = arith.constant 64 : i32
    %dma_start3A_266 = arith.constant 0 : i32
    %dma_start3A_267 = tpu.memref_slice %arg4[%dma_start3A_265, %dma_start3A_266] : memref<112x1024xf32, #tpu.memory_space<vmem>> -> memref<16x1024xf32, #tpu.memory_space<vmem>>
    %dma_start3A_268 = arith.constant 0 : i32
    %dma_start3A_269 = tpu.memref_slice %arg3[%add3A_264, %dma_start3A_268] : memref<8192x1024xf32, #tpu.memory_space<hbm>> -> memref<16x1024xf32, #tpu.memory_space<hbm>>
    %dma_start3A_270 = arith.constant 0 : i32
    %dma_start3A_271 = tpu.memref_slice %arg3[%add3A_264, %dma_start3A_270] : memref<8192x1024xf32, #tpu.memory_space<hbm>> -> memref<16x1024xf32, #tpu.memory_space<hbm>>
    %dma_start3A_272 = arith.constant 64 : i32
    %dma_start3A_273 = arith.constant 0 : i32
    %dma_start3A_274 = tpu.memref_slice %arg4[%dma_start3A_272, %dma_start3A_273] : memref<112x1024xf32, #tpu.memory_space<vmem>> -> memref<16x1024xf32, #tpu.memory_space<vmem>>
    tpu.enqueue_dma source(%dma_start3A_274 : memref<16x1024xf32, #tpu.memory_space<vmem>>) target(%dma_start3A_271 : memref<16x1024xf32, #tpu.memory_space<hbm>>) target_semaphore(%arg16 : memref<!tpu.dma_semaphore, #tpu.memory_space<semaphore_mem>>)
    %dma_wait3A_275 = arith.constant 48 : i32
    %dma_wait3A_276 = arith.constant 0 : i32
    %dma_wait3A_277 = tpu.memref_slice %arg4[%dma_wait3A_275, %dma_wait3A_276] : memref<112x1024xf32, #tpu.memory_space<vmem>> -> memref<16x1024xf32, #tpu.memory_space<vmem>>
    %dma_wait3A_278 = arith.constant 0 : i32
    %dma_wait3A_279 = tpu.memref_slice %arg3[%add3A_217, %dma_wait3A_278] : memref<8192x1024xf32, #tpu.memory_space<hbm>> -> memref<16x1024xf32, #tpu.memory_space<hbm>>
    %dma_wait3A_280 = arith.constant 0 : i32
    %dma_wait3A_281 = tpu.memref_slice %arg3[%add3A_217, %dma_wait3A_280] : memref<8192x1024xf32, #tpu.memory_space<hbm>> -> memref<16x1024xf32, #tpu.memory_space<hbm>>
    %dma_wait3A_282 = arith.constant 48 : i32
    %dma_wait3A_283 = arith.constant 0 : i32
    %dma_wait3A_284 = tpu.memref_slice %arg4[%dma_wait3A_282, %dma_wait3A_283] : memref<112x1024xf32, #tpu.memory_space<vmem>> -> memref<16x1024xf32, #tpu.memory_space<vmem>>
    tpu.wait_dma2 semaphore(%arg15 : memref<!tpu.dma_semaphore, #tpu.memory_space<semaphore_mem>>) src(%dma_wait3A_284 : memref<16x1024xf32, #tpu.memory_space<vmem>>) dst(%dma_wait3A_281 : memref<16x1024xf32, #tpu.memory_space<hbm>>)
    %add3A_285 = arith.constant 160 : i32
    %add3A_286 = arith.addi %mul3A_2, %add3A_285 : i32
    %dma_start3A_287 = arith.constant 48 : i32
    %dma_start3A_288 = arith.constant 0 : i32
    %dma_start3A_289 = tpu.memref_slice %arg4[%dma_start3A_287, %dma_start3A_288] : memref<112x1024xf32, #tpu.memory_space<vmem>> -> memref<16x1024xf32, #tpu.memory_space<vmem>>
    %dma_start3A_290 = arith.constant 0 : i32
    %dma_start3A_291 = tpu.memref_slice %arg2[%add3A_286, %dma_start3A_290] : memref<8192x1024xf32, #tpu.memory_space<hbm>> -> memref<16x1024xf32, #tpu.memory_space<hbm>>
    %dma_start3A_292 = arith.constant 48 : i32
    %dma_start3A_293 = arith.constant 0 : i32
    %dma_start3A_294 = tpu.memref_slice %arg4[%dma_start3A_292, %dma_start3A_293] : memref<112x1024xf32, #tpu.memory_space<vmem>> -> memref<16x1024xf32, #tpu.memory_space<vmem>>
    %dma_start3A_295 = arith.constant 0 : i32
    %dma_start3A_296 = tpu.memref_slice %arg2[%add3A_286, %dma_start3A_295] : memref<8192x1024xf32, #tpu.memory_space<hbm>> -> memref<16x1024xf32, #tpu.memory_space<hbm>>
    tpu.enqueue_dma source(%dma_start3A_296 : memref<16x1024xf32, #tpu.memory_space<hbm>>) target(%dma_start3A_294 : memref<16x1024xf32, #tpu.memory_space<vmem>>) target_semaphore(%arg8 : memref<!tpu.dma_semaphore, #tpu.memory_space<semaphore_mem>>)
    %dma_wait3A_297 = arith.constant 80 : i32
    %dma_wait3A_298 = arith.constant 0 : i32
    %dma_wait3A_299 = tpu.memref_slice %arg4[%dma_wait3A_297, %dma_wait3A_298] : memref<112x1024xf32, #tpu.memory_space<vmem>> -> memref<16x1024xf32, #tpu.memory_space<vmem>>
    %dma_wait3A_300 = arith.constant 0 : i32
    %dma_wait3A_301 = tpu.memref_slice %arg2[%add3A_63, %dma_wait3A_300] : memref<8192x1024xf32, #tpu.memory_space<hbm>> -> memref<16x1024xf32, #tpu.memory_space<hbm>>
    %dma_wait3A_302 = arith.constant 80 : i32
    %dma_wait3A_303 = arith.constant 0 : i32
    %dma_wait3A_304 = tpu.memref_slice %arg4[%dma_wait3A_302, %dma_wait3A_303] : memref<112x1024xf32, #tpu.memory_space<vmem>> -> memref<16x1024xf32, #tpu.memory_space<vmem>>
    %dma_wait3A_305 = arith.constant 0 : i32
    %dma_wait3A_306 = tpu.memref_slice %arg2[%add3A_63, %dma_wait3A_305] : memref<8192x1024xf32, #tpu.memory_space<hbm>> -> memref<16x1024xf32, #tpu.memory_space<hbm>>
    tpu.wait_dma2 semaphore(%arg10 : memref<!tpu.dma_semaphore, #tpu.memory_space<semaphore_mem>>) src(%dma_wait3A_306 : memref<16x1024xf32, #tpu.memory_space<hbm>>) dst(%dma_wait3A_304 : memref<16x1024xf32, #tpu.memory_space<vmem>>)
    %parallel_loop3A_307 = arith.constant 0 : i32
    %parallel_loop3A_308 = arith.constant 16384 : i32
    %parallel_loop3A_309 = arith.constant 16 : i32
    scf.for %parallel_loop3A_752 = %parallel_loop3A_307 to %parallel_loop3A_308 step %parallel_loop3A_309  : i32 {
      %parallel_loop3A_753 = arith.constant 10 : i32
      %parallel_loop3A_754 = arith.shrsi %parallel_loop3A_752, %parallel_loop3A_753 : i32
      %parallel_loop3A_755 = arith.constant 80 : i32
      %parallel_loop3A_756 = arith.addi %parallel_loop3A_755, %parallel_loop3A_754 : i32
      %parallel_loop3A_757 = arith.constant 1023 : i32
      %parallel_loop3A_758 = arith.andi %parallel_loop3A_752, %parallel_loop3A_757 : i32
      %parallel_loop3A_759 = tpu.assume_multiple %parallel_loop3A_758, 16 : i32
      %parallel_loop3A_760 = arith.index_cast %parallel_loop3A_756 : i32 to index
      %parallel_loop3A_761 = arith.index_cast %parallel_loop3A_759 : i32 to index
      %parallel_loop3A_762 = tpu.vector_load %arg4[%parallel_loop3A_760, %parallel_loop3A_761] {strides = array<i32>} : memref<112x1024xf32, #tpu.memory_space<vmem>>, vector<1x16xf32>,
      %parallel_loop3A_763 = vector.shape_cast %parallel_loop3A_762 : vector<1x16xf32> to vector<16xf32>
      %parallel_loop3A_764 = arith.constant 3.125000e-02 : f32
      %parallel_loop3A_765 = vector.broadcast %parallel_loop3A_764 : f32 to vector<16xf32>
      %parallel_loop3A_766 = arith.mulf %parallel_loop3A_763, %parallel_loop3A_765 : vector<16xf32>
      %parallel_loop3A_767 = arith.index_cast %parallel_loop3A_756 : i32 to index
      %parallel_loop3A_768 = arith.index_cast %parallel_loop3A_759 : i32 to index
      %parallel_loop3A_769 = tpu.vector_load %arg4[%parallel_loop3A_767, %parallel_loop3A_768] {strides = array<i32>} : memref<112x1024xf32, #tpu.memory_space<vmem>>, vector<1x16xf32>,
      %parallel_loop3A_770 = vector.shape_cast %parallel_loop3A_769 : vector<1x16xf32> to vector<16xf32>
      %parallel_loop3A_771 = vector.shape_cast %parallel_loop3A_766 : vector<16xf32> to vector<1x16xf32>
      tpu.vector_store %arg4[%parallel_loop3A_767, %parallel_loop3A_768], %parallel_loop3A_771 {strides = array<i32>} : memref<112x1024xf32, #tpu.memory_space<vmem>>, vector<1x16xf32>,
    } {sc.loop_unroll_factor = 8 : i64, sc.parallel_access}
    %add3A_310 = arith.constant 80 : i32
    %add3A_311 = arith.addi %mul3A_2, %add3A_310 : i32
    %dma_start3A_312 = arith.constant 80 : i32
    %dma_start3A_313 = arith.constant 0 : i32
    %dma_start3A_314 = tpu.memref_slice %arg4[%dma_start3A_312, %dma_start3A_313] : memref<112x1024xf32, #tpu.memory_space<vmem>> -> memref<16x1024xf32, #tpu.memory_space<vmem>>
    %dma_start3A_315 = arith.constant 0 : i32
    %dma_start3A_316 = tpu.memref_slice %arg3[%add3A_311, %dma_start3A_315] : memref<8192x1024xf32, #tpu.memory_space<hbm>> -> memref<16x1024xf32, #tpu.memory_space<hbm>>
    %dma_start3A_317 = arith.constant 0 : i32
    %dma_start3A_318 = tpu.memref_slice %arg3[%add3A_311, %dma_start3A_317] : memref<8192x1024xf32, #tpu.memory_space<hbm>> -> memref<16x1024xf32, #tpu.memory_space<hbm>>
    %dma_start3A_319 = arith.constant 80 : i32
    %dma_start3A_320 = arith.constant 0 : i32
    %dma_start3A_321 = tpu.memref_slice %arg4[%dma_start3A_319, %dma_start3A_320] : memref<112x1024xf32, #tpu.memory_space<vmem>> -> memref<16x1024xf32, #tpu.memory_space<vmem>>
    tpu.enqueue_dma source(%dma_start3A_321 : memref<16x1024xf32, #tpu.memory_space<vmem>>) target(%dma_start3A_318 : memref<16x1024xf32, #tpu.memory_space<hbm>>) target_semaphore(%arg17 : memref<!tpu.dma_semaphore, #tpu.memory_space<semaphore_mem>>)
    %dma_wait3A_322 = arith.constant 64 : i32
    %dma_wait3A_323 = arith.constant 0 : i32
    %dma_wait3A_324 = tpu.memref_slice %arg4[%dma_wait3A_322, %dma_wait3A_323] : memref<112x1024xf32, #tpu.memory_space<vmem>> -> memref<16x1024xf32, #tpu.memory_space<vmem>>
    %dma_wait3A_325 = arith.constant 0 : i32
    %dma_wait3A_326 = tpu.memref_slice %arg3[%add3A_264, %dma_wait3A_325] : memref<8192x1024xf32, #tpu.memory_space<hbm>> -> memref<16x1024xf32, #tpu.memory_space<hbm>>
    %dma_wait3A_327 = arith.constant 0 : i32
    %dma_wait3A_328 = tpu.memref_slice %arg3[%add3A_264, %dma_wait3A_327] : memref<8192x1024xf32, #tpu.memory_space<hbm>> -> memref<16x1024xf32, #tpu.memory_space<hbm>>
    %dma_wait3A_329 = arith.constant 64 : i32
    %dma_wait3A_330 = arith.constant 0 : i32
    %dma_wait3A_331 = tpu.memref_slice %arg4[%dma_wait3A_329, %dma_wait3A_330] : memref<112x1024xf32, #tpu.memory_space<vmem>> -> memref<16x1024xf32, #tpu.memory_space<vmem>>
    tpu.wait_dma2 semaphore(%arg16 : memref<!tpu.dma_semaphore, #tpu.memory_space<semaphore_mem>>) src(%dma_wait3A_331 : memref<16x1024xf32, #tpu.memory_space<vmem>>) dst(%dma_wait3A_328 : memref<16x1024xf32, #tpu.memory_space<hbm>>)
    %add3A_332 = arith.constant 176 : i32
    %add3A_333 = arith.addi %mul3A_2, %add3A_332 : i32
    %dma_start3A_334 = arith.constant 64 : i32
    %dma_start3A_335 = arith.constant 0 : i32
    %dma_start3A_336 = tpu.memref_slice %arg4[%dma_start3A_334, %dma_start3A_335] : memref<112x1024xf32, #tpu.memory_space<vmem>> -> memref<16x1024xf32, #tpu.memory_space<vmem>>
    %dma_start3A_337 = arith.constant 0 : i32
    %dma_start3A_338 = tpu.memref_slice %arg2[%add3A_333, %dma_start3A_337] : memref<8192x1024xf32, #tpu.memory_space<hbm>> -> memref<16x1024xf32, #tpu.memory_space<hbm>>
    %dma_start3A_339 = arith.constant 64 : i32
    %dma_start3A_340 = arith.constant 0 : i32
    %dma_start3A_341 = tpu.memref_slice %arg4[%dma_start3A_339, %dma_start3A_340] : memref<112x1024xf32, #tpu.memory_space<vmem>> -> memref<16x1024xf32, #tpu.memory_space<vmem>>
    %dma_start3A_342 = arith.constant 0 : i32
    %dma_start3A_343 = tpu.memref_slice %arg2[%add3A_333, %dma_start3A_342] : memref<8192x1024xf32, #tpu.memory_space<hbm>> -> memref<16x1024xf32, #tpu.memory_space<hbm>>
    tpu.enqueue_dma source(%dma_start3A_343 : memref<16x1024xf32, #tpu.memory_space<hbm>>) target(%dma_start3A_341 : memref<16x1024xf32, #tpu.memory_space<vmem>>) target_semaphore(%arg9 : memref<!tpu.dma_semaphore, #tpu.memory_space<semaphore_mem>>)
    %dma_wait3A_344 = arith.constant 96 : i32
    %dma_wait3A_345 = arith.constant 0 : i32
    %dma_wait3A_346 = tpu.memref_slice %arg4[%dma_wait3A_344, %dma_wait3A_345] : memref<112x1024xf32, #tpu.memory_space<vmem>> -> memref<16x1024xf32, #tpu.memory_space<vmem>>
    %dma_wait3A_347 = arith.constant 0 : i32
    %dma_wait3A_348 = tpu.memref_slice %arg2[%add3A_75, %dma_wait3A_347] : memref<8192x1024xf32, #tpu.memory_space<hbm>> -> memref<16x1024xf32, #tpu.memory_space<hbm>>
    %dma_wait3A_349 = arith.constant 96 : i32
    %dma_wait3A_350 = arith.constant 0 : i32
    %dma_wait3A_351 = tpu.memref_slice %arg4[%dma_wait3A_349, %dma_wait3A_350] : memref<112x1024xf32, #tpu.memory_space<vmem>> -> memref<16x1024xf32, #tpu.memory_space<vmem>>
    %dma_wait3A_352 = arith.constant 0 : i32
    %dma_wait3A_353 = tpu.memref_slice %arg2[%add3A_75, %dma_wait3A_352] : memref<8192x1024xf32, #tpu.memory_space<hbm>> -> memref<16x1024xf32, #tpu.memory_space<hbm>>
    tpu.wait_dma2 semaphore(%arg11 : memref<!tpu.dma_semaphore, #tpu.memory_space<semaphore_mem>>) src(%dma_wait3A_353 : memref<16x1024xf32, #tpu.memory_space<hbm>>) dst(%dma_wait3A_351 : memref<16x1024xf32, #tpu.memory_space<vmem>>)
    %parallel_loop3A_354 = arith.constant 0 : i32
    %parallel_loop3A_355 = arith.constant 16384 : i32
    %parallel_loop3A_356 = arith.constant 16 : i32
    scf.for %parallel_loop3A_752 = %parallel_loop3A_354 to %parallel_loop3A_355 step %parallel_loop3A_356  : i32 {
      %parallel_loop3A_753 = arith.constant 10 : i32
      %parallel_loop3A_754 = arith.shrsi %parallel_loop3A_752, %parallel_loop3A_753 : i32
      %parallel_loop3A_755 = arith.constant 96 : i32
      %parallel_loop3A_756 = arith.addi %parallel_loop3A_755, %parallel_loop3A_754 : i32
      %parallel_loop3A_757 = arith.constant 1023 : i32
      %parallel_loop3A_758 = arith.andi %parallel_loop3A_752, %parallel_loop3A_757 : i32
      %parallel_loop3A_759 = tpu.assume_multiple %parallel_loop3A_758, 16 : i32
      %parallel_loop3A_760 = arith.index_cast %parallel_loop3A_756 : i32 to index
      %parallel_loop3A_761 = arith.index_cast %parallel_loop3A_759 : i32 to index
      %parallel_loop3A_762 = tpu.vector_load %arg4[%parallel_loop3A_760, %parallel_loop3A_761] {strides = array<i32>} : memref<112x1024xf32, #tpu.memory_space<vmem>>, vector<1x16xf32>,
      %parallel_loop3A_763 = vector.shape_cast %parallel_loop3A_762 : vector<1x16xf32> to vector<16xf32>
      %parallel_loop3A_764 = arith.constant 3.125000e-02 : f32
      %parallel_loop3A_765 = vector.broadcast %parallel_loop3A_764 : f32 to vector<16xf32>
      %parallel_loop3A_766 = arith.mulf %parallel_loop3A_763, %parallel_loop3A_765 : vector<16xf32>
      %parallel_loop3A_767 = arith.index_cast %parallel_loop3A_756 : i32 to index
      %parallel_loop3A_768 = arith.index_cast %parallel_loop3A_759 : i32 to index
      %parallel_loop3A_769 = tpu.vector_load %arg4[%parallel_loop3A_767, %parallel_loop3A_768] {strides = array<i32>} : memref<112x1024xf32, #tpu.memory_space<vmem>>, vector<1x16xf32>,
      %parallel_loop3A_770 = vector.shape_cast %parallel_loop3A_769 : vector<1x16xf32> to vector<16xf32>
      %parallel_loop3A_771 = vector.shape_cast %parallel_loop3A_766 : vector<16xf32> to vector<1x16xf32>
      tpu.vector_store %arg4[%parallel_loop3A_767, %parallel_loop3A_768], %parallel_loop3A_771 {strides = array<i32>} : memref<112x1024xf32, #tpu.memory_space<vmem>>, vector<1x16xf32>,
    } {sc.loop_unroll_factor = 8 : i64, sc.parallel_access}
    %add3A_357 = arith.constant 96 : i32
    %add3A_358 = arith.addi %mul3A_2, %add3A_357 : i32
    %dma_start3A_359 = arith.constant 96 : i32
    %dma_start3A_360 = arith.constant 0 : i32
    %dma_start3A_361 = tpu.memref_slice %arg4[%dma_start3A_359, %dma_start3A_360] : memref<112x1024xf32, #tpu.memory_space<vmem>> -> memref<16x1024xf32, #tpu.memory_space<vmem>>
    %dma_start3A_362 = arith.constant 0 : i32
    %dma_start3A_363 = tpu.memref_slice %arg3[%add3A_358, %dma_start3A_362] : memref<8192x1024xf32, #tpu.memory_space<hbm>> -> memref<16x1024xf32, #tpu.memory_space<hbm>>
    %dma_start3A_364 = arith.constant 0 : i32
    %dma_start3A_365 = tpu.memref_slice %arg3[%add3A_358, %dma_start3A_364] : memref<8192x1024xf32, #tpu.memory_space<hbm>> -> memref<16x1024xf32, #tpu.memory_space<hbm>>
    %dma_start3A_366 = arith.constant 96 : i32
    %dma_start3A_367 = arith.constant 0 : i32
    %dma_start3A_368 = tpu.memref_slice %arg4[%dma_start3A_366, %dma_start3A_367] : memref<112x1024xf32, #tpu.memory_space<vmem>> -> memref<16x1024xf32, #tpu.memory_space<vmem>>
    tpu.enqueue_dma source(%dma_start3A_368 : memref<16x1024xf32, #tpu.memory_space<vmem>>) target(%dma_start3A_365 : memref<16x1024xf32, #tpu.memory_space<hbm>>) target_semaphore(%arg18 : memref<!tpu.dma_semaphore, #tpu.memory_space<semaphore_mem>>)
    %dma_wait3A_369 = arith.constant 80 : i32
    %dma_wait3A_370 = arith.constant 0 : i32
    %dma_wait3A_371 = tpu.memref_slice %arg4[%dma_wait3A_369, %dma_wait3A_370] : memref<112x1024xf32, #tpu.memory_space<vmem>> -> memref<16x1024xf32, #tpu.memory_space<vmem>>
    %dma_wait3A_372 = arith.constant 0 : i32
    %dma_wait3A_373 = tpu.memref_slice %arg3[%add3A_311, %dma_wait3A_372] : memref<8192x1024xf32, #tpu.memory_space<hbm>> -> memref<16x1024xf32, #tpu.memory_space<hbm>>
    %dma_wait3A_374 = arith.constant 0 : i32
    %dma_wait3A_375 = tpu.memref_slice %arg3[%add3A_311, %dma_wait3A_374] : memref<8192x1024xf32, #tpu.memory_space<hbm>> -> memref<16x1024xf32, #tpu.memory_space<hbm>>
    %dma_wait3A_376 = arith.constant 80 : i32
    %dma_wait3A_377 = arith.constant 0 : i32
    %dma_wait3A_378 = tpu.memref_slice %arg4[%dma_wait3A_376, %dma_wait3A_377] : memref<112x1024xf32, #tpu.memory_space<vmem>> -> memref<16x1024xf32, #tpu.memory_space<vmem>>
    tpu.wait_dma2 semaphore(%arg17 : memref<!tpu.dma_semaphore, #tpu.memory_space<semaphore_mem>>) src(%dma_wait3A_378 : memref<16x1024xf32, #tpu.memory_space<vmem>>) dst(%dma_wait3A_375 : memref<16x1024xf32, #tpu.memory_space<hbm>>)
    %add3A_379 = arith.constant 192 : i32
    %add3A_380 = arith.addi %mul3A_2, %add3A_379 : i32
    %dma_start3A_381 = arith.constant 80 : i32
    %dma_start3A_382 = arith.constant 0 : i32
    %dma_start3A_383 = tpu.memref_slice %arg4[%dma_start3A_381, %dma_start3A_382] : memref<112x1024xf32, #tpu.memory_space<vmem>> -> memref<16x1024xf32, #tpu.memory_space<vmem>>
    %dma_start3A_384 = arith.constant 0 : i32
    %dma_start3A_385 = tpu.memref_slice %arg2[%add3A_380, %dma_start3A_384] : memref<8192x1024xf32, #tpu.memory_space<hbm>> -> memref<16x1024xf32, #tpu.memory_space<hbm>>
    %dma_start3A_386 = arith.constant 80 : i32
    %dma_start3A_387 = arith.constant 0 : i32
    %dma_start3A_388 = tpu.memref_slice %arg4[%dma_start3A_386, %dma_start3A_387] : memref<112x1024xf32, #tpu.memory_space<vmem>> -> memref<16x1024xf32, #tpu.memory_space<vmem>>
    %dma_start3A_389 = arith.constant 0 : i32
    %dma_start3A_390 = tpu.memref_slice %arg2[%add3A_380, %dma_start3A_389] : memref<8192x1024xf32, #tpu.memory_space<hbm>> -> memref<16x1024xf32, #tpu.memory_space<hbm>>
    tpu.enqueue_dma source(%dma_start3A_390 : memref<16x1024xf32, #tpu.memory_space<hbm>>) target(%dma_start3A_388 : memref<16x1024xf32, #tpu.memory_space<vmem>>) target_semaphore(%arg10 : memref<!tpu.dma_semaphore, #tpu.memory_space<semaphore_mem>>)
    %dma_wait3A_391 = arith.constant 0 : i32
    %dma_wait3A_392 = arith.constant 0 : i32
    %dma_wait3A_393 = tpu.memref_slice %arg4[%dma_wait3A_391, %dma_wait3A_392] : memref<112x1024xf32, #tpu.memory_space<vmem>> -> memref<16x1024xf32, #tpu.memory_space<vmem>>
    %dma_wait3A_394 = arith.constant 0 : i32
    %dma_wait3A_395 = tpu.memref_slice %arg2[%add3A_145, %dma_wait3A_394] : memref<8192x1024xf32, #tpu.memory_space<hbm>> -> memref<16x1024xf32, #tpu.memory_space<hbm>>
    %dma_wait3A_396 = arith.constant 0 : i32
    %dma_wait3A_397 = arith.constant 0 : i32
    %dma_wait3A_398 = tpu.memref_slice %arg4[%dma_wait3A_396, %dma_wait3A_397] : memref<112x1024xf32, #tpu.memory_space<vmem>> -> memref<16x1024xf32, #tpu.memory_space<vmem>>
    %dma_wait3A_399 = arith.constant 0 : i32
    %dma_wait3A_400 = tpu.memref_slice %arg2[%add3A_145, %dma_wait3A_399] : memref<8192x1024xf32, #tpu.memory_space<hbm>> -> memref<16x1024xf32, #tpu.memory_space<hbm>>
    tpu.wait_dma2 semaphore(%arg5 : memref<!tpu.dma_semaphore, #tpu.memory_space<semaphore_mem>>) src(%dma_wait3A_400 : memref<16x1024xf32, #tpu.memory_space<hbm>>) dst(%dma_wait3A_398 : memref<16x1024xf32, #tpu.memory_space<vmem>>)
    %parallel_loop3A_401 = arith.constant 0 : i32
    %parallel_loop3A_402 = arith.constant 16384 : i32
    %parallel_loop3A_403 = arith.constant 16 : i32
    scf.for %parallel_loop3A_752 = %parallel_loop3A_401 to %parallel_loop3A_402 step %parallel_loop3A_403  : i32 {
      %parallel_loop3A_753 = arith.constant 10 : i32
      %parallel_loop3A_754 = arith.shrsi %parallel_loop3A_752, %parallel_loop3A_753 : i32
      %parallel_loop3A_755 = arith.constant 0 : i32
      %parallel_loop3A_756 = arith.addi %parallel_loop3A_755, %parallel_loop3A_754 : i32
      %parallel_loop3A_757 = arith.constant 1023 : i32
      %parallel_loop3A_758 = arith.andi %parallel_loop3A_752, %parallel_loop3A_757 : i32
      %parallel_loop3A_759 = tpu.assume_multiple %parallel_loop3A_758, 16 : i32
      %parallel_loop3A_760 = arith.index_cast %parallel_loop3A_756 : i32 to index
      %parallel_loop3A_761 = arith.index_cast %parallel_loop3A_759 : i32 to index
      %parallel_loop3A_762 = tpu.vector_load %arg4[%parallel_loop3A_760, %parallel_loop3A_761] {strides = array<i32>} : memref<112x1024xf32, #tpu.memory_space<vmem>>, vector<1x16xf32>,
      %parallel_loop3A_763 = vector.shape_cast %parallel_loop3A_762 : vector<1x16xf32> to vector<16xf32>
      %parallel_loop3A_764 = arith.constant 3.125000e-02 : f32
      %parallel_loop3A_765 = vector.broadcast %parallel_loop3A_764 : f32 to vector<16xf32>
      %parallel_loop3A_766 = arith.mulf %parallel_loop3A_763, %parallel_loop3A_765 : vector<16xf32>
      %parallel_loop3A_767 = arith.index_cast %parallel_loop3A_756 : i32 to index
      %parallel_loop3A_768 = arith.index_cast %parallel_loop3A_759 : i32 to index
      %parallel_loop3A_769 = tpu.vector_load %arg4[%parallel_loop3A_767, %parallel_loop3A_768] {strides = array<i32>} : memref<112x1024xf32, #tpu.memory_space<vmem>>, vector<1x16xf32>,
      %parallel_loop3A_770 = vector.shape_cast %parallel_loop3A_769 : vector<1x16xf32> to vector<16xf32>
      %parallel_loop3A_771 = vector.shape_cast %parallel_loop3A_766 : vector<16xf32> to vector<1x16xf32>
      tpu.vector_store %arg4[%parallel_loop3A_767, %parallel_loop3A_768], %parallel_loop3A_771 {strides = array<i32>} : memref<112x1024xf32, #tpu.memory_space<vmem>>, vector<1x16xf32>,
    } {sc.loop_unroll_factor = 8 : i64, sc.parallel_access}
    %add3A_404 = arith.constant 112 : i32
    %add3A_405 = arith.addi %mul3A_2, %add3A_404 : i32
    %dma_start3A_406 = arith.constant 0 : i32
    %dma_start3A_407 = arith.constant 0 : i32
    %dma_start3A_408 = tpu.memref_slice %arg4[%dma_start3A_406, %dma_start3A_407] : memref<112x1024xf32, #tpu.memory_space<vmem>> -> memref<16x1024xf32, #tpu.memory_space<vmem>>
    %dma_start3A_409 = arith.constant 0 : i32
    %dma_start3A_410 = tpu.memref_slice %arg3[%add3A_405, %dma_start3A_409] : memref<8192x1024xf32, #tpu.memory_space<hbm>> -> memref<16x1024xf32, #tpu.memory_space<hbm>>
    %dma_start3A_411 = arith.constant 0 : i32
    %dma_start3A_412 = tpu.memref_slice %arg3[%add3A_405, %dma_start3A_411] : memref<8192x1024xf32, #tpu.memory_space<hbm>> -> memref<16x1024xf32, #tpu.memory_space<hbm>>
    %dma_start3A_413 = arith.constant 0 : i32
    %dma_start3A_414 = arith.constant 0 : i32
    %dma_start3A_415 = tpu.memref_slice %arg4[%dma_start3A_413, %dma_start3A_414] : memref<112x1024xf32, #tpu.memory_space<vmem>> -> memref<16x1024xf32, #tpu.memory_space<vmem>>
    tpu.enqueue_dma source(%dma_start3A_415 : memref<16x1024xf32, #tpu.memory_space<vmem>>) target(%dma_start3A_412 : memref<16x1024xf32, #tpu.memory_space<hbm>>) target_semaphore(%arg12 : memref<!tpu.dma_semaphore, #tpu.memory_space<semaphore_mem>>)
    %dma_wait3A_416 = arith.constant 96 : i32
    %dma_wait3A_417 = arith.constant 0 : i32
    %dma_wait3A_418 = tpu.memref_slice %arg4[%dma_wait3A_416, %dma_wait3A_417] : memref<112x1024xf32, #tpu.memory_space<vmem>> -> memref<16x1024xf32, #tpu.memory_space<vmem>>
    %dma_wait3A_419 = arith.constant 0 : i32
    %dma_wait3A_420 = tpu.memref_slice %arg3[%add3A_358, %dma_wait3A_419] : memref<8192x1024xf32, #tpu.memory_space<hbm>> -> memref<16x1024xf32, #tpu.memory_space<hbm>>
    %dma_wait3A_421 = arith.constant 0 : i32
    %dma_wait3A_422 = tpu.memref_slice %arg3[%add3A_358, %dma_wait3A_421] : memref<8192x1024xf32, #tpu.memory_space<hbm>> -> memref<16x1024xf32, #tpu.memory_space<hbm>>
    %dma_wait3A_423 = arith.constant 96 : i32
    %dma_wait3A_424 = arith.constant 0 : i32
    %dma_wait3A_425 = tpu.memref_slice %arg4[%dma_wait3A_423, %dma_wait3A_424] : memref<112x1024xf32, #tpu.memory_space<vmem>> -> memref<16x1024xf32, #tpu.memory_space<vmem>>
    tpu.wait_dma2 semaphore(%arg18 : memref<!tpu.dma_semaphore, #tpu.memory_space<semaphore_mem>>) src(%dma_wait3A_425 : memref<16x1024xf32, #tpu.memory_space<vmem>>) dst(%dma_wait3A_422 : memref<16x1024xf32, #tpu.memory_space<hbm>>)
    %add3A_426 = arith.constant 208 : i32
    %add3A_427 = arith.addi %mul3A_2, %add3A_426 : i32
    %dma_start3A_428 = arith.constant 96 : i32
    %dma_start3A_429 = arith.constant 0 : i32
    %dma_start3A_430 = tpu.memref_slice %arg4[%dma_start3A_428, %dma_start3A_429] : memref<112x1024xf32, #tpu.memory_space<vmem>> -> memref<16x1024xf32, #tpu.memory_space<vmem>>
    %dma_start3A_431 = arith.constant 0 : i32
    %dma_start3A_432 = tpu.memref_slice %arg2[%add3A_427, %dma_start3A_431] : memref<8192x1024xf32, #tpu.memory_space<hbm>> -> memref<16x1024xf32, #tpu.memory_space<hbm>>
    %dma_start3A_433 = arith.constant 96 : i32
    %dma_start3A_434 = arith.constant 0 : i32
    %dma_start3A_435 = tpu.memref_slice %arg4[%dma_start3A_433, %dma_start3A_434] : memref<112x1024xf32, #tpu.memory_space<vmem>> -> memref<16x1024xf32, #tpu.memory_space<vmem>>
    %dma_start3A_436 = arith.constant 0 : i32
    %dma_start3A_437 = tpu.memref_slice %arg2[%add3A_427, %dma_start3A_436] : memref<8192x1024xf32, #tpu.memory_space<hbm>> -> memref<16x1024xf32, #tpu.memory_space<hbm>>
    tpu.enqueue_dma source(%dma_start3A_437 : memref<16x1024xf32, #tpu.memory_space<hbm>>) target(%dma_start3A_435 : memref<16x1024xf32, #tpu.memory_space<vmem>>) target_semaphore(%arg11 : memref<!tpu.dma_semaphore, #tpu.memory_space<semaphore_mem>>)
    %dma_wait3A_438 = arith.constant 16 : i32
    %dma_wait3A_439 = arith.constant 0 : i32
    %dma_wait3A_440 = tpu.memref_slice %arg4[%dma_wait3A_438, %dma_wait3A_439] : memref<112x1024xf32, #tpu.memory_space<vmem>> -> memref<16x1024xf32, #tpu.memory_space<vmem>>
    %dma_wait3A_441 = arith.constant 0 : i32
    %dma_wait3A_442 = tpu.memref_slice %arg2[%add3A_192, %dma_wait3A_441] : memref<8192x1024xf32, #tpu.memory_space<hbm>> -> memref<16x1024xf32, #tpu.memory_space<hbm>>
    %dma_wait3A_443 = arith.constant 16 : i32
    %dma_wait3A_444 = arith.constant 0 : i32
    %dma_wait3A_445 = tpu.memref_slice %arg4[%dma_wait3A_443, %dma_wait3A_444] : memref<112x1024xf32, #tpu.memory_space<vmem>> -> memref<16x1024xf32, #tpu.memory_space<vmem>>
    %dma_wait3A_446 = arith.constant 0 : i32
    %dma_wait3A_447 = tpu.memref_slice %arg2[%add3A_192, %dma_wait3A_446] : memref<8192x1024xf32, #tpu.memory_space<hbm>> -> memref<16x1024xf32, #tpu.memory_space<hbm>>
    tpu.wait_dma2 semaphore(%arg6 : memref<!tpu.dma_semaphore, #tpu.memory_space<semaphore_mem>>) src(%dma_wait3A_447 : memref<16x1024xf32, #tpu.memory_space<hbm>>) dst(%dma_wait3A_445 : memref<16x1024xf32, #tpu.memory_space<vmem>>)
    %parallel_loop3A_448 = arith.constant 0 : i32
    %parallel_loop3A_449 = arith.constant 16384 : i32
    %parallel_loop3A_450 = arith.constant 16 : i32
    scf.for %parallel_loop3A_752 = %parallel_loop3A_448 to %parallel_loop3A_449 step %parallel_loop3A_450  : i32 {
      %parallel_loop3A_753 = arith.constant 10 : i32
      %parallel_loop3A_754 = arith.shrsi %parallel_loop3A_752, %parallel_loop3A_753 : i32
      %parallel_loop3A_755 = arith.constant 16 : i32
      %parallel_loop3A_756 = arith.addi %parallel_loop3A_755, %parallel_loop3A_754 : i32
      %parallel_loop3A_757 = arith.constant 1023 : i32
      %parallel_loop3A_758 = arith.andi %parallel_loop3A_752, %parallel_loop3A_757 : i32
      %parallel_loop3A_759 = tpu.assume_multiple %parallel_loop3A_758, 16 : i32
      %parallel_loop3A_760 = arith.index_cast %parallel_loop3A_756 : i32 to index
      %parallel_loop3A_761 = arith.index_cast %parallel_loop3A_759 : i32 to index
      %parallel_loop3A_762 = tpu.vector_load %arg4[%parallel_loop3A_760, %parallel_loop3A_761] {strides = array<i32>} : memref<112x1024xf32, #tpu.memory_space<vmem>>, vector<1x16xf32>,
      %parallel_loop3A_763 = vector.shape_cast %parallel_loop3A_762 : vector<1x16xf32> to vector<16xf32>
      %parallel_loop3A_764 = arith.constant 3.125000e-02 : f32
      %parallel_loop3A_765 = vector.broadcast %parallel_loop3A_764 : f32 to vector<16xf32>
      %parallel_loop3A_766 = arith.mulf %parallel_loop3A_763, %parallel_loop3A_765 : vector<16xf32>
      %parallel_loop3A_767 = arith.index_cast %parallel_loop3A_756 : i32 to index
      %parallel_loop3A_768 = arith.index_cast %parallel_loop3A_759 : i32 to index
      %parallel_loop3A_769 = tpu.vector_load %arg4[%parallel_loop3A_767, %parallel_loop3A_768] {strides = array<i32>} : memref<112x1024xf32, #tpu.memory_space<vmem>>, vector<1x16xf32>,
      %parallel_loop3A_770 = vector.shape_cast %parallel_loop3A_769 : vector<1x16xf32> to vector<16xf32>
      %parallel_loop3A_771 = vector.shape_cast %parallel_loop3A_766 : vector<16xf32> to vector<1x16xf32>
      tpu.vector_store %arg4[%parallel_loop3A_767, %parallel_loop3A_768], %parallel_loop3A_771 {strides = array<i32>} : memref<112x1024xf32, #tpu.memory_space<vmem>>, vector<1x16xf32>,
    } {sc.loop_unroll_factor = 8 : i64, sc.parallel_access}
    %add3A_451 = arith.constant 128 : i32
    %add3A_452 = arith.addi %mul3A_2, %add3A_451 : i32
    %dma_start3A_453 = arith.constant 16 : i32
    %dma_start3A_454 = arith.constant 0 : i32
    %dma_start3A_455 = tpu.memref_slice %arg4[%dma_start3A_453, %dma_start3A_454] : memref<112x1024xf32, #tpu.memory_space<vmem>> -> memref<16x1024xf32, #tpu.memory_space<vmem>>
    %dma_start3A_456 = arith.constant 0 : i32
    %dma_start3A_457 = tpu.memref_slice %arg3[%add3A_452, %dma_start3A_456] : memref<8192x1024xf32, #tpu.memory_space<hbm>> -> memref<16x1024xf32, #tpu.memory_space<hbm>>
    %dma_start3A_458 = arith.constant 0 : i32
    %dma_start3A_459 = tpu.memref_slice %arg3[%add3A_452, %dma_start3A_458] : memref<8192x1024xf32, #tpu.memory_space<hbm>> -> memref<16x1024xf32, #tpu.memory_space<hbm>>
    %dma_start3A_460 = arith.constant 16 : i32
    %dma_start3A_461 = arith.constant 0 : i32
    %dma_start3A_462 = tpu.memref_slice %arg4[%dma_start3A_460, %dma_start3A_461] : memref<112x1024xf32, #tpu.memory_space<vmem>> -> memref<16x1024xf32, #tpu.memory_space<vmem>>
    tpu.enqueue_dma source(%dma_start3A_462 : memref<16x1024xf32, #tpu.memory_space<vmem>>) target(%dma_start3A_459 : memref<16x1024xf32, #tpu.memory_space<hbm>>) target_semaphore(%arg13 : memref<!tpu.dma_semaphore, #tpu.memory_space<semaphore_mem>>)
    %dma_wait3A_463 = arith.constant 0 : i32
    %dma_wait3A_464 = arith.constant 0 : i32
    %dma_wait3A_465 = tpu.memref_slice %arg4[%dma_wait3A_463, %dma_wait3A_464] : memref<112x1024xf32, #tpu.memory_space<vmem>> -> memref<16x1024xf32, #tpu.memory_space<vmem>>
    %dma_wait3A_466 = arith.constant 0 : i32
    %dma_wait3A_467 = tpu.memref_slice %arg3[%add3A_405, %dma_wait3A_466] : memref<8192x1024xf32, #tpu.memory_space<hbm>> -> memref<16x1024xf32, #tpu.memory_space<hbm>>
    %dma_wait3A_468 = arith.constant 0 : i32
    %dma_wait3A_469 = tpu.memref_slice %arg3[%add3A_405, %dma_wait3A_468] : memref<8192x1024xf32, #tpu.memory_space<hbm>> -> memref<16x1024xf32, #tpu.memory_space<hbm>>
    %dma_wait3A_470 = arith.constant 0 : i32
    %dma_wait3A_471 = arith.constant 0 : i32
    %dma_wait3A_472 = tpu.memref_slice %arg4[%dma_wait3A_470, %dma_wait3A_471] : memref<112x1024xf32, #tpu.memory_space<vmem>> -> memref<16x1024xf32, #tpu.memory_space<vmem>>
    tpu.wait_dma2 semaphore(%arg12 : memref<!tpu.dma_semaphore, #tpu.memory_space<semaphore_mem>>) src(%dma_wait3A_472 : memref<16x1024xf32, #tpu.memory_space<vmem>>) dst(%dma_wait3A_469 : memref<16x1024xf32, #tpu.memory_space<hbm>>)
    %add3A_473 = arith.constant 224 : i32
    %add3A_474 = arith.addi %mul3A_2, %add3A_473 : i32
    %dma_start3A_475 = arith.constant 0 : i32
    %dma_start3A_476 = arith.constant 0 : i32
    %dma_start3A_477 = tpu.memref_slice %arg4[%dma_start3A_475, %dma_start3A_476] : memref<112x1024xf32, #tpu.memory_space<vmem>> -> memref<16x1024xf32, #tpu.memory_space<vmem>>
    %dma_start3A_478 = arith.constant 0 : i32
    %dma_start3A_479 = tpu.memref_slice %arg2[%add3A_474, %dma_start3A_478] : memref<8192x1024xf32, #tpu.memory_space<hbm>> -> memref<16x1024xf32, #tpu.memory_space<hbm>>
    %dma_start3A_480 = arith.constant 0 : i32
    %dma_start3A_481 = arith.constant 0 : i32
    %dma_start3A_482 = tpu.memref_slice %arg4[%dma_start3A_480, %dma_start3A_481] : memref<112x1024xf32, #tpu.memory_space<vmem>> -> memref<16x1024xf32, #tpu.memory_space<vmem>>
    %dma_start3A_483 = arith.constant 0 : i32
    %dma_start3A_484 = tpu.memref_slice %arg2[%add3A_474, %dma_start3A_483] : memref<8192x1024xf32, #tpu.memory_space<hbm>> -> memref<16x1024xf32, #tpu.memory_space<hbm>>
    tpu.enqueue_dma source(%dma_start3A_484 : memref<16x1024xf32, #tpu.memory_space<hbm>>) target(%dma_start3A_482 : memref<16x1024xf32, #tpu.memory_space<vmem>>) target_semaphore(%arg5 : memref<!tpu.dma_semaphore, #tpu.memory_space<semaphore_mem>>)
    %dma_wait3A_485 = arith.constant 32 : i32
    %dma_wait3A_486 = arith.constant 0 : i32
    %dma_wait3A_487 = tpu.memref_slice %arg4[%dma_wait3A_485, %dma_wait3A_486] : memref<112x1024xf32, #tpu.memory_space<vmem>> -> memref<16x1024xf32, #tpu.memory_space<vmem>>
    %dma_wait3A_488 = arith.constant 0 : i32
    %dma_wait3A_489 = tpu.memref_slice %arg2[%add3A_239, %dma_wait3A_488] : memref<8192x1024xf32, #tpu.memory_space<hbm>> -> memref<16x1024xf32, #tpu.memory_space<hbm>>
    %dma_wait3A_490 = arith.constant 32 : i32
    %dma_wait3A_491 = arith.constant 0 : i32
    %dma_wait3A_492 = tpu.memref_slice %arg4[%dma_wait3A_490, %dma_wait3A_491] : memref<112x1024xf32, #tpu.memory_space<vmem>> -> memref<16x1024xf32, #tpu.memory_space<vmem>>
    %dma_wait3A_493 = arith.constant 0 : i32
    %dma_wait3A_494 = tpu.memref_slice %arg2[%add3A_239, %dma_wait3A_493] : memref<8192x1024xf32, #tpu.memory_space<hbm>> -> memref<16x1024xf32, #tpu.memory_space<hbm>>
    tpu.wait_dma2 semaphore(%arg7 : memref<!tpu.dma_semaphore, #tpu.memory_space<semaphore_mem>>) src(%dma_wait3A_494 : memref<16x1024xf32, #tpu.memory_space<hbm>>) dst(%dma_wait3A_492 : memref<16x1024xf32, #tpu.memory_space<vmem>>)
    %parallel_loop3A_495 = arith.constant 0 : i32
    %parallel_loop3A_496 = arith.constant 16384 : i32
    %parallel_loop3A_497 = arith.constant 16 : i32
    scf.for %parallel_loop3A_752 = %parallel_loop3A_495 to %parallel_loop3A_496 step %parallel_loop3A_497  : i32 {
      %parallel_loop3A_753 = arith.constant 10 : i32
      %parallel_loop3A_754 = arith.shrsi %parallel_loop3A_752, %parallel_loop3A_753 : i32
      %parallel_loop3A_755 = arith.constant 32 : i32
      %parallel_loop3A_756 = arith.addi %parallel_loop3A_755, %parallel_loop3A_754 : i32
      %parallel_loop3A_757 = arith.constant 1023 : i32
      %parallel_loop3A_758 = arith.andi %parallel_loop3A_752, %parallel_loop3A_757 : i32
      %parallel_loop3A_759 = tpu.assume_multiple %parallel_loop3A_758, 16 : i32
      %parallel_loop3A_760 = arith.index_cast %parallel_loop3A_756 : i32 to index
      %parallel_loop3A_761 = arith.index_cast %parallel_loop3A_759 : i32 to index
      %parallel_loop3A_762 = tpu.vector_load %arg4[%parallel_loop3A_760, %parallel_loop3A_761] {strides = array<i32>} : memref<112x1024xf32, #tpu.memory_space<vmem>>, vector<1x16xf32>,
      %parallel_loop3A_763 = vector.shape_cast %parallel_loop3A_762 : vector<1x16xf32> to vector<16xf32>
      %parallel_loop3A_764 = arith.constant 3.125000e-02 : f32
      %parallel_loop3A_765 = vector.broadcast %parallel_loop3A_764 : f32 to vector<16xf32>
      %parallel_loop3A_766 = arith.mulf %parallel_loop3A_763, %parallel_loop3A_765 : vector<16xf32>
      %parallel_loop3A_767 = arith.index_cast %parallel_loop3A_756 : i32 to index
      %parallel_loop3A_768 = arith.index_cast %parallel_loop3A_759 : i32 to index
      %parallel_loop3A_769 = tpu.vector_load %arg4[%parallel_loop3A_767, %parallel_loop3A_768] {strides = array<i32>} : memref<112x1024xf32, #tpu.memory_space<vmem>>, vector<1x16xf32>,
      %parallel_loop3A_770 = vector.shape_cast %parallel_loop3A_769 : vector<1x16xf32> to vector<16xf32>
      %parallel_loop3A_771 = vector.shape_cast %parallel_loop3A_766 : vector<16xf32> to vector<1x16xf32>
      tpu.vector_store %arg4[%parallel_loop3A_767, %parallel_loop3A_768], %parallel_loop3A_771 {strides = array<i32>} : memref<112x1024xf32, #tpu.memory_space<vmem>>, vector<1x16xf32>,
    } {sc.loop_unroll_factor = 8 : i64, sc.parallel_access}
    %add3A_498 = arith.constant 144 : i32
    %add3A_499 = arith.addi %mul3A_2, %add3A_498 : i32
    %dma_start3A_500 = arith.constant 32 : i32
    %dma_start3A_501 = arith.constant 0 : i32
    %dma_start3A_502 = tpu.memref_slice %arg4[%dma_start3A_500, %dma_start3A_501] : memref<112x1024xf32, #tpu.memory_space<vmem>> -> memref<16x1024xf32, #tpu.memory_space<vmem>>
    %dma_start3A_503 = arith.constant 0 : i32
    %dma_start3A_504 = tpu.memref_slice %arg3[%add3A_499, %dma_start3A_503] : memref<8192x1024xf32, #tpu.memory_space<hbm>> -> memref<16x1024xf32, #tpu.memory_space<hbm>>
    %dma_start3A_505 = arith.constant 0 : i32
    %dma_start3A_506 = tpu.memref_slice %arg3[%add3A_499, %dma_start3A_505] : memref<8192x1024xf32, #tpu.memory_space<hbm>> -> memref<16x1024xf32, #tpu.memory_space<hbm>>
    %dma_start3A_507 = arith.constant 32 : i32
    %dma_start3A_508 = arith.constant 0 : i32
    %dma_start3A_509 = tpu.memref_slice %arg4[%dma_start3A_507, %dma_start3A_508] : memref<112x1024xf32, #tpu.memory_space<vmem>> -> memref<16x1024xf32, #tpu.memory_space<vmem>>
    tpu.enqueue_dma source(%dma_start3A_509 : memref<16x1024xf32, #tpu.memory_space<vmem>>) target(%dma_start3A_506 : memref<16x1024xf32, #tpu.memory_space<hbm>>) target_semaphore(%arg14 : memref<!tpu.dma_semaphore, #tpu.memory_space<semaphore_mem>>)
    %dma_wait3A_510 = arith.constant 16 : i32
    %dma_wait3A_511 = arith.constant 0 : i32
    %dma_wait3A_512 = tpu.memref_slice %arg4[%dma_wait3A_510, %dma_wait3A_511] : memref<112x1024xf32, #tpu.memory_space<vmem>> -> memref<16x1024xf32, #tpu.memory_space<vmem>>
    %dma_wait3A_513 = arith.constant 0 : i32
    %dma_wait3A_514 = tpu.memref_slice %arg3[%add3A_452, %dma_wait3A_513] : memref<8192x1024xf32, #tpu.memory_space<hbm>> -> memref<16x1024xf32, #tpu.memory_space<hbm>>
    %dma_wait3A_515 = arith.constant 0 : i32
    %dma_wait3A_516 = tpu.memref_slice %arg3[%add3A_452, %dma_wait3A_515] : memref<8192x1024xf32, #tpu.memory_space<hbm>> -> memref<16x1024xf32, #tpu.memory_space<hbm>>
    %dma_wait3A_517 = arith.constant 16 : i32
    %dma_wait3A_518 = arith.constant 0 : i32
    %dma_wait3A_519 = tpu.memref_slice %arg4[%dma_wait3A_517, %dma_wait3A_518] : memref<112x1024xf32, #tpu.memory_space<vmem>> -> memref<16x1024xf32, #tpu.memory_space<vmem>>
    tpu.wait_dma2 semaphore(%arg13 : memref<!tpu.dma_semaphore, #tpu.memory_space<semaphore_mem>>) src(%dma_wait3A_519 : memref<16x1024xf32, #tpu.memory_space<vmem>>) dst(%dma_wait3A_516 : memref<16x1024xf32, #tpu.memory_space<hbm>>)
    %add3A_520 = arith.constant 240 : i32
    %add3A_521 = arith.addi %mul3A_2, %add3A_520 : i32
    %dma_start3A_522 = arith.constant 16 : i32
    %dma_start3A_523 = arith.constant 0 : i32
    %dma_start3A_524 = tpu.memref_slice %arg4[%dma_start3A_522, %dma_start3A_523] : memref<112x1024xf32, #tpu.memory_space<vmem>> -> memref<16x1024xf32, #tpu.memory_space<vmem>>
    %dma_start3A_525 = arith.constant 0 : i32
    %dma_start3A_526 = tpu.memref_slice %arg2[%add3A_521, %dma_start3A_525] : memref<8192x1024xf32, #tpu.memory_space<hbm>> -> memref<16x1024xf32, #tpu.memory_space<hbm>>
    %dma_start3A_527 = arith.constant 16 : i32
    %dma_start3A_528 = arith.constant 0 : i32
    %dma_start3A_529 = tpu.memref_slice %arg4[%dma_start3A_527, %dma_start3A_528] : memref<112x1024xf32, #tpu.memory_space<vmem>> -> memref<16x1024xf32, #tpu.memory_space<vmem>>
    %dma_start3A_530 = arith.constant 0 : i32
    %dma_start3A_531 = tpu.memref_slice %arg2[%add3A_521, %dma_start3A_530] : memref<8192x1024xf32, #tpu.memory_space<hbm>> -> memref<16x1024xf32, #tpu.memory_space<hbm>>
    tpu.enqueue_dma source(%dma_start3A_531 : memref<16x1024xf32, #tpu.memory_space<hbm>>) target(%dma_start3A_529 : memref<16x1024xf32, #tpu.memory_space<vmem>>) target_semaphore(%arg6 : memref<!tpu.dma_semaphore, #tpu.memory_space<semaphore_mem>>)
    %dma_wait3A_532 = arith.constant 48 : i32
    %dma_wait3A_533 = arith.constant 0 : i32
    %dma_wait3A_534 = tpu.memref_slice %arg4[%dma_wait3A_532, %dma_wait3A_533] : memref<112x1024xf32, #tpu.memory_space<vmem>> -> memref<16x1024xf32, #tpu.memory_space<vmem>>
    %dma_wait3A_535 = arith.constant 0 : i32
    %dma_wait3A_536 = tpu.memref_slice %arg2[%add3A_286, %dma_wait3A_535] : memref<8192x1024xf32, #tpu.memory_space<hbm>> -> memref<16x1024xf32, #tpu.memory_space<hbm>>
    %dma_wait3A_537 = arith.constant 48 : i32
    %dma_wait3A_538 = arith.constant 0 : i32
    %dma_wait3A_539 = tpu.memref_slice %arg4[%dma_wait3A_537, %dma_wait3A_538] : memref<112x1024xf32, #tpu.memory_space<vmem>> -> memref<16x1024xf32, #tpu.memory_space<vmem>>
    %dma_wait3A_540 = arith.constant 0 : i32
    %dma_wait3A_541 = tpu.memref_slice %arg2[%add3A_286, %dma_wait3A_540] : memref<8192x1024xf32, #tpu.memory_space<hbm>> -> memref<16x1024xf32, #tpu.memory_space<hbm>>
    tpu.wait_dma2 semaphore(%arg8 : memref<!tpu.dma_semaphore, #tpu.memory_space<semaphore_mem>>) src(%dma_wait3A_541 : memref<16x1024xf32, #tpu.memory_space<hbm>>) dst(%dma_wait3A_539 : memref<16x1024xf32, #tpu.memory_space<vmem>>)
    %parallel_loop3A_542 = arith.constant 0 : i32
    %parallel_loop3A_543 = arith.constant 16384 : i32
    %parallel_loop3A_544 = arith.constant 16 : i32
    scf.for %parallel_loop3A_752 = %parallel_loop3A_542 to %parallel_loop3A_543 step %parallel_loop3A_544  : i32 {
      %parallel_loop3A_753 = arith.constant 10 : i32
      %parallel_loop3A_754 = arith.shrsi %parallel_loop3A_752, %parallel_loop3A_753 : i32
      %parallel_loop3A_755 = arith.constant 48 : i32
      %parallel_loop3A_756 = arith.addi %parallel_loop3A_755, %parallel_loop3A_754 : i32
      %parallel_loop3A_757 = arith.constant 1023 : i32
      %parallel_loop3A_758 = arith.andi %parallel_loop3A_752, %parallel_loop3A_757 : i32
      %parallel_loop3A_759 = tpu.assume_multiple %parallel_loop3A_758, 16 : i32
      %parallel_loop3A_760 = arith.index_cast %parallel_loop3A_756 : i32 to index
      %parallel_loop3A_761 = arith.index_cast %parallel_loop3A_759 : i32 to index
      %parallel_loop3A_762 = tpu.vector_load %arg4[%parallel_loop3A_760, %parallel_loop3A_761] {strides = array<i32>} : memref<112x1024xf32, #tpu.memory_space<vmem>>, vector<1x16xf32>,
      %parallel_loop3A_763 = vector.shape_cast %parallel_loop3A_762 : vector<1x16xf32> to vector<16xf32>
      %parallel_loop3A_764 = arith.constant 3.125000e-02 : f32
      %parallel_loop3A_765 = vector.broadcast %parallel_loop3A_764 : f32 to vector<16xf32>
      %parallel_loop3A_766 = arith.mulf %parallel_loop3A_763, %parallel_loop3A_765 : vector<16xf32>
      %parallel_loop3A_767 = arith.index_cast %parallel_loop3A_756 : i32 to index
      %parallel_loop3A_768 = arith.index_cast %parallel_loop3A_759 : i32 to index
      %parallel_loop3A_769 = tpu.vector_load %arg4[%parallel_loop3A_767, %parallel_loop3A_768] {strides = array<i32>} : memref<112x1024xf32, #tpu.memory_space<vmem>>, vector<1x16xf32>,
      %parallel_loop3A_770 = vector.shape_cast %parallel_loop3A_769 : vector<1x16xf32> to vector<16xf32>
      %parallel_loop3A_771 = vector.shape_cast %parallel_loop3A_766 : vector<16xf32> to vector<1x16xf32>
      tpu.vector_store %arg4[%parallel_loop3A_767, %parallel_loop3A_768], %parallel_loop3A_771 {strides = array<i32>} : memref<112x1024xf32, #tpu.memory_space<vmem>>, vector<1x16xf32>,
    } {sc.loop_unroll_factor = 8 : i64, sc.parallel_access}
    %add3A_545 = arith.constant 160 : i32
    %add3A_546 = arith.addi %mul3A_2, %add3A_545 : i32
    %dma_start3A_547 = arith.constant 48 : i32
    %dma_start3A_548 = arith.constant 0 : i32
    %dma_start3A_549 = tpu.memref_slice %arg4[%dma_start3A_547, %dma_start3A_548] : memref<112x1024xf32, #tpu.memory_space<vmem>> -> memref<16x1024xf32, #tpu.memory_space<vmem>>
    %dma_start3A_550 = arith.constant 0 : i32
    %dma_start3A_551 = tpu.memref_slice %arg3[%add3A_546, %dma_start3A_550] : memref<8192x1024xf32, #tpu.memory_space<hbm>> -> memref<16x1024xf32, #tpu.memory_space<hbm>>
    %dma_start3A_552 = arith.constant 0 : i32
    %dma_start3A_553 = tpu.memref_slice %arg3[%add3A_546, %dma_start3A_552] : memref<8192x1024xf32, #tpu.memory_space<hbm>> -> memref<16x1024xf32, #tpu.memory_space<hbm>>
    %dma_start3A_554 = arith.constant 48 : i32
    %dma_start3A_555 = arith.constant 0 : i32
    %dma_start3A_556 = tpu.memref_slice %arg4[%dma_start3A_554, %dma_start3A_555] : memref<112x1024xf32, #tpu.memory_space<vmem>> -> memref<16x1024xf32, #tpu.memory_space<vmem>>
    tpu.enqueue_dma source(%dma_start3A_556 : memref<16x1024xf32, #tpu.memory_space<vmem>>) target(%dma_start3A_553 : memref<16x1024xf32, #tpu.memory_space<hbm>>) target_semaphore(%arg15 : memref<!tpu.dma_semaphore, #tpu.memory_space<semaphore_mem>>)
    %dma_wait3A_557 = arith.constant 64 : i32
    %dma_wait3A_558 = arith.constant 0 : i32
    %dma_wait3A_559 = tpu.memref_slice %arg4[%dma_wait3A_557, %dma_wait3A_558] : memref<112x1024xf32, #tpu.memory_space<vmem>> -> memref<16x1024xf32, #tpu.memory_space<vmem>>
    %dma_wait3A_560 = arith.constant 0 : i32
    %dma_wait3A_561 = tpu.memref_slice %arg2[%add3A_333, %dma_wait3A_560] : memref<8192x1024xf32, #tpu.memory_space<hbm>> -> memref<16x1024xf32, #tpu.memory_space<hbm>>
    %dma_wait3A_562 = arith.constant 64 : i32
    %dma_wait3A_563 = arith.constant 0 : i32
    %dma_wait3A_564 = tpu.memref_slice %arg4[%dma_wait3A_562, %dma_wait3A_563] : memref<112x1024xf32, #tpu.memory_space<vmem>> -> memref<16x1024xf32, #tpu.memory_space<vmem>>
    %dma_wait3A_565 = arith.constant 0 : i32
    %dma_wait3A_566 = tpu.memref_slice %arg2[%add3A_333, %dma_wait3A_565] : memref<8192x1024xf32, #tpu.memory_space<hbm>> -> memref<16x1024xf32, #tpu.memory_space<hbm>>
    tpu.wait_dma2 semaphore(%arg9 : memref<!tpu.dma_semaphore, #tpu.memory_space<semaphore_mem>>) src(%dma_wait3A_566 : memref<16x1024xf32, #tpu.memory_space<hbm>>) dst(%dma_wait3A_564 : memref<16x1024xf32, #tpu.memory_space<vmem>>)
    %parallel_loop3A_567 = arith.constant 0 : i32
    %parallel_loop3A_568 = arith.constant 16384 : i32
    %parallel_loop3A_569 = arith.constant 16 : i32
    scf.for %parallel_loop3A_752 = %parallel_loop3A_567 to %parallel_loop3A_568 step %parallel_loop3A_569  : i32 {
      %parallel_loop3A_753 = arith.constant 10 : i32
      %parallel_loop3A_754 = arith.shrsi %parallel_loop3A_752, %parallel_loop3A_753 : i32
      %parallel_loop3A_755 = arith.constant 64 : i32
      %parallel_loop3A_756 = arith.addi %parallel_loop3A_755, %parallel_loop3A_754 : i32
      %parallel_loop3A_757 = arith.constant 1023 : i32
      %parallel_loop3A_758 = arith.andi %parallel_loop3A_752, %parallel_loop3A_757 : i32
      %parallel_loop3A_759 = tpu.assume_multiple %parallel_loop3A_758, 16 : i32
      %parallel_loop3A_760 = arith.index_cast %parallel_loop3A_756 : i32 to index
      %parallel_loop3A_761 = arith.index_cast %parallel_loop3A_759 : i32 to index
      %parallel_loop3A_762 = tpu.vector_load %arg4[%parallel_loop3A_760, %parallel_loop3A_761] {strides = array<i32>} : memref<112x1024xf32, #tpu.memory_space<vmem>>, vector<1x16xf32>,
      %parallel_loop3A_763 = vector.shape_cast %parallel_loop3A_762 : vector<1x16xf32> to vector<16xf32>
      %parallel_loop3A_764 = arith.constant 3.125000e-02 : f32
      %parallel_loop3A_765 = vector.broadcast %parallel_loop3A_764 : f32 to vector<16xf32>
      %parallel_loop3A_766 = arith.mulf %parallel_loop3A_763, %parallel_loop3A_765 : vector<16xf32>
      %parallel_loop3A_767 = arith.index_cast %parallel_loop3A_756 : i32 to index
      %parallel_loop3A_768 = arith.index_cast %parallel_loop3A_759 : i32 to index
      %parallel_loop3A_769 = tpu.vector_load %arg4[%parallel_loop3A_767, %parallel_loop3A_768] {strides = array<i32>} : memref<112x1024xf32, #tpu.memory_space<vmem>>, vector<1x16xf32>,
      %parallel_loop3A_770 = vector.shape_cast %parallel_loop3A_769 : vector<1x16xf32> to vector<16xf32>
      %parallel_loop3A_771 = vector.shape_cast %parallel_loop3A_766 : vector<16xf32> to vector<1x16xf32>
      tpu.vector_store %arg4[%parallel_loop3A_767, %parallel_loop3A_768], %parallel_loop3A_771 {strides = array<i32>} : memref<112x1024xf32, #tpu.memory_space<vmem>>, vector<1x16xf32>,
    } {sc.loop_unroll_factor = 8 : i64, sc.parallel_access}
    %add3A_570 = arith.constant 176 : i32
    %add3A_571 = arith.addi %mul3A_2, %add3A_570 : i32
    %dma_start3A_572 = arith.constant 64 : i32
    %dma_start3A_573 = arith.constant 0 : i32
    %dma_start3A_574 = tpu.memref_slice %arg4[%dma_start3A_572, %dma_start3A_573] : memref<112x1024xf32, #tpu.memory_space<vmem>> -> memref<16x1024xf32, #tpu.memory_space<vmem>>
    %dma_start3A_575 = arith.constant 0 : i32
    %dma_start3A_576 = tpu.memref_slice %arg3[%add3A_571, %dma_start3A_575] : memref<8192x1024xf32, #tpu.memory_space<hbm>> -> memref<16x1024xf32, #tpu.memory_space<hbm>>
    %dma_start3A_577 = arith.constant 0 : i32
    %dma_start3A_578 = tpu.memref_slice %arg3[%add3A_571, %dma_start3A_577] : memref<8192x1024xf32, #tpu.memory_space<hbm>> -> memref<16x1024xf32, #tpu.memory_space<hbm>>
    %dma_start3A_579 = arith.constant 64 : i32
    %dma_start3A_580 = arith.constant 0 : i32
    %dma_start3A_581 = tpu.memref_slice %arg4[%dma_start3A_579, %dma_start3A_580] : memref<112x1024xf32, #tpu.memory_space<vmem>> -> memref<16x1024xf32, #tpu.memory_space<vmem>>
    tpu.enqueue_dma source(%dma_start3A_581 : memref<16x1024xf32, #tpu.memory_space<vmem>>) target(%dma_start3A_578 : memref<16x1024xf32, #tpu.memory_space<hbm>>) target_semaphore(%arg16 : memref<!tpu.dma_semaphore, #tpu.memory_space<semaphore_mem>>)
    %dma_wait3A_582 = arith.constant 80 : i32
    %dma_wait3A_583 = arith.constant 0 : i32
    %dma_wait3A_584 = tpu.memref_slice %arg4[%dma_wait3A_582, %dma_wait3A_583] : memref<112x1024xf32, #tpu.memory_space<vmem>> -> memref<16x1024xf32, #tpu.memory_space<vmem>>
    %dma_wait3A_585 = arith.constant 0 : i32
    %dma_wait3A_586 = tpu.memref_slice %arg2[%add3A_380, %dma_wait3A_585] : memref<8192x1024xf32, #tpu.memory_space<hbm>> -> memref<16x1024xf32, #tpu.memory_space<hbm>>
    %dma_wait3A_587 = arith.constant 80 : i32
    %dma_wait3A_588 = arith.constant 0 : i32
    %dma_wait3A_589 = tpu.memref_slice %arg4[%dma_wait3A_587, %dma_wait3A_588] : memref<112x1024xf32, #tpu.memory_space<vmem>> -> memref<16x1024xf32, #tpu.memory_space<vmem>>
    %dma_wait3A_590 = arith.constant 0 : i32
    %dma_wait3A_591 = tpu.memref_slice %arg2[%add3A_380, %dma_wait3A_590] : memref<8192x1024xf32, #tpu.memory_space<hbm>> -> memref<16x1024xf32, #tpu.memory_space<hbm>>
    tpu.wait_dma2 semaphore(%arg10 : memref<!tpu.dma_semaphore, #tpu.memory_space<semaphore_mem>>) src(%dma_wait3A_591 : memref<16x1024xf32, #tpu.memory_space<hbm>>) dst(%dma_wait3A_589 : memref<16x1024xf32, #tpu.memory_space<vmem>>)
    %parallel_loop3A_592 = arith.constant 0 : i32
    %parallel_loop3A_593 = arith.constant 16384 : i32
    %parallel_loop3A_594 = arith.constant 16 : i32
    scf.for %parallel_loop3A_752 = %parallel_loop3A_592 to %parallel_loop3A_593 step %parallel_loop3A_594  : i32 {
      %parallel_loop3A_753 = arith.constant 10 : i32
      %parallel_loop3A_754 = arith.shrsi %parallel_loop3A_752, %parallel_loop3A_753 : i32
      %parallel_loop3A_755 = arith.constant 80 : i32
      %parallel_loop3A_756 = arith.addi %parallel_loop3A_755, %parallel_loop3A_754 : i32
      %parallel_loop3A_757 = arith.constant 1023 : i32
      %parallel_loop3A_758 = arith.andi %parallel_loop3A_752, %parallel_loop3A_757 : i32
      %parallel_loop3A_759 = tpu.assume_multiple %parallel_loop3A_758, 16 : i32
      %parallel_loop3A_760 = arith.index_cast %parallel_loop3A_756 : i32 to index
      %parallel_loop3A_761 = arith.index_cast %parallel_loop3A_759 : i32 to index
      %parallel_loop3A_762 = tpu.vector_load %arg4[%parallel_loop3A_760, %parallel_loop3A_761] {strides = array<i32>} : memref<112x1024xf32, #tpu.memory_space<vmem>>, vector<1x16xf32>,
      %parallel_loop3A_763 = vector.shape_cast %parallel_loop3A_762 : vector<1x16xf32> to vector<16xf32>
      %parallel_loop3A_764 = arith.constant 3.125000e-02 : f32
      %parallel_loop3A_765 = vector.broadcast %parallel_loop3A_764 : f32 to vector<16xf32>
      %parallel_loop3A_766 = arith.mulf %parallel_loop3A_763, %parallel_loop3A_765 : vector<16xf32>
      %parallel_loop3A_767 = arith.index_cast %parallel_loop3A_756 : i32 to index
      %parallel_loop3A_768 = arith.index_cast %parallel_loop3A_759 : i32 to index
      %parallel_loop3A_769 = tpu.vector_load %arg4[%parallel_loop3A_767, %parallel_loop3A_768] {strides = array<i32>} : memref<112x1024xf32, #tpu.memory_space<vmem>>, vector<1x16xf32>,
      %parallel_loop3A_770 = vector.shape_cast %parallel_loop3A_769 : vector<1x16xf32> to vector<16xf32>
      %parallel_loop3A_771 = vector.shape_cast %parallel_loop3A_766 : vector<16xf32> to vector<1x16xf32>
      tpu.vector_store %arg4[%parallel_loop3A_767, %parallel_loop3A_768], %parallel_loop3A_771 {strides = array<i32>} : memref<112x1024xf32, #tpu.memory_space<vmem>>, vector<1x16xf32>,
    } {sc.loop_unroll_factor = 8 : i64, sc.parallel_access}
    %add3A_595 = arith.constant 192 : i32
    %add3A_596 = arith.addi %mul3A_2, %add3A_595 : i32
    %dma_start3A_597 = arith.constant 80 : i32
    %dma_start3A_598 = arith.constant 0 : i32
    %dma_start3A_599 = tpu.memref_slice %arg4[%dma_start3A_597, %dma_start3A_598] : memref<112x1024xf32, #tpu.memory_space<vmem>> -> memref<16x1024xf32, #tpu.memory_space<vmem>>
    %dma_start3A_600 = arith.constant 0 : i32
    %dma_start3A_601 = tpu.memref_slice %arg3[%add3A_596, %dma_start3A_600] : memref<8192x1024xf32, #tpu.memory_space<hbm>> -> memref<16x1024xf32, #tpu.memory_space<hbm>>
    %dma_start3A_602 = arith.constant 0 : i32
    %dma_start3A_603 = tpu.memref_slice %arg3[%add3A_596, %dma_start3A_602] : memref<8192x1024xf32, #tpu.memory_space<hbm>> -> memref<16x1024xf32, #tpu.memory_space<hbm>>
    %dma_start3A_604 = arith.constant 80 : i32
    %dma_start3A_605 = arith.constant 0 : i32
    %dma_start3A_606 = tpu.memref_slice %arg4[%dma_start3A_604, %dma_start3A_605] : memref<112x1024xf32, #tpu.memory_space<vmem>> -> memref<16x1024xf32, #tpu.memory_space<vmem>>
    tpu.enqueue_dma source(%dma_start3A_606 : memref<16x1024xf32, #tpu.memory_space<vmem>>) target(%dma_start3A_603 : memref<16x1024xf32, #tpu.memory_space<hbm>>) target_semaphore(%arg17 : memref<!tpu.dma_semaphore, #tpu.memory_space<semaphore_mem>>)
    %dma_wait3A_607 = arith.constant 96 : i32
    %dma_wait3A_608 = arith.constant 0 : i32
    %dma_wait3A_609 = tpu.memref_slice %arg4[%dma_wait3A_607, %dma_wait3A_608] : memref<112x1024xf32, #tpu.memory_space<vmem>> -> memref<16x1024xf32, #tpu.memory_space<vmem>>
    %dma_wait3A_610 = arith.constant 0 : i32
    %dma_wait3A_611 = tpu.memref_slice %arg2[%add3A_427, %dma_wait3A_610] : memref<8192x1024xf32, #tpu.memory_space<hbm>> -> memref<16x1024xf32, #tpu.memory_space<hbm>>
    %dma_wait3A_612 = arith.constant 96 : i32
    %dma_wait3A_613 = arith.constant 0 : i32
    %dma_wait3A_614 = tpu.memref_slice %arg4[%dma_wait3A_612, %dma_wait3A_613] : memref<112x1024xf32, #tpu.memory_space<vmem>> -> memref<16x1024xf32, #tpu.memory_space<vmem>>
    %dma_wait3A_615 = arith.constant 0 : i32
    %dma_wait3A_616 = tpu.memref_slice %arg2[%add3A_427, %dma_wait3A_615] : memref<8192x1024xf32, #tpu.memory_space<hbm>> -> memref<16x1024xf32, #tpu.memory_space<hbm>>
    tpu.wait_dma2 semaphore(%arg11 : memref<!tpu.dma_semaphore, #tpu.memory_space<semaphore_mem>>) src(%dma_wait3A_616 : memref<16x1024xf32, #tpu.memory_space<hbm>>) dst(%dma_wait3A_614 : memref<16x1024xf32, #tpu.memory_space<vmem>>)
    %parallel_loop3A_617 = arith.constant 0 : i32
    %parallel_loop3A_618 = arith.constant 16384 : i32
    %parallel_loop3A_619 = arith.constant 16 : i32
    scf.for %parallel_loop3A_752 = %parallel_loop3A_617 to %parallel_loop3A_618 step %parallel_loop3A_619  : i32 {
      %parallel_loop3A_753 = arith.constant 10 : i32
      %parallel_loop3A_754 = arith.shrsi %parallel_loop3A_752, %parallel_loop3A_753 : i32
      %parallel_loop3A_755 = arith.constant 96 : i32
      %parallel_loop3A_756 = arith.addi %parallel_loop3A_755, %parallel_loop3A_754 : i32
      %parallel_loop3A_757 = arith.constant 1023 : i32
      %parallel_loop3A_758 = arith.andi %parallel_loop3A_752, %parallel_loop3A_757 : i32
      %parallel_loop3A_759 = tpu.assume_multiple %parallel_loop3A_758, 16 : i32
      %parallel_loop3A_760 = arith.index_cast %parallel_loop3A_756 : i32 to index
      %parallel_loop3A_761 = arith.index_cast %parallel_loop3A_759 : i32 to index
      %parallel_loop3A_762 = tpu.vector_load %arg4[%parallel_loop3A_760, %parallel_loop3A_761] {strides = array<i32>} : memref<112x1024xf32, #tpu.memory_space<vmem>>, vector<1x16xf32>,
      %parallel_loop3A_763 = vector.shape_cast %parallel_loop3A_762 : vector<1x16xf32> to vector<16xf32>
      %parallel_loop3A_764 = arith.constant 3.125000e-02 : f32
      %parallel_loop3A_765 = vector.broadcast %parallel_loop3A_764 : f32 to vector<16xf32>
      %parallel_loop3A_766 = arith.mulf %parallel_loop3A_763, %parallel_loop3A_765 : vector<16xf32>
      %parallel_loop3A_767 = arith.index_cast %parallel_loop3A_756 : i32 to index
      %parallel_loop3A_768 = arith.index_cast %parallel_loop3A_759 : i32 to index
      %parallel_loop3A_769 = tpu.vector_load %arg4[%parallel_loop3A_767, %parallel_loop3A_768] {strides = array<i32>} : memref<112x1024xf32, #tpu.memory_space<vmem>>, vector<1x16xf32>,
      %parallel_loop3A_770 = vector.shape_cast %parallel_loop3A_769 : vector<1x16xf32> to vector<16xf32>
      %parallel_loop3A_771 = vector.shape_cast %parallel_loop3A_766 : vector<16xf32> to vector<1x16xf32>
      tpu.vector_store %arg4[%parallel_loop3A_767, %parallel_loop3A_768], %parallel_loop3A_771 {strides = array<i32>} : memref<112x1024xf32, #tpu.memory_space<vmem>>, vector<1x16xf32>,
    } {sc.loop_unroll_factor = 8 : i64, sc.parallel_access}
    %add3A_620 = arith.constant 208 : i32
    %add3A_621 = arith.addi %mul3A_2, %add3A_620 : i32
    %dma_start3A_622 = arith.constant 96 : i32
    %dma_start3A_623 = arith.constant 0 : i32
    %dma_start3A_624 = tpu.memref_slice %arg4[%dma_start3A_622, %dma_start3A_623] : memref<112x1024xf32, #tpu.memory_space<vmem>> -> memref<16x1024xf32, #tpu.memory_space<vmem>>
    %dma_start3A_625 = arith.constant 0 : i32
    %dma_start3A_626 = tpu.memref_slice %arg3[%add3A_621, %dma_start3A_625] : memref<8192x1024xf32, #tpu.memory_space<hbm>> -> memref<16x1024xf32, #tpu.memory_space<hbm>>
    %dma_start3A_627 = arith.constant 0 : i32
    %dma_start3A_628 = tpu.memref_slice %arg3[%add3A_621, %dma_start3A_627] : memref<8192x1024xf32, #tpu.memory_space<hbm>> -> memref<16x1024xf32, #tpu.memory_space<hbm>>
    %dma_start3A_629 = arith.constant 96 : i32
    %dma_start3A_630 = arith.constant 0 : i32
    %dma_start3A_631 = tpu.memref_slice %arg4[%dma_start3A_629, %dma_start3A_630] : memref<112x1024xf32, #tpu.memory_space<vmem>> -> memref<16x1024xf32, #tpu.memory_space<vmem>>
    tpu.enqueue_dma source(%dma_start3A_631 : memref<16x1024xf32, #tpu.memory_space<vmem>>) target(%dma_start3A_628 : memref<16x1024xf32, #tpu.memory_space<hbm>>) target_semaphore(%arg18 : memref<!tpu.dma_semaphore, #tpu.memory_space<semaphore_mem>>)
    %dma_wait3A_632 = arith.constant 0 : i32
    %dma_wait3A_633 = arith.constant 0 : i32
    %dma_wait3A_634 = tpu.memref_slice %arg4[%dma_wait3A_632, %dma_wait3A_633] : memref<112x1024xf32, #tpu.memory_space<vmem>> -> memref<16x1024xf32, #tpu.memory_space<vmem>>
    %dma_wait3A_635 = arith.constant 0 : i32
    %dma_wait3A_636 = tpu.memref_slice %arg2[%add3A_474, %dma_wait3A_635] : memref<8192x1024xf32, #tpu.memory_space<hbm>> -> memref<16x1024xf32, #tpu.memory_space<hbm>>
    %dma_wait3A_637 = arith.constant 0 : i32
    %dma_wait3A_638 = arith.constant 0 : i32
    %dma_wait3A_639 = tpu.memref_slice %arg4[%dma_wait3A_637, %dma_wait3A_638] : memref<112x1024xf32, #tpu.memory_space<vmem>> -> memref<16x1024xf32, #tpu.memory_space<vmem>>
    %dma_wait3A_640 = arith.constant 0 : i32
    %dma_wait3A_641 = tpu.memref_slice %arg2[%add3A_474, %dma_wait3A_640] : memref<8192x1024xf32, #tpu.memory_space<hbm>> -> memref<16x1024xf32, #tpu.memory_space<hbm>>
    tpu.wait_dma2 semaphore(%arg5 : memref<!tpu.dma_semaphore, #tpu.memory_space<semaphore_mem>>) src(%dma_wait3A_641 : memref<16x1024xf32, #tpu.memory_space<hbm>>) dst(%dma_wait3A_639 : memref<16x1024xf32, #tpu.memory_space<vmem>>)
    %parallel_loop3A_642 = arith.constant 0 : i32
    %parallel_loop3A_643 = arith.constant 16384 : i32
    %parallel_loop3A_644 = arith.constant 16 : i32
    scf.for %parallel_loop3A_752 = %parallel_loop3A_642 to %parallel_loop3A_643 step %parallel_loop3A_644  : i32 {
      %parallel_loop3A_753 = arith.constant 10 : i32
      %parallel_loop3A_754 = arith.shrsi %parallel_loop3A_752, %parallel_loop3A_753 : i32
      %parallel_loop3A_755 = arith.constant 0 : i32
      %parallel_loop3A_756 = arith.addi %parallel_loop3A_755, %parallel_loop3A_754 : i32
      %parallel_loop3A_757 = arith.constant 1023 : i32
      %parallel_loop3A_758 = arith.andi %parallel_loop3A_752, %parallel_loop3A_757 : i32
      %parallel_loop3A_759 = tpu.assume_multiple %parallel_loop3A_758, 16 : i32
      %parallel_loop3A_760 = arith.index_cast %parallel_loop3A_756 : i32 to index
      %parallel_loop3A_761 = arith.index_cast %parallel_loop3A_759 : i32 to index
      %parallel_loop3A_762 = tpu.vector_load %arg4[%parallel_loop3A_760, %parallel_loop3A_761] {strides = array<i32>} : memref<112x1024xf32, #tpu.memory_space<vmem>>, vector<1x16xf32>,
      %parallel_loop3A_763 = vector.shape_cast %parallel_loop3A_762 : vector<1x16xf32> to vector<16xf32>
      %parallel_loop3A_764 = arith.constant 3.125000e-02 : f32
      %parallel_loop3A_765 = vector.broadcast %parallel_loop3A_764 : f32 to vector<16xf32>
      %parallel_loop3A_766 = arith.mulf %parallel_loop3A_763, %parallel_loop3A_765 : vector<16xf32>
      %parallel_loop3A_767 = arith.index_cast %parallel_loop3A_756 : i32 to index
      %parallel_loop3A_768 = arith.index_cast %parallel_loop3A_759 : i32 to index
      %parallel_loop3A_769 = tpu.vector_load %arg4[%parallel_loop3A_767, %parallel_loop3A_768] {strides = array<i32>} : memref<112x1024xf32, #tpu.memory_space<vmem>>, vector<1x16xf32>,
      %parallel_loop3A_770 = vector.shape_cast %parallel_loop3A_769 : vector<1x16xf32> to vector<16xf32>
      %parallel_loop3A_771 = vector.shape_cast %parallel_loop3A_766 : vector<16xf32> to vector<1x16xf32>
      tpu.vector_store %arg4[%parallel_loop3A_767, %parallel_loop3A_768], %parallel_loop3A_771 {strides = array<i32>} : memref<112x1024xf32, #tpu.memory_space<vmem>>, vector<1x16xf32>,
    } {sc.loop_unroll_factor = 8 : i64, sc.parallel_access}
    %add3A_645 = arith.constant 224 : i32
    %add3A_646 = arith.addi %mul3A_2, %add3A_645 : i32
    %dma_start3A_647 = arith.constant 0 : i32
    %dma_start3A_648 = arith.constant 0 : i32
    %dma_start3A_649 = tpu.memref_slice %arg4[%dma_start3A_647, %dma_start3A_648] : memref<112x1024xf32, #tpu.memory_space<vmem>> -> memref<16x1024xf32, #tpu.memory_space<vmem>>
    %dma_start3A_650 = arith.constant 0 : i32
    %dma_start3A_651 = tpu.memref_slice %arg3[%add3A_646, %dma_start3A_650] : memref<8192x1024xf32, #tpu.memory_space<hbm>> -> memref<16x1024xf32, #tpu.memory_space<hbm>>
    %dma_start3A_652 = arith.constant 0 : i32
    %dma_start3A_653 = tpu.memref_slice %arg3[%add3A_646, %dma_start3A_652] : memref<8192x1024xf32, #tpu.memory_space<hbm>> -> memref<16x1024xf32, #tpu.memory_space<hbm>>
    %dma_start3A_654 = arith.constant 0 : i32
    %dma_start3A_655 = arith.constant 0 : i32
    %dma_start3A_656 = tpu.memref_slice %arg4[%dma_start3A_654, %dma_start3A_655] : memref<112x1024xf32, #tpu.memory_space<vmem>> -> memref<16x1024xf32, #tpu.memory_space<vmem>>
    tpu.enqueue_dma source(%dma_start3A_656 : memref<16x1024xf32, #tpu.memory_space<vmem>>) target(%dma_start3A_653 : memref<16x1024xf32, #tpu.memory_space<hbm>>) target_semaphore(%arg12 : memref<!tpu.dma_semaphore, #tpu.memory_space<semaphore_mem>>)
    %dma_wait3A_657 = arith.constant 16 : i32
    %dma_wait3A_658 = arith.constant 0 : i32
    %dma_wait3A_659 = tpu.memref_slice %arg4[%dma_wait3A_657, %dma_wait3A_658] : memref<112x1024xf32, #tpu.memory_space<vmem>> -> memref<16x1024xf32, #tpu.memory_space<vmem>>
    %dma_wait3A_660 = arith.constant 0 : i32
    %dma_wait3A_661 = tpu.memref_slice %arg2[%add3A_521, %dma_wait3A_660] : memref<8192x1024xf32, #tpu.memory_space<hbm>> -> memref<16x1024xf32, #tpu.memory_space<hbm>>
    %dma_wait3A_662 = arith.constant 16 : i32
    %dma_wait3A_663 = arith.constant 0 : i32
    %dma_wait3A_664 = tpu.memref_slice %arg4[%dma_wait3A_662, %dma_wait3A_663] : memref<112x1024xf32, #tpu.memory_space<vmem>> -> memref<16x1024xf32, #tpu.memory_space<vmem>>
    %dma_wait3A_665 = arith.constant 0 : i32
    %dma_wait3A_666 = tpu.memref_slice %arg2[%add3A_521, %dma_wait3A_665] : memref<8192x1024xf32, #tpu.memory_space<hbm>> -> memref<16x1024xf32, #tpu.memory_space<hbm>>
    tpu.wait_dma2 semaphore(%arg6 : memref<!tpu.dma_semaphore, #tpu.memory_space<semaphore_mem>>) src(%dma_wait3A_666 : memref<16x1024xf32, #tpu.memory_space<hbm>>) dst(%dma_wait3A_664 : memref<16x1024xf32, #tpu.memory_space<vmem>>)
    %parallel_loop3A_667 = arith.constant 0 : i32
    %parallel_loop3A_668 = arith.constant 16384 : i32
    %parallel_loop3A_669 = arith.constant 16 : i32
    scf.for %parallel_loop3A_752 = %parallel_loop3A_667 to %parallel_loop3A_668 step %parallel_loop3A_669  : i32 {
      %parallel_loop3A_753 = arith.constant 10 : i32
      %parallel_loop3A_754 = arith.shrsi %parallel_loop3A_752, %parallel_loop3A_753 : i32
      %parallel_loop3A_755 = arith.constant 16 : i32
      %parallel_loop3A_756 = arith.addi %parallel_loop3A_755, %parallel_loop3A_754 : i32
      %parallel_loop3A_757 = arith.constant 1023 : i32
      %parallel_loop3A_758 = arith.andi %parallel_loop3A_752, %parallel_loop3A_757 : i32
      %parallel_loop3A_759 = tpu.assume_multiple %parallel_loop3A_758, 16 : i32
      %parallel_loop3A_760 = arith.index_cast %parallel_loop3A_756 : i32 to index
      %parallel_loop3A_761 = arith.index_cast %parallel_loop3A_759 : i32 to index
      %parallel_loop3A_762 = tpu.vector_load %arg4[%parallel_loop3A_760, %parallel_loop3A_761] {strides = array<i32>} : memref<112x1024xf32, #tpu.memory_space<vmem>>, vector<1x16xf32>,
      %parallel_loop3A_763 = vector.shape_cast %parallel_loop3A_762 : vector<1x16xf32> to vector<16xf32>
      %parallel_loop3A_764 = arith.constant 3.125000e-02 : f32
      %parallel_loop3A_765 = vector.broadcast %parallel_loop3A_764 : f32 to vector<16xf32>
      %parallel_loop3A_766 = arith.mulf %parallel_loop3A_763, %parallel_loop3A_765 : vector<16xf32>
      %parallel_loop3A_767 = arith.index_cast %parallel_loop3A_756 : i32 to index
      %parallel_loop3A_768 = arith.index_cast %parallel_loop3A_759 : i32 to index
      %parallel_loop3A_769 = tpu.vector_load %arg4[%parallel_loop3A_767, %parallel_loop3A_768] {strides = array<i32>} : memref<112x1024xf32, #tpu.memory_space<vmem>>, vector<1x16xf32>,
      %parallel_loop3A_770 = vector.shape_cast %parallel_loop3A_769 : vector<1x16xf32> to vector<16xf32>
      %parallel_loop3A_771 = vector.shape_cast %parallel_loop3A_766 : vector<16xf32> to vector<1x16xf32>
      tpu.vector_store %arg4[%parallel_loop3A_767, %parallel_loop3A_768], %parallel_loop3A_771 {strides = array<i32>} : memref<112x1024xf32, #tpu.memory_space<vmem>>, vector<1x16xf32>,
    } {sc.loop_unroll_factor = 8 : i64, sc.parallel_access}
    %add3A_670 = arith.constant 240 : i32
    %add3A_671 = arith.addi %mul3A_2, %add3A_670 : i32
    %dma_start3A_672 = arith.constant 16 : i32
    %dma_start3A_673 = arith.constant 0 : i32
    %dma_start3A_674 = tpu.memref_slice %arg4[%dma_start3A_672, %dma_start3A_673] : memref<112x1024xf32, #tpu.memory_space<vmem>> -> memref<16x1024xf32, #tpu.memory_space<vmem>>
    %dma_start3A_675 = arith.constant 0 : i32
    %dma_start3A_676 = tpu.memref_slice %arg3[%add3A_671, %dma_start3A_675] : memref<8192x1024xf32, #tpu.memory_space<hbm>> -> memref<16x1024xf32, #tpu.memory_space<hbm>>
    %dma_start3A_677 = arith.constant 0 : i32
    %dma_start3A_678 = tpu.memref_slice %arg3[%add3A_671, %dma_start3A_677] : memref<8192x1024xf32, #tpu.memory_space<hbm>> -> memref<16x1024xf32, #tpu.memory_space<hbm>>
    %dma_start3A_679 = arith.constant 16 : i32
    %dma_start3A_680 = arith.constant 0 : i32
    %dma_start3A_681 = tpu.memref_slice %arg4[%dma_start3A_679, %dma_start3A_680] : memref<112x1024xf32, #tpu.memory_space<vmem>> -> memref<16x1024xf32, #tpu.memory_space<vmem>>
    tpu.enqueue_dma source(%dma_start3A_681 : memref<16x1024xf32, #tpu.memory_space<vmem>>) target(%dma_start3A_678 : memref<16x1024xf32, #tpu.memory_space<hbm>>) target_semaphore(%arg13 : memref<!tpu.dma_semaphore, #tpu.memory_space<semaphore_mem>>)
    %dma_wait3A_682 = arith.constant 32 : i32
    %dma_wait3A_683 = arith.constant 0 : i32
    %dma_wait3A_684 = tpu.memref_slice %arg4[%dma_wait3A_682, %dma_wait3A_683] : memref<112x1024xf32, #tpu.memory_space<vmem>> -> memref<16x1024xf32, #tpu.memory_space<vmem>>
    %dma_wait3A_685 = arith.constant 0 : i32
    %dma_wait3A_686 = tpu.memref_slice %arg3[%add3A_499, %dma_wait3A_685] : memref<8192x1024xf32, #tpu.memory_space<hbm>> -> memref<16x1024xf32, #tpu.memory_space<hbm>>
    %dma_wait3A_687 = arith.constant 0 : i32
    %dma_wait3A_688 = tpu.memref_slice %arg3[%add3A_499, %dma_wait3A_687] : memref<8192x1024xf32, #tpu.memory_space<hbm>> -> memref<16x1024xf32, #tpu.memory_space<hbm>>
    %dma_wait3A_689 = arith.constant 32 : i32
    %dma_wait3A_690 = arith.constant 0 : i32
    %dma_wait3A_691 = tpu.memref_slice %arg4[%dma_wait3A_689, %dma_wait3A_690] : memref<112x1024xf32, #tpu.memory_space<vmem>> -> memref<16x1024xf32, #tpu.memory_space<vmem>>
    tpu.wait_dma2 semaphore(%arg14 : memref<!tpu.dma_semaphore, #tpu.memory_space<semaphore_mem>>) src(%dma_wait3A_691 : memref<16x1024xf32, #tpu.memory_space<vmem>>) dst(%dma_wait3A_688 : memref<16x1024xf32, #tpu.memory_space<hbm>>)
    %dma_wait3A_692 = arith.constant 48 : i32
    %dma_wait3A_693 = arith.constant 0 : i32
    %dma_wait3A_694 = tpu.memref_slice %arg4[%dma_wait3A_692, %dma_wait3A_693] : memref<112x1024xf32, #tpu.memory_space<vmem>> -> memref<16x1024xf32, #tpu.memory_space<vmem>>
    %dma_wait3A_695 = arith.constant 0 : i32
    %dma_wait3A_696 = tpu.memref_slice %arg3[%add3A_546, %dma_wait3A_695] : memref<8192x1024xf32, #tpu.memory_space<hbm>> -> memref<16x1024xf32, #tpu.memory_space<hbm>>
    %dma_wait3A_697 = arith.constant 0 : i32
    %dma_wait3A_698 = tpu.memref_slice %arg3[%add3A_546, %dma_wait3A_697] : memref<8192x1024xf32, #tpu.memory_space<hbm>> -> memref<16x1024xf32, #tpu.memory_space<hbm>>
    %dma_wait3A_699 = arith.constant 48 : i32
    %dma_wait3A_700 = arith.constant 0 : i32
    %dma_wait3A_701 = tpu.memref_slice %arg4[%dma_wait3A_699, %dma_wait3A_700] : memref<112x1024xf32, #tpu.memory_space<vmem>> -> memref<16x1024xf32, #tpu.memory_space<vmem>>
    tpu.wait_dma2 semaphore(%arg15 : memref<!tpu.dma_semaphore, #tpu.memory_space<semaphore_mem>>) src(%dma_wait3A_701 : memref<16x1024xf32, #tpu.memory_space<vmem>>) dst(%dma_wait3A_698 : memref<16x1024xf32, #tpu.memory_space<hbm>>)
    %dma_wait3A_702 = arith.constant 64 : i32
    %dma_wait3A_703 = arith.constant 0 : i32
    %dma_wait3A_704 = tpu.memref_slice %arg4[%dma_wait3A_702, %dma_wait3A_703] : memref<112x1024xf32, #tpu.memory_space<vmem>> -> memref<16x1024xf32, #tpu.memory_space<vmem>>
    %dma_wait3A_705 = arith.constant 0 : i32
    %dma_wait3A_706 = tpu.memref_slice %arg3[%add3A_571, %dma_wait3A_705] : memref<8192x1024xf32, #tpu.memory_space<hbm>> -> memref<16x1024xf32, #tpu.memory_space<hbm>>
    %dma_wait3A_707 = arith.constant 0 : i32
    %dma_wait3A_708 = tpu.memref_slice %arg3[%add3A_571, %dma_wait3A_707] : memref<8192x1024xf32, #tpu.memory_space<hbm>> -> memref<16x1024xf32, #tpu.memory_space<hbm>>
    %dma_wait3A_709 = arith.constant 64 : i32
    %dma_wait3A_710 = arith.constant 0 : i32
    %dma_wait3A_711 = tpu.memref_slice %arg4[%dma_wait3A_709, %dma_wait3A_710] : memref<112x1024xf32, #tpu.memory_space<vmem>> -> memref<16x1024xf32, #tpu.memory_space<vmem>>
    tpu.wait_dma2 semaphore(%arg16 : memref<!tpu.dma_semaphore, #tpu.memory_space<semaphore_mem>>) src(%dma_wait3A_711 : memref<16x1024xf32, #tpu.memory_space<vmem>>) dst(%dma_wait3A_708 : memref<16x1024xf32, #tpu.memory_space<hbm>>)
    %dma_wait3A_712 = arith.constant 80 : i32
    %dma_wait3A_713 = arith.constant 0 : i32
    %dma_wait3A_714 = tpu.memref_slice %arg4[%dma_wait3A_712, %dma_wait3A_713] : memref<112x1024xf32, #tpu.memory_space<vmem>> -> memref<16x1024xf32, #tpu.memory_space<vmem>>
    %dma_wait3A_715 = arith.constant 0 : i32
    %dma_wait3A_716 = tpu.memref_slice %arg3[%add3A_596, %dma_wait3A_715] : memref<8192x1024xf32, #tpu.memory_space<hbm>> -> memref<16x1024xf32, #tpu.memory_space<hbm>>
    %dma_wait3A_717 = arith.constant 0 : i32
    %dma_wait3A_718 = tpu.memref_slice %arg3[%add3A_596, %dma_wait3A_717] : memref<8192x1024xf32, #tpu.memory_space<hbm>> -> memref<16x1024xf32, #tpu.memory_space<hbm>>
    %dma_wait3A_719 = arith.constant 80 : i32
    %dma_wait3A_720 = arith.constant 0 : i32
    %dma_wait3A_721 = tpu.memref_slice %arg4[%dma_wait3A_719, %dma_wait3A_720] : memref<112x1024xf32, #tpu.memory_space<vmem>> -> memref<16x1024xf32, #tpu.memory_space<vmem>>
    tpu.wait_dma2 semaphore(%arg17 : memref<!tpu.dma_semaphore, #tpu.memory_space<semaphore_mem>>) src(%dma_wait3A_721 : memref<16x1024xf32, #tpu.memory_space<vmem>>) dst(%dma_wait3A_718 : memref<16x1024xf32, #tpu.memory_space<hbm>>)
    %dma_wait3A_722 = arith.constant 96 : i32
    %dma_wait3A_723 = arith.constant 0 : i32
    %dma_wait3A_724 = tpu.memref_slice %arg4[%dma_wait3A_722, %dma_wait3A_723] : memref<112x1024xf32, #tpu.memory_space<vmem>> -> memref<16x1024xf32, #tpu.memory_space<vmem>>
    %dma_wait3A_725 = arith.constant 0 : i32
    %dma_wait3A_726 = tpu.memref_slice %arg3[%add3A_621, %dma_wait3A_725] : memref<8192x1024xf32, #tpu.memory_space<hbm>> -> memref<16x1024xf32, #tpu.memory_space<hbm>>
    %dma_wait3A_727 = arith.constant 0 : i32
    %dma_wait3A_728 = tpu.memref_slice %arg3[%add3A_621, %dma_wait3A_727] : memref<8192x1024xf32, #tpu.memory_space<hbm>> -> memref<16x1024xf32, #tpu.memory_space<hbm>>
    %dma_wait3A_729 = arith.constant 96 : i32
    %dma_wait3A_730 = arith.constant 0 : i32
    %dma_wait3A_731 = tpu.memref_slice %arg4[%dma_wait3A_729, %dma_wait3A_730] : memref<112x1024xf32, #tpu.memory_space<vmem>> -> memref<16x1024xf32, #tpu.memory_space<vmem>>
    tpu.wait_dma2 semaphore(%arg18 : memref<!tpu.dma_semaphore, #tpu.memory_space<semaphore_mem>>) src(%dma_wait3A_731 : memref<16x1024xf32, #tpu.memory_space<vmem>>) dst(%dma_wait3A_728 : memref<16x1024xf32, #tpu.memory_space<hbm>>)
    %dma_wait3A_732 = arith.constant 0 : i32
    %dma_wait3A_733 = arith.constant 0 : i32
    %dma_wait3A_734 = tpu.memref_slice %arg4[%dma_wait3A_732, %dma_wait3A_733] : memref<112x1024xf32, #tpu.memory_space<vmem>> -> memref<16x1024xf32, #tpu.memory_space<vmem>>
    %dma_wait3A_735 = arith.constant 0 : i32
    %dma_wait3A_736 = tpu.memref_slice %arg3[%add3A_646, %dma_wait3A_735] : memref<8192x1024xf32, #tpu.memory_space<hbm>> -> memref<16x1024xf32, #tpu.memory_space<hbm>>
    %dma_wait3A_737 = arith.constant 0 : i32
    %dma_wait3A_738 = tpu.memref_slice %arg3[%add3A_646, %dma_wait3A_737] : memref<8192x1024xf32, #tpu.memory_space<hbm>> -> memref<16x1024xf32, #tpu.memory_space<hbm>>
    %dma_wait3A_739 = arith.constant 0 : i32
    %dma_wait3A_740 = arith.constant 0 : i32
    %dma_wait3A_741 = tpu.memref_slice %arg4[%dma_wait3A_739, %dma_wait3A_740] : memref<112x1024xf32, #tpu.memory_space<vmem>> -> memref<16x1024xf32, #tpu.memory_space<vmem>>
    tpu.wait_dma2 semaphore(%arg12 : memref<!tpu.dma_semaphore, #tpu.memory_space<semaphore_mem>>) src(%dma_wait3A_741 : memref<16x1024xf32, #tpu.memory_space<vmem>>) dst(%dma_wait3A_738 : memref<16x1024xf32, #tpu.memory_space<hbm>>)
    %dma_wait3A_742 = arith.constant 16 : i32
    %dma_wait3A_743 = arith.constant 0 : i32
    %dma_wait3A_744 = tpu.memref_slice %arg4[%dma_wait3A_742, %dma_wait3A_743] : memref<112x1024xf32, #tpu.memory_space<vmem>> -> memref<16x1024xf32, #tpu.memory_space<vmem>>
    %dma_wait3A_745 = arith.constant 0 : i32
    %dma_wait3A_746 = tpu.memref_slice %arg3[%add3A_671, %dma_wait3A_745] : memref<8192x1024xf32, #tpu.memory_space<hbm>> -> memref<16x1024xf32, #tpu.memory_space<hbm>>
    %dma_wait3A_747 = arith.constant 0 : i32
    %dma_wait3A_748 = tpu.memref_slice %arg3[%add3A_671, %dma_wait3A_747] : memref<8192x1024xf32, #tpu.memory_space<hbm>> -> memref<16x1024xf32, #tpu.memory_space<hbm>>
    %dma_wait3A_749 = arith.constant 16 : i32
    %dma_wait3A_750 = arith.constant 0 : i32
    %dma_wait3A_751 = tpu.memref_slice %arg4[%dma_wait3A_749, %dma_wait3A_750] : memref<112x1024xf32, #tpu.memory_space<vmem>> -> memref<16x1024xf32, #tpu.memory_space<vmem>>
    tpu.wait_dma2 semaphore(%arg13 : memref<!tpu.dma_semaphore, #tpu.memory_space<semaphore_mem>>) src(%dma_wait3A_751 : memref<16x1024xf32, #tpu.memory_space<vmem>>) dst(%dma_wait3A_748 : memref<16x1024xf32, #tpu.memory_space<hbm>>)
    return
  }
}

</mosaic_0001>

<sc_bundles>
// kernel: kernel.3.cloned.1.call-start
scs
__scs_entry_jumppad:
0x0: {  	(pc) =	sbr.rel $0x88, $3  }
0x1: {  	(tag) =	ssettag $0x0;
	lr =	simm.s32 $0x1  }
0x2: {  	[smem:$0x3FA0] =	sst lr;
	_ =	strace $0xD0000000  }
0x3: {  	_ = 	snop  }
0x4: {  	_ = 	snop  }
0x5: {  	_ = 	snop  }
0x6: {  	_ = 	snop  }
0x7: {  	_ = 	snop  }
__scs_overlays_trampoline_lowered:
0x8: {  	[smem:$0x3FAF] =	sst s0  }
0x9: {  	[smem:$0x3FB0] =	sst s1  }
0xa: {  	[smem:$0x3FB1] =	sst s2  }
0xb: {  	[smem:$0x3FB2] =	sst s3  }
0xc: {  	[smem:$0x3FB3] =	sst s4  }
0xd: {  	[smem:$0x3FB4] =	sst s5  }
0xe: {  	[smem:$0x3FB5] =	sst s6  }
0xf: {  	[smem:$0x3FB6] =	sst s7  }
0x10: {  	[smem:$0x3FB7] =	sst s8  }
0x11: {  	[smem:$0x3FB8] =	sst s9;
	s0 =	simm.s32 @!p0 $0x0  }
0x12: {  	s1 =	sld [smem:$0x3F9E];
	s0 =	simm.s32 @p0 $0x1  }
0x13: {  	[smem:$0x3FB9] =	sst s0;
	s0 =	simm.s32 @!p1 $0x0  }
0x14: {  	s2 =	sld [smem:$0x3F9D];
	s0 =	simm.s32 @p1 $0x1  }
0x15: {  	[smem:$0x3FBA] =	sst s0;
	s0 =	simm.s32 @!p2 $0x0  }
0x16: {  	s3 =	sld [smem:$0x3FDB];
	s0 =	simm.s32 @p2 $0x1  }
0x17: {  	s4 =	simm.s32 $0x1BF5;
	[smem:$0x3FBC] =	sst s0  }
0x18: {  	s0 =	sld [smem:$0x3F9F];
	_ =	swait.ge [sflag:s4], $0x0  }
0x19: {  	s7 =	sld [smem:$0x3FA0]  }
0x1a: {  	s8 =	sadd.s32 $0xFFFFE003, lr  }
0x1b: {  	s9 =	sadd.s32 $0xFFFFFEF7, lr;
	s5 =	simm.s32 $0xFFFFFFFF;
	p2 =	slt.u32 s8, $0xFFFFF086  }
0x1c: {  	p1 =	slt.u32 s9, $0xF7A;
	s5 =	simm.s32 @!p2 $0x0  }
0x1d: {  	s5 =	simm.s32 @p1 $0x1;
	p0 =	seq.s32 s7, s2  }
0x1e: {  	s7 =	smul.u32 @!p0 $0xF7A, s2;
	p2 =	seq.s32 @!p0 s5, $0x0  }
0x1f: {  	s9 =	smul.u32 $0xF7A, s1;
	s8 =	simm.s32 @!p0 $0x1BF5;
	p2 =	por !p2, p0  }
0x20: {  	[sflag:s8] =	ssyncset.s32 @!p0 $0xFFFFF086;
	s6 =	sadd.s32 @!p0 s3, s7;
	s7 =	simm.s32 @!p0 $0x108  }
0x21: {  	s3 =	sadd.s32 s3, s9;
	s6 =	sadd.s32 @!p0 $0x88, s6;
	s7 =	simm.s32 @p2 $0x1082  }
0x22: {  	[simem:s7], [sflag:s8] =	dma.local @!p0 [hbm:s6], $0xF7A  }
0x23: {  	s9 =	sor.u32 $0xD0000000, s2;
	s6 =	simm.s32 $0x108;
	_ =	swait.ge @!p0 [sflag:s8], $0x0  }
0x24: {  	s3 =	sadd.s32 $0x88, s3;
	s6 =	simm.s32 @!p1 $0x1082;
	[sflag:s4] =	ssyncset.s32 $0xFFFFF086  }
0x25: {  	[simem:s6], [sflag:s4] =	dma.local [hbm:s3], $0xF7A  }
0x26: {  	[smem:$0x3FA0] =	sst s1;
	(tag) =	ssettag s2;
	_ =	strace s9  }
0x27: {  	s1 =	sld [smem:$0x3FB0]  }
0x28: {  	s2 =	sld [smem:$0x3FB1]  }
0x29: {  	s4 =	sld [smem:$0x3FB3]  }
0x2a: {  	p0 =	seq.s32 s5, $0x0;
	s5 =	sld [smem:$0x3FB4]  }
0x2b: {  	s6 =	sld [smem:$0x3FB5]  }
0x2c: {  	s7 =	sld [smem:$0x3FB6]  }
0x2d: {  	s3 =	simm.s32 $0x108;
	s8 =	sld [smem:$0x3FB7]  }
0x2e: {  	s3 =	simm.s32 @!p0 $0x1082;
	s9 =	sld [smem:$0x3FB8]  }
0x2f: {  	lr =	sadd.s32 s0, s3;
	s0 =	sld [smem:$0x3FAF]  }
0x30: {  	s3 =	sld [smem:$0x3FB2]  }
0x31: {  	[smem:$0x3FBB] =	sst s10  }
0x32: {  	s10 =	sld [smem:$0x3FB9];
	_ =	sdelay $0x3  }
0x33: {  	p0 =	seq.s32 s10, $0x1;
	s10 =	sld [smem:$0x3FBB];
	_ =	sdelay $0x3  }
0x34: {  	[smem:$0x3FBB] =	sst s10  }
0x35: {  	s10 =	sld [smem:$0x3FBA];
	_ =	sdelay $0x3  }
0x36: {  	p1 =	seq.s32 s10, $0x1;
	s10 =	sld [smem:$0x3FBB];
	_ =	sdelay $0x3  }
0x37: {  	[smem:$0x3FBB] =	sst s10  }
0x38: {  	s10 =	sld [smem:$0x3FBC]  }
0x39: {  	_ = 	snop;
	(pc) =	sbr.ind lr, $3  }
0x3a: {  	_ = 	snop  }
0x3b: {  	_ = 	snop  }
0x3c: {  	p2 =	seq.s32 s10, $0x1;
	s10 =	sld [smem:$0x3FBB]  }
0x3d: {  	_ =	shalt  }
0x3e: {  	_ =	shalt  }
0x3f: {  	_ =	shalt  }
0x40: {  	_ =	shalt  }
0x41: {  	_ =	shalt  }
0x42: {  	_ =	shalt  }
0x43: {  	_ =	shalt  }
0x44: {  	_ =	shalt  }
0x45: {  	_ =	shalt  }
0x46: {  	_ =	shalt  }
0x47: {  	_ =	shalt  }
0x48: {  	_ =	shalt  }
0x49: {  	_ =	shalt  }
0x4a: {  	_ =	shalt  }
0x4b: {  	_ =	shalt  }
0x4c: {  	_ =	shalt  }
0x4d: {  	_ =	shalt  }
0x4e: {  	_ =	shalt  }
0x4f: {  	_ =	shalt  }
0x50: {  	_ =	shalt  }
0x51: {  	_ =	shalt  }
0x52: {  	_ =	shalt  }
0x53: {  	_ =	shalt  }
0x54: {  	_ =	shalt  }
0x55: {  	_ =	shalt  }
0x56: {  	_ =	shalt  }
0x57: {  	_ =	shalt  }
0x58: {  	_ =	shalt  }
0x59: {  	_ =	shalt  }
0x5a: {  	_ =	shalt  }
0x5b: {  	_ =	shalt  }
0x5c: {  	_ =	shalt  }
0x5d: {  	_ =	shalt  }
0x5e: {  	_ =	shalt  }
0x5f: {  	_ =	shalt  }
0x60: {  	_ =	shalt  }
0x61: {  	_ =	shalt  }
0x62: {  	_ =	shalt  }
0x63: {  	_ =	shalt  }
0x64: {  	_ =	shalt  }
0x65: {  	_ =	shalt  }
0x66: {  	_ =	shalt  }
0x67: {  	_ =	shalt  }
0x68: {  	_ =	shalt  }
0x69: {  	_ =	shalt  }
0x6a: {  	_ =	shalt  }
0x6b: {  	_ =	shalt  }
0x6c: {  	_ =	shalt  }
0x6d: {  	_ =	shalt  }
0x6e: {  	_ =	shalt  }
0x6f: {  	_ =	shalt  }
0x70: {  	_ =	shalt  }
0x71: {  	_ =	shalt  }
0x72: {  	_ =	shalt  }
0x73: {  	_ =	shalt  }
0x74: {  	_ =	shalt  }
0x75: {  	_ =	shalt  }
0x76: {  	_ =	shalt  }
0x77: {  	_ =	shalt  }
0x78: {  	_ =	shalt  }
0x79: {  	_ =	shalt  }
0x7a: {  	_ =	shalt  }
0x7b: {  	_ =	shalt  }
0x7c: {  	_ =	shalt  }
0x7d: {  	_ =	shalt  }
0x7e: {  	_ =	shalt  }
0x7f: {  	_ =	shalt  }
0x80: {  	_ =	shalt  }
0x81: {  	_ =	shalt  }
0x82: {  	_ =	shalt  }
0x83: {  	_ =	shalt  }
0x84: {  	_ =	shalt  }
0x85: {  	_ =	shalt  }
0x86: {  	_ =	shalt  }
0x87: {  	_ =	shalt  }
.Lfunc_end0:
.L_simem_size_0:
called_computation_lowered:
.L_overlay_start_0:
0x88: {  	s2 =	sld [smem:$0x3FD9]  }
0x89: {  	s3 =	sld [smem:$0x3FFE];
	_ =	sdelay $0x1  }
0x8a: {  	s1 =	srdreg.scid  }
0x8b: {  	s0 =	sand.u32 $0x1, s1  }
0x8c: {  	s18 =	sshll.u32 s0, $0xA;
	s2 =	sadd.s32 s3, s2  }
0x8d: {  	s2 =	sadd.s32 s2, s18  }
0x8e: {  	[smem:$0x3FC7] =	sst s2  }
0x8f: {  	_ = 	snop  }
0x90: {  	s2 =	sld [smem:$0x3FC9]  }
0x91: {  	s19 =	sld [smem:$0x3FD0];
	(tm) =	ssettm $0x1  }
0x92: {  	s4 =	sld [smem:$0x3FFB];
	_ =	sdelay $0x3  }
0x93: {  	_ =	strace s4  }
0x94: {  	s4 =	sld [smem:$0x3FFC];
	_ =	sdelay $0x3  }
0x95: {  	_ =	strace s4  }
0x96: {  	s4 =	sld [smem:$0x3FFD];
	_ =	sdelay $0x3  }
0x97: {  	_ =	strace s4  }
0x98: {  	_ =	strace $0x8FFFFFFF  }
0x99: {  	s20 =	sld [smem:$0x3FDB];
	_ =	sdelay $0x1  }
0x9a: {  	s5 =	simm.s32 $_scs_section_size  }
0x9b: {  	s6 =	simm.s32 $_size__tile_overlayer_lowered;
	s7 =	simm.s32 $_tile_overlayer_lowered  }
0x9c: {  	s23 =	simm.s32 $0x1BFF;
	s22 =	sshll.u32 s7, $0x1;
	s4 =	sadd.s32 s5, s20  }
0x9d: {  	s8 =	simm.s32 $0x0;
	s21 =	sshll.u32 s6, $0x1;
	s6 =	sadd.s32 s22, s4  }
0x9e: {  	[timem:s8], [sflag:s23] =	dma.local [hbm:s6], s21  }
0x9f: {  	_ =	swait.ge [sflag:s23], s21  }
0xa0: {  	s5 =	ssub.s32 $0x0, s21;
	[sflag:s23] =	ssyncset.done $0x0  }
0xa1: {  	[sflag:s23] =	ssyncadd.s32 s5;
	_ =	sdelay $0x1  }
0xa2: {  	s24 =	simm.s32 $0x1B8B  }
0xa3: {  	_ =	swait.ge [sflag:s24], $0x1  }
0xa4: {  	[sflag:s24] =	ssyncset.done $0x0  }
0xa5: {  	s25 =	simm.s32 $0x1B8E;
	[sflag:s24] =	ssyncadd.s32 $0xFFFFFFFF  }
0xa6: {  	s26 =	simm.s32 $execute0_lowered;
	[smem:$0x3FD2] =	sst s25  }
0xa7: {  	s5 =	sshll.u32 s26, $0x1;
	_ =	strace $0x80000046;
	[dreg:$0x1] =	wrdreg $0xFFFFFFFF  }
0xa8: {  	s28 =	simm.s32 $_size_execute0_lowered;
	s4 =	sadd.s32 s4, s5;
	[dreg:$0x0] =	wrdreg $0x0  }
0xa9: {  	s5 =	sshll.u32 s28, $0x1;
	[dreg:$0x2] =	wrdreg s4  }
0xaa: {  	[dreg:$0x3] =	wrdreg s5  }
0xab: {  	[dreg:$0x4] =	wrdreg $0xC0  }
0xac: {  	_ =	task [dreg:s8], $0x5FFFF  }
0xad: {  	[dreg:$0x1] =	wrdreg $0xFFFFFFFF  }
0xae: {  	[dreg:$0x0] =	wrdreg $0x60  }
0xaf: {  	[dreg:$0x2] =	wrdreg s2  }
0xb0: {  	[dreg:$0x3] =	wrdreg s19  }
0xb1: {  	[dreg:$0x4] =	wrdreg $0x9  }
0xb2: {  	_ =	task.clear_ibuf [dreg:s8], $0x5FFFF;
	_ =	strace $0x90000046  }
0xb3: {  	s29 =	simm.s32 $0x9;
	_ =	strace $0x80000048  }
0xb4: {  	_ =	swait.ge [sflag:s29], $0x1  }
0xb5: {  	[sflag:s29] =	ssyncadd.s32 $0xFFFFFFFF  }
0xb6: {  	_ =	strace $0x90000048  }
0xb7: {  	_ =	sfence  }
0xb8: {  	s30 =	sld [smem:$0x0];
	_ =	sdelay $0x2  }
0xb9: {  	s31 =	sshll.u32 s1, $0xD;
	s1 =	sshrl.u32 s1, $0x2  }
0xba: {  	s3 =	sand.u32 $0x4000, s31;
	s1 =	sadd.s32 s1, s30  }
0xbb: {  	s0 =	sor.u32 s3, s0;
	s1 =	sshll.u32 s1, $0x11  }
0xbc: {  	s0 =	sor.u32 s1, s0  }
0xbd: {  	s0 =	sadd.s32 $0x8F2B, s0  }
0xbe: {  	[sflag:s0] =	ssyncadd.remote.s32 $0x1  }
0xbf: {  	_ =	sfence.sel $0xFFFF  }
0xc0: {  	[dreg:$0x0] =	wrdreg $0xFFFFFFFF;
	(pc) =	sbr.abs _section_cstart, $3  }
0xc1: {  	[dreg:$0x1] =	wrdreg $0xFFFFFFFF  }
0xc2: {  	_ =	task.clear_ibuf [dreg:s8], $0x2FFFF;
	_ =	strace $0x9FFFFFFF  }
0xc3: {  	(tm) =	ssettm $0x7FFFFFFF  }
tec
execute0_lowered:
.L_overlay_start_1:
0x0: {  	(tag) =	ssettag $0x1  }
0x1: {  	s2 =	srdreg.scid  }
0x2: {  	s0 =	rddreg [dreg:$0x0];
	s5 =	stileid.u32;
	s2 =	sand.u32 $0x1, s2  }
0x3: {  	s5 =	sshll.u32 s5, $0xF;
	s4 =	ssub.s32 $0x2, s2;
	s2 =	sshll.u32 s2, $0x13  }
0x4: {  	s3 =	rddreg [dreg:$0x1];
	s1 =	simm.s32 $0x0;
	s2 =	sor.u32 s5, s2  }
0x5: {  	[smem:$0x7FF] =	sst s1;
	s6 =	sshrl.u32 s4, $0x1;
	s5 =	sadd.s32 s0, s2  }
0x6: {  	s17 =	sor.u32 $0x800, s2;
	s12 =	sadd.s32 s3, s2;
	[dreg:$0x3] =	wrdreg s5  }
0x7: {  	s19 =	sor.u32 $0x1000, s2;
	s18 =	sadd.s32 s0, s17;
	[dreg:$0xa] =	wrdreg s12  }
0x8: {  	s7 =	sor.u32 $0x1800, s2;
	s8 =	sadd.s32 s0, s19;
	[dreg:$0x4] =	wrdreg s18  }
0x9: {  	s21 =	sor.u32 $0x2000, s2;
	s20 =	sadd.s32 s0, s7;
	[dreg:$0x5] =	wrdreg s8  }
0xa: {  	s22 =	sor.u32 $0x2800, s2;
	s9 =	sadd.s32 s0, s21;
	[dreg:$0x6] =	wrdreg s20  }
0xb: {  	s10 =	sor.u32 $0x3000, s2;
	s11 =	sadd.s32 s0, s22;
	[dreg:$0x7] =	wrdreg s9  }
0xc: {  	s4 =	ssub.s32 s4, s6;
	s23 =	sadd.s32 s0, s10;
	[dreg:$0x8] =	wrdreg s11  }
0xd: {  	s24 =	sor.u32 $0x3800, s2;
	s5 =	sadd.s32 s3, s17;
	[dreg:$0x9] =	wrdreg s23  }
0xe: {  	s28 =	sor.u32 $0x4000, s2;
	s25 =	sadd.s32 s0, s24;
	[dreg:$0xb] =	wrdreg s5  }
0xf: {  	s29 =	sor.u32 $0x4800, s2;
	s26 =	sadd.s32 s3, s19;
	[dreg:$0xc] =	wrdreg s25  }
0x10: {  	s14 =	sor.u32 $0x5000, s2;
	s30 =	sadd.s32 s0, s28;
	[dreg:$0xd] =	wrdreg s26  }
0x11: {  	s15 =	sor.u32 $0x5800, s2;
	s7 =	sadd.s32 s3, s7;
	[dreg:$0xe] =	wrdreg s30  }
0x12: {  	s16 =	sor.u32 $0x6000, s2;
	s31 =	sadd.s32 s0, s29;
	[dreg:$0xf] =	wrdreg s7  }
0x13: {  	s6 =	simm.s32 $0x8000;
	s10 =	sadd.s32 s3, s10;
	[dreg:$0x10] =	wrdreg s31  }
0x14: {  	s12 =	sadd.s32 s3, s24;
	s13 =	sadd.s32 s3, s29;
	[dreg:$0x13] =	wrdreg s10  }
0x15: {  	s17 =	sor.u32 $0x6800, s2;
	s19 =	sor.u32 $0x7800, s2;
	[dreg:$0x14] =	wrdreg s12  }
0x16: {  	s4 =	smax.u32 s4, $0x1;
	s8 =	sadd.s32 s3, s21;
	[dreg:$0x16] =	wrdreg s13  }
0x17: {  	s9 =	sadd.s32 s3, s22;
	s5 =	sadd.s32 s3, s28;
	[dreg:$0x11] =	wrdreg s8  }
0x18: {  	s18 =	sor.u32 $0x7000, s2;
	s20 =	sadd.s32 s0, s14;
	[dreg:$0x12] =	wrdreg s9  }
0x19: {  	s21 =	sadd.s32 s0, s15;
	s22 =	sadd.s32 s0, s16;
	[dreg:$0x15] =	wrdreg s5  }
0x1a: {  	s23 =	sadd.s32 s0, s17;
	s25 =	sadd.s32 s3, s14;
	[dreg:$0x17] =	wrdreg s20  }
0x1b: {  	s26 =	sadd.s32 s3, s15;
	s28 =	sadd.s32 s3, s16;
	[dreg:$0x18] =	wrdreg s21  }
0x1c: {  	s29 =	sadd.s32 s3, s17;
	s31 =	sadd.s32 s3, s19;
	[dreg:$0x19] =	wrdreg s22  }
0x1d: {  	s7 =	simm.s32 $0xC000;
	s10 =	simm.s32 $0x18000;
	[dreg:$0x1a] =	wrdreg s23  }
0x1e: {  	s11 =	simm.s32 $0x1;
	s12 =	simm.s32 $0x2;
	[dreg:$0x1d] =	wrdreg s25  }
0x1f: {  	s13 =	simm.s32 $0x8;
	s14 =	simm.s32 $0x3;
	[dreg:$0x1e] =	wrdreg s26  }
0x20: {  	s15 =	simm.s32 $0x9;
	s16 =	simm.s32 $0x4;
	[dreg:$0x1f] =	wrdreg s28  }
0x21: {  	s17 =	simm.s32 $0xA;
	s24 =	sadd.s32 s0, s18;
	[smem:$0x7FB] =	sst s29  }
0x22: {  	s0 =	sadd.s32 s0, s19;
	s30 =	sadd.s32 s3, s18;
	[smem:$0x7FD] =	sst s31  }
0x23: {  	s5 =	simm.s32 $0x4000;
	s8 =	simm.s32 $0x10000;
	s9 =	simm.s32 $0x14000  }
0x24: {  	s18 =	simm.s32 $0x5;
	s19 =	simm.s32 $0xB;
	[dreg:$0x1b] =	wrdreg s24  }
0x25: {  	s20 =	simm.s32 $0x6;
	s21 =	simm.s32 $0xC;
	[dreg:$0x1c] =	wrdreg s0  }
0x26: {  	s22 =	simm.s32 $0x7;
	s23 =	simm.s32 $0xD;
	[smem:$0x7FC] =	sst s30  }
0x27: {  	s25 =	simm.s32 $0x0;
	s24 =	simm.s32 $0xE;
	_ =	strace $0x80000047  }
.LBB2_1:
0x28: {  	s0 =	rddreg [dreg:$0x3]  }
0x29: {  	[tilespmem:s1], [sflag:$0x1] =	stream.linear.gather [hbm4b:s0+s1], $0x4000, $0x38;
	[tilespmem:$0x1C000] =	vst v63  }
0x2a: {  	s2 =	rddreg [dreg:$0x4]  }
0x2b: {  	[tilespmem:s5], [sflag:$0x2] =	stream.linear.gather [hbm4b:s2+s1], $0x4000, $0x38;
	[tilespmem:$0x1C000] =	vst v63  }
0x2c: {  	s3 =	rddreg [dreg:$0x5]  }
0x2d: {  	[tilespmem:s6], [sflag:$0x3] =	stream.linear.gather [hbm4b:s3+s1], $0x4000, $0x38;
	[tilespmem:$0x1C000] =	vst v63  }
0x2e: {  	s26 =	rddreg [dreg:$0x6]  }
0x2f: {  	[tilespmem:s7], [sflag:$0x4] =	stream.linear.gather [hbm4b:s26+s1], $0x4000, $0x38;
	[tilespmem:$0x1C000] =	vst v63  }
0x30: {  	s2 =	rddreg [dreg:$0x7]  }
0x31: {  	[tilespmem:s8], [sflag:$0x5] =	stream.linear.gather [hbm4b:s2+s1], $0x4000, $0x38;
	[tilespmem:$0x1C000] =	vst v63  }
0x32: {  	s3 =	rddreg [dreg:$0x8]  }
0x33: {  	[tilespmem:s9], [sflag:$0x6] =	stream.linear.gather [hbm4b:s3+s1], $0x4000, $0x38;
	[tilespmem:$0x1C000] =	vst v63  }
0x34: {  	s26 =	rddreg [dreg:$0x9]  }
0x35: {  	[tilespmem:s10], [sflag:$0x7] =	stream.linear.gather [hbm4b:s26+s1], $0x4000, $0x38;
	[tilespmem:$0x1C000] =	vst v63  }
0x36: {  	s26 =	simm.s32 $0x0  }
0x37: {  	s28 =	sand.u32 $0x1C00, s1;
	_ =	swait.ge [sflag:s11], $0x4000;
	s26 =	sand.u32 $0x2000, s26  }
0x38: {  	s29 =	sand.u32 $0x380, s1;
	[sflag:s11] =	ssyncset.done $0x0;
	s26 =	sor.u32 s28, s26  }
0x39: {  	[sflag:s11] =	ssyncadd.s32 $0xFFFFC000;
	s29 =	sor.u32 s29, s26  }
0x3a: {  	v0 =	vld [tilespmem:s29+$0x70]  }
0x3b: {  	v1 =	vld [tilespmem:s29+$0x0]  }
0x3c: {  	v2 =	vld [tilespmem:s29+$0x10]  }
0x3d: {  	v5 =	vld [tilespmem:s29+$0x20]  }
0x3e: {  	s30 =	simm.s32 $0x80;
	s31 =	simm.s32 $0x400;
	v6 =	vld [tilespmem:s29+$0x30]  }
0x3f: {  	s0 =	sand.u32 $0x2000, s30;
	s3 =	sand.u32 $0x1C00, s31;
	s28 =	simm.s32 $0x10;
	v7 =	vld [tilespmem:s29+$0x40];
	v0 =	vmul.f32 $3.125000000e-02, v0  }
0x40: {  	s0 =	sor.u32 s3, s0;
	s2 =	sand.u32 $0x380, s28;
	v8 =	vld [tilespmem:s29+$0x50];
	v1 =	vmul.f32 $3.125000000e-02, v1  }
0x41: {  	s26 =	sor.u32 s2, s0;
	v3 =	vld [tilespmem:s29+$0x60];
	v2 =	vmul.f32 $3.125000000e-02, v2;
	[tilespmem:s29+$0x70] =	vst v0  }
0x42: {  	v4 =	vld [tilespmem:s26+$0x70];
	[tilespmem:s29+$0x0] =	vst v1;
	v0 =	vmul.f32 $3.125000000e-02, v5  }
0x43: {  	v1 =	vld [tilespmem:s26+$0x0];
	[tilespmem:s29+$0x10] =	vst v2;
	v5 =	vmul.f32 $3.125000000e-02, v6  }
0x44: {  	v2 =	vld [tilespmem:s26+$0x10];
	v6 =	vmul.f32 $3.125000000e-02, v7;
	[tilespmem:s29+$0x20] =	vst v0  }
0x45: {  	v0 =	vld [tilespmem:s26+$0x20];
	[tilespmem:s29+$0x30] =	vst v5;
	v5 =	vmul.f32 $3.125000000e-02, v8  }
.LBB2_2:
0x46: {  	s30 =	sadd.s32 $0x80, s30;
	v7 =	vld [tilespmem:s26+$0x30];
	s31 =	sadd.s32 $0x400, s31;
	[tilespmem:s29+$0x40] =	vst v6;
	v3 =	vmul.f32 $3.125000000e-02, v3  }
0x47: {  	s28 =	sadd.s32 $0x10, s28;
	s0 =	sand.u32 $0x2000, s30;
	s2 =	sand.u32 $0x1C00, s31;
	v6 =	vld [tilespmem:s26+$0x40];
	v4 =	vmul.f32 $3.125000000e-02, v4;
	[tilespmem:s29+$0x50] =	vst v5  }
0x48: {  	s3 =	sand.u32 $0x380, s28;
	p0 =	slt.u32 s30, $0x3F80;
	s0 =	sor.u32 s2, s0;
	v1 =	vmul.f32 $3.125000000e-02, v1;
	v5 =	vld [tilespmem:s26+$0x50];
	[tilespmem:s29+$0x60] =	vst v3  }
.Ltmp0:
0x49: {  	s29 =	smov.u32 s26;
	v2 =	vmul.f32 $3.125000000e-02, v2;
	v3 =	vld [tilespmem:s26+$0x60];
	[tilespmem:s26+$0x70] =	vst v4;
	s26 =	sor.u32 s3, s0;
	(pc) =	sbr.rel @p0 .LBB2_2-.Ltmp0, $4  }
0x4a: {  	v4 =	vld [tilespmem:s26+$0x70];
	[tilespmem:s29+$0x0] =	vst v1;
	v0 =	vmul.f32 $3.125000000e-02, v0  }
0x4b: {  	v1 =	vld [tilespmem:s26+$0x0];
	[tilespmem:s29+$0x10] =	vst v2;
	v7 =	vmul.f32 $3.125000000e-02, v7  }
0x4c: {  	v2 =	vld [tilespmem:s26+$0x10];
	[tilespmem:s29+$0x20] =	vst v0;
	v6 =	vmul.f32 $3.125000000e-02, v6  }
0x4d: {  	v0 =	vld [tilespmem:s26+$0x20];
	[tilespmem:s29+$0x30] =	vst v7;
	v5 =	vmul.f32 $3.125000000e-02, v5  }
0x4e: {  	v7 =	vld [tilespmem:s26+$0x30];
	[tilespmem:s29+$0x40] =	vst v6;
	v3 =	vmul.f32 $3.125000000e-02, v3  }
0x4f: {  	v6 =	vld [tilespmem:s26+$0x40];
	v4 =	vmul.f32 $3.125000000e-02, v4;
	[tilespmem:s29+$0x50] =	vst v5  }
0x50: {  	v5 =	vld [tilespmem:s26+$0x50];
	v1 =	vmul.f32 $3.125000000e-02, v1;
	[tilespmem:s29+$0x60] =	vst v3  }
0x51: {  	v3 =	vld [tilespmem:s26+$0x60];
	v2 =	vmul.f32 $3.125000000e-02, v2;
	[tilespmem:s26+$0x70] =	vst v4  }
0x52: {  	[tilespmem:s26+$0x0] =	vst v1;
	v0 =	vmul.f32 $3.125000000e-02, v0  }
0x53: {  	[tilespmem:s26+$0x10] =	vst v2;
	v1 =	vmul.f32 $3.125000000e-02, v7  }
0x54: {  	[tilespmem:s26+$0x20] =	vst v0;
	v0 =	vmul.f32 $3.125000000e-02, v6  }
0x55: {  	[tilespmem:s26+$0x30] =	vst v1;
	v1 =	vmul.f32 $3.125000000e-02, v5  }
0x56: {  	[tilespmem:s26+$0x40] =	vst v0;
	v0 =	vmul.f32 $3.125000000e-02, v3  }
0x57: {  	[tilespmem:s26+$0x50] =	vst v1  }
0x58: {  	[tilespmem:s26+$0x60] =	vst v0  }
0x59: {  	s0 =	simm.s32 $0x0;
	s26 =	simm.s32 $0x0;
	s2 =	rddreg [dreg:$0xa]  }
0x5a: {  	[hbm4b:s2+s0] =	stream.linear.scatter [tilespmem:s0], [sflag:$0x8], $0x4000, $0x38;
	[tilespmem:$0x1C000] =	vst v63  }
0x5b: {  	s3 =	sand.u32 $0x1C00, s0;
	s2 =	sand.u32 $0x2000, s26;
	_ =	swait.ge [sflag:s12], $0x4000  }
0x5c: {  	s0 =	sand.u32 $0x380, s0;
	s2 =	sor.u32 s3, s2;
	[sflag:s12] =	ssyncset.done $0x0  }
0x5d: {  	s29 =	sor.u32 s0, s2;
	[sflag:s12] =	ssyncadd.s32 $0xFFFFC000  }
0x5e: {  	v0 =	vld [tilespmem:s29+$0x4070]  }
0x5f: {  	v1 =	vld [tilespmem:s29+$0x4000]  }
0x60: {  	v2 =	vld [tilespmem:s29+$0x4010]  }
0x61: {  	v5 =	vld [tilespmem:s29+$0x4020]  }
0x62: {  	s30 =	simm.s32 $0x80;
	s31 =	simm.s32 $0x400;
	v6 =	vld [tilespmem:s29+$0x4030]  }
0x63: {  	s28 =	simm.s32 $0x10;
	s3 =	sand.u32 $0x1C00, s31;
	s2 =	sand.u32 $0x2000, s30;
	v7 =	vld [tilespmem:s29+$0x4040];
	v0 =	vmul.f32 $3.125000000e-02, v0  }
0x64: {  	s26 =	sand.u32 $0x380, s28;
	s0 =	sor.u32 s3, s2;
	v8 =	vld [tilespmem:s29+$0x4050];
	v1 =	vmul.f32 $3.125000000e-02, v1  }
0x65: {  	s26 =	sor.u32 s26, s0;
	v3 =	vld [tilespmem:s29+$0x4060];
	v2 =	vmul.f32 $3.125000000e-02, v2;
	[tilespmem:s29+$0x4070] =	vst v0  }
0x66: {  	v4 =	vld [tilespmem:s26+$0x4070];
	[tilespmem:s29+$0x4000] =	vst v1;
	v0 =	vmul.f32 $3.125000000e-02, v5  }
0x67: {  	v1 =	vld [tilespmem:s26+$0x4000];
	[tilespmem:s29+$0x4010] =	vst v2;
	v5 =	vmul.f32 $3.125000000e-02, v6  }
0x68: {  	v2 =	vld [tilespmem:s26+$0x4010];
	v6 =	vmul.f32 $3.125000000e-02, v7;
	[tilespmem:s29+$0x4020] =	vst v0  }
0x69: {  	v0 =	vld [tilespmem:s26+$0x4020];
	[tilespmem:s29+$0x4030] =	vst v5;
	v5 =	vmul.f32 $3.125000000e-02, v8  }
.LBB2_4:
0x6a: {  	s30 =	sadd.s32 $0x80, s30;
	v7 =	vld [tilespmem:s26+$0x4030];
	s31 =	sadd.s32 $0x400, s31;
	[tilespmem:s29+$0x4040] =	vst v6;
	v3 =	vmul.f32 $3.125000000e-02, v3  }
0x6b: {  	s28 =	sadd.s32 $0x10, s28;
	s0 =	sand.u32 $0x2000, s30;
	s2 =	sand.u32 $0x1C00, s31;
	v6 =	vld [tilespmem:s26+$0x4040];
	v4 =	vmul.f32 $3.125000000e-02, v4;
	[tilespmem:s29+$0x4050] =	vst v5  }
0x6c: {  	s3 =	sand.u32 $0x380, s28;
	p0 =	slt.u32 s30, $0x3F80;
	s0 =	sor.u32 s2, s0;
	v1 =	vmul.f32 $3.125000000e-02, v1;
	v5 =	vld [tilespmem:s26+$0x4050];
	[tilespmem:s29+$0x4060] =	vst v3  }
.Ltmp1:
0x6d: {  	s29 =	smov.u32 s26;
	v2 =	vmul.f32 $3.125000000e-02, v2;
	v3 =	vld [tilespmem:s26+$0x4060];
	[tilespmem:s26+$0x4070] =	vst v4;
	s26 =	sor.u32 s3, s0;
	(pc) =	sbr.rel @p0 .LBB2_4-.Ltmp1, $4  }
0x6e: {  	v4 =	vld [tilespmem:s26+$0x4070];
	[tilespmem:s29+$0x4000] =	vst v1;
	v0 =	vmul.f32 $3.125000000e-02, v0  }
0x6f: {  	v1 =	vld [tilespmem:s26+$0x4000];
	[tilespmem:s29+$0x4010] =	vst v2;
	v7 =	vmul.f32 $3.125000000e-02, v7  }
0x70: {  	v2 =	vld [tilespmem:s26+$0x4010];
	[tilespmem:s29+$0x4020] =	vst v0;
	v6 =	vmul.f32 $3.125000000e-02, v6  }
0x71: {  	v0 =	vld [tilespmem:s26+$0x4020];
	[tilespmem:s29+$0x4030] =	vst v7;
	v5 =	vmul.f32 $3.125000000e-02, v5  }
0x72: {  	v7 =	vld [tilespmem:s26+$0x4030];
	[tilespmem:s29+$0x4040] =	vst v6;
	v3 =	vmul.f32 $3.125000000e-02, v3  }
0x73: {  	v6 =	vld [tilespmem:s26+$0x4040];
	v4 =	vmul.f32 $3.125000000e-02, v4;
	[tilespmem:s29+$0x4050] =	vst v5  }
0x74: {  	v5 =	vld [tilespmem:s26+$0x4050];
	v1 =	vmul.f32 $3.125000000e-02, v1;
	[tilespmem:s29+$0x4060] =	vst v3  }
0x75: {  	v3 =	vld [tilespmem:s26+$0x4060];
	v2 =	vmul.f32 $3.125000000e-02, v2;
	[tilespmem:s26+$0x4070] =	vst v4  }
0x76: {  	[tilespmem:s26+$0x4000] =	vst v1;
	v0 =	vmul.f32 $3.125000000e-02, v0  }
0x77: {  	[tilespmem:s26+$0x4010] =	vst v2;
	v1 =	vmul.f32 $3.125000000e-02, v7  }
0x78: {  	[tilespmem:s26+$0x4020] =	vst v0;
	v0 =	vmul.f32 $3.125000000e-02, v6  }
0x79: {  	[tilespmem:s26+$0x4030] =	vst v1;
	v1 =	vmul.f32 $3.125000000e-02, v5  }
0x7a: {  	[tilespmem:s26+$0x4040] =	vst v0;
	v0 =	vmul.f32 $3.125000000e-02, v3  }
0x7b: {  	[tilespmem:s26+$0x4050] =	vst v1  }
0x7c: {  	[tilespmem:s26+$0x4060] =	vst v0  }
0x7d: {  	s0 =	simm.s32 $0x0;
	s2 =	rddreg [dreg:$0xb]  }
0x7e: {  	[hbm4b:s2+s0] =	stream.linear.scatter [tilespmem:s5], [sflag:$0x9], $0x4000, $0x38;
	[tilespmem:$0x1C000] =	vst v63  }
0x7f: {  	_ =	swait.ge [sflag:s13], $0x4000  }
0x80: {  	[sflag:s13] =	ssyncset.done $0x0  }
0x81: {  	s26 =	simm.s32 $0x0;
	s3 =	rddreg [dreg:$0xc];
	[sflag:s13] =	ssyncadd.s32 $0xFFFFC000  }
0x82: {  	[tilespmem:s0], [sflag:$0x1] =	stream.linear.gather [hbm4b:s3+s0], $0x4000, $0x38;
	[tilespmem:$0x1C000] =	vst v63  }
0x83: {  	s2 =	sand.u32 $0x2000, s26;
	s3 =	sand.u32 $0x1C00, s0;
	_ =	swait.ge [sflag:s14], $0x4000  }
0x84: {  	s0 =	sand.u32 $0x380, s0;
	s2 =	sor.u32 s3, s2;
	[sflag:s14] =	ssyncset.done $0x0  }
0x85: {  	s29 =	sor.u32 s0, s2;
	[sflag:s14] =	ssyncadd.s32 $0xFFFFC000  }
0x86: {  	v0 =	vld [tilespmem:s29+$0x8070]  }
0x87: {  	v1 =	vld [tilespmem:s29+$0x8000]  }
0x88: {  	v2 =	vld [tilespmem:s29+$0x8010]  }
0x89: {  	v5 =	vld [tilespmem:s29+$0x8020]  }
0x8a: {  	s30 =	simm.s32 $0x80;
	s31 =	simm.s32 $0x400;
	v6 =	vld [tilespmem:s29+$0x8030]  }
0x8b: {  	s28 =	simm.s32 $0x10;
	s3 =	sand.u32 $0x1C00, s31;
	s2 =	sand.u32 $0x2000, s30;
	v7 =	vld [tilespmem:s29+$0x8040];
	v0 =	vmul.f32 $3.125000000e-02, v0  }
0x8c: {  	s26 =	sand.u32 $0x380, s28;
	s0 =	sor.u32 s3, s2;
	v8 =	vld [tilespmem:s29+$0x8050];
	v1 =	vmul.f32 $3.125000000e-02, v1  }
0x8d: {  	s26 =	sor.u32 s26, s0;
	v3 =	vld [tilespmem:s29+$0x8060];
	v2 =	vmul.f32 $3.125000000e-02, v2;
	[tilespmem:s29+$0x8070] =	vst v0  }
0x8e: {  	v4 =	vld [tilespmem:s26+$0x8070];
	[tilespmem:s29+$0x8000] =	vst v1;
	v0 =	vmul.f32 $3.125000000e-02, v5  }
0x8f: {  	v1 =	vld [tilespmem:s26+$0x8000];
	[tilespmem:s29+$0x8010] =	vst v2;
	v5 =	vmul.f32 $3.125000000e-02, v6  }
0x90: {  	v2 =	vld [tilespmem:s26+$0x8010];
	v6 =	vmul.f32 $3.125000000e-02, v7;
	[tilespmem:s29+$0x8020] =	vst v0  }
0x91: {  	v0 =	vld [tilespmem:s26+$0x8020];
	[tilespmem:s29+$0x8030] =	vst v5;
	v5 =	vmul.f32 $3.125000000e-02, v8  }
.LBB2_6:
0x92: {  	s30 =	sadd.s32 $0x80, s30;
	v7 =	vld [tilespmem:s26+$0x8030];
	s31 =	sadd.s32 $0x400, s31;
	[tilespmem:s29+$0x8040] =	vst v6;
	v3 =	vmul.f32 $3.125000000e-02, v3  }
0x93: {  	s28 =	sadd.s32 $0x10, s28;
	s0 =	sand.u32 $0x2000, s30;
	s2 =	sand.u32 $0x1C00, s31;
	v6 =	vld [tilespmem:s26+$0x8040];
	v4 =	vmul.f32 $3.125000000e-02, v4;
	[tilespmem:s29+$0x8050] =	vst v5  }
0x94: {  	s3 =	sand.u32 $0x380, s28;
	p0 =	slt.u32 s30, $0x3F80;
	s0 =	sor.u32 s2, s0;
	v1 =	vmul.f32 $3.125000000e-02, v1;
	v5 =	vld [tilespmem:s26+$0x8050];
	[tilespmem:s29+$0x8060] =	vst v3  }
.Ltmp2:
0x95: {  	s29 =	smov.u32 s26;
	v2 =	vmul.f32 $3.125000000e-02, v2;
	v3 =	vld [tilespmem:s26+$0x8060];
	[tilespmem:s26+$0x8070] =	vst v4;
	s26 =	sor.u32 s3, s0;
	(pc) =	sbr.rel @p0 .LBB2_6-.Ltmp2, $4  }
0x96: {  	v4 =	vld [tilespmem:s26+$0x8070];
	[tilespmem:s29+$0x8000] =	vst v1;
	v0 =	vmul.f32 $3.125000000e-02, v0  }
0x97: {  	v1 =	vld [tilespmem:s26+$0x8000];
	[tilespmem:s29+$0x8010] =	vst v2;
	v7 =	vmul.f32 $3.125000000e-02, v7  }
0x98: {  	v2 =	vld [tilespmem:s26+$0x8010];
	[tilespmem:s29+$0x8020] =	vst v0;
	v6 =	vmul.f32 $3.125000000e-02, v6  }
0x99: {  	v0 =	vld [tilespmem:s26+$0x8020];
	[tilespmem:s29+$0x8030] =	vst v7;
	v5 =	vmul.f32 $3.125000000e-02, v5  }
0x9a: {  	v7 =	vld [tilespmem:s26+$0x8030];
	[tilespmem:s29+$0x8040] =	vst v6;
	v3 =	vmul.f32 $3.125000000e-02, v3  }
0x9b: {  	v6 =	vld [tilespmem:s26+$0x8040];
	v4 =	vmul.f32 $3.125000000e-02, v4;
	[tilespmem:s29+$0x8050] =	vst v5  }
0x9c: {  	v5 =	vld [tilespmem:s26+$0x8050];
	v1 =	vmul.f32 $3.125000000e-02, v1;
	[tilespmem:s29+$0x8060] =	vst v3  }
0x9d: {  	v3 =	vld [tilespmem:s26+$0x8060];
	v2 =	vmul.f32 $3.125000000e-02, v2;
	[tilespmem:s26+$0x8070] =	vst v4  }
0x9e: {  	[tilespmem:s26+$0x8000] =	vst v1;
	v0 =	vmul.f32 $3.125000000e-02, v0  }
0x9f: {  	[tilespmem:s26+$0x8010] =	vst v2;
	v1 =	vmul.f32 $3.125000000e-02, v7  }
0xa0: {  	[tilespmem:s26+$0x8020] =	vst v0;
	v0 =	vmul.f32 $3.125000000e-02, v6  }
0xa1: {  	[tilespmem:s26+$0x8030] =	vst v1;
	v1 =	vmul.f32 $3.125000000e-02, v5  }
0xa2: {  	[tilespmem:s26+$0x8040] =	vst v0;
	v0 =	vmul.f32 $3.125000000e-02, v3  }
0xa3: {  	[tilespmem:s26+$0x8050] =	vst v1  }
0xa4: {  	[tilespmem:s26+$0x8060] =	vst v0  }
0xa5: {  	s0 =	simm.s32 $0x0;
	s2 =	rddreg [dreg:$0xd]  }
0xa6: {  	[hbm4b:s2+s0] =	stream.linear.scatter [tilespmem:s6], [sflag:$0xA], $0x4000, $0x38;
	[tilespmem:$0x1C000] =	vst v63  }
0xa7: {  	_ =	swait.ge [sflag:s15], $0x4000  }
0xa8: {  	[sflag:s15] =	ssyncset.done $0x0  }
0xa9: {  	s26 =	simm.s32 $0x0;
	s3 =	rddreg [dreg:$0xe];
	[sflag:s15] =	ssyncadd.s32 $0xFFFFC000  }
0xaa: {  	[tilespmem:s5], [sflag:$0x2] =	stream.linear.gather [hbm4b:s3+s0], $0x4000, $0x38;
	[tilespmem:$0x1C000] =	vst v63  }
0xab: {  	s2 =	sand.u32 $0x2000, s26;
	s3 =	sand.u32 $0x1C00, s0;
	_ =	swait.ge [sflag:s16], $0x4000  }
0xac: {  	s0 =	sand.u32 $0x380, s0;
	s2 =	sor.u32 s3, s2;
	[sflag:s16] =	ssyncset.done $0x0  }
0xad: {  	s29 =	sor.u32 s0, s2;
	[sflag:s16] =	ssyncadd.s32 $0xFFFFC000  }
0xae: {  	v0 =	vld [tilespmem:s29+$0xC070]  }
0xaf: {  	v1 =	vld [tilespmem:s29+$0xC000]  }
0xb0: {  	v2 =	vld [tilespmem:s29+$0xC010]  }
0xb1: {  	v5 =	vld [tilespmem:s29+$0xC020]  }
0xb2: {  	s30 =	simm.s32 $0x80;
	s31 =	simm.s32 $0x400;
	v6 =	vld [tilespmem:s29+$0xC030]  }
0xb3: {  	s28 =	simm.s32 $0x10;
	s3 =	sand.u32 $0x1C00, s31;
	s2 =	sand.u32 $0x2000, s30;
	v7 =	vld [tilespmem:s29+$0xC040];
	v0 =	vmul.f32 $3.125000000e-02, v0  }
0xb4: {  	s26 =	sand.u32 $0x380, s28;
	s0 =	sor.u32 s3, s2;
	v8 =	vld [tilespmem:s29+$0xC050];
	v1 =	vmul.f32 $3.125000000e-02, v1  }
0xb5: {  	s26 =	sor.u32 s26, s0;
	v3 =	vld [tilespmem:s29+$0xC060];
	v2 =	vmul.f32 $3.125000000e-02, v2;
	[tilespmem:s29+$0xC070] =	vst v0  }
0xb6: {  	v4 =	vld [tilespmem:s26+$0xC070];
	[tilespmem:s29+$0xC000] =	vst v1;
	v0 =	vmul.f32 $3.125000000e-02, v5  }
0xb7: {  	v1 =	vld [tilespmem:s26+$0xC000];
	[tilespmem:s29+$0xC010] =	vst v2;
	v5 =	vmul.f32 $3.125000000e-02, v6  }
0xb8: {  	v2 =	vld [tilespmem:s26+$0xC010];
	v6 =	vmul.f32 $3.125000000e-02, v7;
	[tilespmem:s29+$0xC020] =	vst v0  }
0xb9: {  	v0 =	vld [tilespmem:s26+$0xC020];
	[tilespmem:s29+$0xC030] =	vst v5;
	v5 =	vmul.f32 $3.125000000e-02, v8  }
.LBB2_8:
0xba: {  	s30 =	sadd.s32 $0x80, s30;
	v7 =	vld [tilespmem:s26+$0xC030];
	s31 =	sadd.s32 $0x400, s31;
	[tilespmem:s29+$0xC040] =	vst v6;
	v3 =	vmul.f32 $3.125000000e-02, v3  }
0xbb: {  	s28 =	sadd.s32 $0x10, s28;
	s0 =	sand.u32 $0x2000, s30;
	s2 =	sand.u32 $0x1C00, s31;
	v6 =	vld [tilespmem:s26+$0xC040];
	v4 =	vmul.f32 $3.125000000e-02, v4;
	[tilespmem:s29+$0xC050] =	vst v5  }
0xbc: {  	s3 =	sand.u32 $0x380, s28;
	p0 =	slt.u32 s30, $0x3F80;
	s0 =	sor.u32 s2, s0;
	v1 =	vmul.f32 $3.125000000e-02, v1;
	v5 =	vld [tilespmem:s26+$0xC050];
	[tilespmem:s29+$0xC060] =	vst v3  }
.Ltmp3:
0xbd: {  	s29 =	smov.u32 s26;
	v2 =	vmul.f32 $3.125000000e-02, v2;
	v3 =	vld [tilespmem:s26+$0xC060];
	[tilespmem:s26+$0xC070] =	vst v4;
	s26 =	sor.u32 s3, s0;
	(pc) =	sbr.rel @p0 .LBB2_8-.Ltmp3, $4  }
0xbe: {  	v4 =	vld [tilespmem:s26+$0xC070];
	[tilespmem:s29+$0xC000] =	vst v1;
	v0 =	vmul.f32 $3.125000000e-02, v0  }
0xbf: {  	v1 =	vld [tilespmem:s26+$0xC000];
	[tilespmem:s29+$0xC010] =	vst v2;
	v7 =	vmul.f32 $3.125000000e-02, v7  }
0xc0: {  	v2 =	vld [tilespmem:s26+$0xC010];
	[tilespmem:s29+$0xC020] =	vst v0;
	v6 =	vmul.f32 $3.125000000e-02, v6  }
0xc1: {  	v0 =	vld [tilespmem:s26+$0xC020];
	[tilespmem:s29+$0xC030] =	vst v7;
	v5 =	vmul.f32 $3.125000000e-02, v5  }
0xc2: {  	v7 =	vld [tilespmem:s26+$0xC030];
	[tilespmem:s29+$0xC040] =	vst v6;
	v3 =	vmul.f32 $3.125000000e-02, v3  }
0xc3: {  	v6 =	vld [tilespmem:s26+$0xC040];
	v4 =	vmul.f32 $3.125000000e-02, v4;
	[tilespmem:s29+$0xC050] =	vst v5  }
0xc4: {  	v5 =	vld [tilespmem:s26+$0xC050];
	v1 =	vmul.f32 $3.125000000e-02, v1;
	[tilespmem:s29+$0xC060] =	vst v3  }
0xc5: {  	v3 =	vld [tilespmem:s26+$0xC060];
	v2 =	vmul.f32 $3.125000000e-02, v2;
	[tilespmem:s26+$0xC070] =	vst v4  }
0xc6: {  	[tilespmem:s26+$0xC000] =	vst v1;
	v0 =	vmul.f32 $3.125000000e-02, v0  }
0xc7: {  	[tilespmem:s26+$0xC010] =	vst v2;
	v1 =	vmul.f32 $3.125000000e-02, v7  }
0xc8: {  	[tilespmem:s26+$0xC020] =	vst v0;
	v0 =	vmul.f32 $3.125000000e-02, v6  }
0xc9: {  	[tilespmem:s26+$0xC030] =	vst v1;
	v1 =	vmul.f32 $3.125000000e-02, v5  }
0xca: {  	[tilespmem:s26+$0xC040] =	vst v0;
	v0 =	vmul.f32 $3.125000000e-02, v3  }
0xcb: {  	[tilespmem:s26+$0xC050] =	vst v1  }
0xcc: {  	[tilespmem:s26+$0xC060] =	vst v0  }
0xcd: {  	s0 =	simm.s32 $0x0;
	s2 =	rddreg [dreg:$0xf]  }
0xce: {  	[hbm4b:s2+s0] =	stream.linear.scatter [tilespmem:s7], [sflag:$0xB], $0x4000, $0x38;
	[tilespmem:$0x1C000] =	vst v63  }
0xcf: {  	_ =	swait.ge [sflag:s17], $0x4000  }
0xd0: {  	[sflag:s17] =	ssyncset.done $0x0  }
0xd1: {  	s26 =	simm.s32 $0x0;
	s3 =	rddreg [dreg:$0x10];
	[sflag:s17] =	ssyncadd.s32 $0xFFFFC000  }
0xd2: {  	[tilespmem:s6], [sflag:$0x3] =	stream.linear.gather [hbm4b:s3+s0], $0x4000, $0x38;
	[tilespmem:$0x1C000] =	vst v63  }
0xd3: {  	s2 =	sand.u32 $0x2000, s26;
	s3 =	sand.u32 $0x1C00, s0;
	_ =	swait.ge [sflag:s18], $0x4000  }
0xd4: {  	s0 =	sand.u32 $0x380, s0;
	s2 =	sor.u32 s3, s2;
	[sflag:s18] =	ssyncset.done $0x0  }
0xd5: {  	s29 =	sor.u32 s0, s2;
	[sflag:s18] =	ssyncadd.s32 $0xFFFFC000  }
0xd6: {  	v0 =	vld [tilespmem:s29+$0x10070]  }
0xd7: {  	v1 =	vld [tilespmem:s29+$0x10000]  }
0xd8: {  	v2 =	vld [tilespmem:s29+$0x10010]  }
0xd9: {  	v5 =	vld [tilespmem:s29+$0x10020]  }
0xda: {  	s30 =	simm.s32 $0x80;
	s31 =	simm.s32 $0x400;
	v6 =	vld [tilespmem:s29+$0x10030]  }
0xdb: {  	s28 =	simm.s32 $0x10;
	s3 =	sand.u32 $0x1C00, s31;
	s2 =	sand.u32 $0x2000, s30;
	v7 =	vld [tilespmem:s29+$0x10040];
	v0 =	vmul.f32 $3.125000000e-02, v0  }
0xdc: {  	s26 =	sand.u32 $0x380, s28;
	s0 =	sor.u32 s3, s2;
	v8 =	vld [tilespmem:s29+$0x10050];
	v1 =	vmul.f32 $3.125000000e-02, v1  }
0xdd: {  	s26 =	sor.u32 s26, s0;
	v3 =	vld [tilespmem:s29+$0x10060];
	v2 =	vmul.f32 $3.125000000e-02, v2;
	[tilespmem:s29+$0x10070] =	vst v0  }
0xde: {  	v4 =	vld [tilespmem:s26+$0x10070];
	[tilespmem:s29+$0x10000] =	vst v1;
	v0 =	vmul.f32 $3.125000000e-02, v5  }
0xdf: {  	v1 =	vld [tilespmem:s26+$0x10000];
	[tilespmem:s29+$0x10010] =	vst v2;
	v5 =	vmul.f32 $3.125000000e-02, v6  }
0xe0: {  	v2 =	vld [tilespmem:s26+$0x10010];
	v6 =	vmul.f32 $3.125000000e-02, v7;
	[tilespmem:s29+$0x10020] =	vst v0  }
0xe1: {  	v0 =	vld [tilespmem:s26+$0x10020];
	[tilespmem:s29+$0x10030] =	vst v5;
	v5 =	vmul.f32 $3.125000000e-02, v8  }
.LBB2_10:
0xe2: {  	s30 =	sadd.s32 $0x80, s30;
	v7 =	vld [tilespmem:s26+$0x10030];
	s31 =	sadd.s32 $0x400, s31;
	[tilespmem:s29+$0x10040] =	vst v6;
	v3 =	vmul.f32 $3.125000000e-02, v3  }
0xe3: {  	s28 =	sadd.s32 $0x10, s28;
	s0 =	sand.u32 $0x2000, s30;
	s2 =	sand.u32 $0x1C00, s31;
	v6 =	vld [tilespmem:s26+$0x10040];
	v4 =	vmul.f32 $3.125000000e-02, v4;
	[tilespmem:s29+$0x10050] =	vst v5  }
0xe4: {  	s3 =	sand.u32 $0x380, s28;
	p0 =	slt.u32 s30, $0x3F80;
	s0 =	sor.u32 s2, s0;
	v1 =	vmul.f32 $3.125000000e-02, v1;
	v5 =	vld [tilespmem:s26+$0x10050];
	[tilespmem:s29+$0x10060] =	vst v3  }
.Ltmp4:
0xe5: {  	s29 =	smov.u32 s26;
	v2 =	vmul.f32 $3.125000000e-02, v2;
	v3 =	vld [tilespmem:s26+$0x10060];
	[tilespmem:s26+$0x10070] =	vst v4;
	s26 =	sor.u32 s3, s0;
	(pc) =	sbr.rel @p0 .LBB2_10-.Ltmp4, $4  }
0xe6: {  	v4 =	vld [tilespmem:s26+$0x10070];
	[tilespmem:s29+$0x10000] =	vst v1;
	v0 =	vmul.f32 $3.125000000e-02, v0  }
0xe7: {  	v1 =	vld [tilespmem:s26+$0x10000];
	[tilespmem:s29+$0x10010] =	vst v2;
	v7 =	vmul.f32 $3.125000000e-02, v7  }
0xe8: {  	v2 =	vld [tilespmem:s26+$0x10010];
	[tilespmem:s29+$0x10020] =	vst v0;
	v6 =	vmul.f32 $3.125000000e-02, v6  }
0xe9: {  	v0 =	vld [tilespmem:s26+$0x10020];
	[tilespmem:s29+$0x10030] =	vst v7;
	v5 =	vmul.f32 $3.125000000e-02, v5  }
0xea: {  	v7 =	vld [tilespmem:s26+$0x10030];
	[tilespmem:s29+$0x10040] =	vst v6;
	v3 =	vmul.f32 $3.125000000e-02, v3  }
0xeb: {  	v6 =	vld [tilespmem:s26+$0x10040];
	v4 =	vmul.f32 $3.125000000e-02, v4;
	[tilespmem:s29+$0x10050] =	vst v5  }
0xec: {  	v5 =	vld [tilespmem:s26+$0x10050];
	v1 =	vmul.f32 $3.125000000e-02, v1;
	[tilespmem:s29+$0x10060] =	vst v3  }
0xed: {  	v3 =	vld [tilespmem:s26+$0x10060];
	v2 =	vmul.f32 $3.125000000e-02, v2;
	[tilespmem:s26+$0x10070] =	vst v4  }
0xee: {  	[tilespmem:s26+$0x10000] =	vst v1;
	v0 =	vmul.f32 $3.125000000e-02, v0  }
0xef: {  	[tilespmem:s26+$0x10010] =	vst v2;
	v1 =	vmul.f32 $3.125000000e-02, v7  }
0xf0: {  	[tilespmem:s26+$0x10020] =	vst v0;
	v0 =	vmul.f32 $3.125000000e-02, v6  }
0xf1: {  	[tilespmem:s26+$0x10030] =	vst v1;
	v1 =	vmul.f32 $3.125000000e-02, v5  }
0xf2: {  	[tilespmem:s26+$0x10040] =	vst v0;
	v0 =	vmul.f32 $3.125000000e-02, v3  }
0xf3: {  	[tilespmem:s26+$0x10050] =	vst v1  }
0xf4: {  	[tilespmem:s26+$0x10060] =	vst v0  }
0xf5: {  	s0 =	simm.s32 $0x0;
	s2 =	rddreg [dreg:$0x11]  }
0xf6: {  	[hbm4b:s2+s0] =	stream.linear.scatter [tilespmem:s8], [sflag:$0xC], $0x4000, $0x38;
	[tilespmem:$0x1C000] =	vst v63  }
0xf7: {  	_ =	swait.ge [sflag:s19], $0x4000  }
0xf8: {  	[sflag:s19] =	ssyncset.done $0x0  }
0xf9: {  	s26 =	simm.s32 $0x0;
	s3 =	rddreg [dreg:$0x17];
	[sflag:s19] =	ssyncadd.s32 $0xFFFFC000  }
0xfa: {  	[tilespmem:s7], [sflag:$0x4] =	stream.linear.gather [hbm4b:s3+s0], $0x4000, $0x38;
	[tilespmem:$0x1C000] =	vst v63  }
0xfb: {  	s2 =	sand.u32 $0x2000, s26;
	s3 =	sand.u32 $0x1C00, s0;
	_ =	swait.ge [sflag:s20], $0x4000  }
0xfc: {  	s0 =	sand.u32 $0x380, s0;
	s2 =	sor.u32 s3, s2;
	[sflag:s20] =	ssyncset.done $0x0  }
0xfd: {  	s29 =	sor.u32 s0, s2;
	[sflag:s20] =	ssyncadd.s32 $0xFFFFC000  }
0xfe: {  	v0 =	vld [tilespmem:s29+$0x14070]  }
0xff: {  	v1 =	vld [tilespmem:s29+$0x14000]  }
0x100: {  	v2 =	vld [tilespmem:s29+$0x14010]  }
0x101: {  	v5 =	vld [tilespmem:s29+$0x14020]  }
0x102: {  	s30 =	simm.s32 $0x80;
	s31 =	simm.s32 $0x400;
	v6 =	vld [tilespmem:s29+$0x14030]  }
0x103: {  	s28 =	simm.s32 $0x10;
	s3 =	sand.u32 $0x1C00, s31;
	s2 =	sand.u32 $0x2000, s30;
	v7 =	vld [tilespmem:s29+$0x14040];
	v0 =	vmul.f32 $3.125000000e-02, v0  }
0x104: {  	s26 =	sand.u32 $0x380, s28;
	s0 =	sor.u32 s3, s2;
	v8 =	vld [tilespmem:s29+$0x14050];
	v1 =	vmul.f32 $3.125000000e-02, v1  }
0x105: {  	s26 =	sor.u32 s26, s0;
	v3 =	vld [tilespmem:s29+$0x14060];
	v2 =	vmul.f32 $3.125000000e-02, v2;
	[tilespmem:s29+$0x14070] =	vst v0  }
0x106: {  	v4 =	vld [tilespmem:s26+$0x14070];
	[tilespmem:s29+$0x14000] =	vst v1;
	v0 =	vmul.f32 $3.125000000e-02, v5  }
0x107: {  	v1 =	vld [tilespmem:s26+$0x14000];
	[tilespmem:s29+$0x14010] =	vst v2;
	v5 =	vmul.f32 $3.125000000e-02, v6  }
0x108: {  	v2 =	vld [tilespmem:s26+$0x14010];
	v6 =	vmul.f32 $3.125000000e-02, v7;
	[tilespmem:s29+$0x14020] =	vst v0  }
0x109: {  	v0 =	vld [tilespmem:s26+$0x14020];
	[tilespmem:s29+$0x14030] =	vst v5;
	v5 =	vmul.f32 $3.125000000e-02, v8  }
.LBB2_12:
0x10a: {  	s30 =	sadd.s32 $0x80, s30;
	v7 =	vld [tilespmem:s26+$0x14030];
	s31 =	sadd.s32 $0x400, s31;
	[tilespmem:s29+$0x14040] =	vst v6;
	v3 =	vmul.f32 $3.125000000e-02, v3  }
0x10b: {  	s28 =	sadd.s32 $0x10, s28;
	s0 =	sand.u32 $0x2000, s30;
	s2 =	sand.u32 $0x1C00, s31;
	v6 =	vld [tilespmem:s26+$0x14040];
	v4 =	vmul.f32 $3.125000000e-02, v4;
	[tilespmem:s29+$0x14050] =	vst v5  }
0x10c: {  	s3 =	sand.u32 $0x380, s28;
	p0 =	slt.u32 s30, $0x3F80;
	s0 =	sor.u32 s2, s0;
	v1 =	vmul.f32 $3.125000000e-02, v1;
	v5 =	vld [tilespmem:s26+$0x14050];
	[tilespmem:s29+$0x14060] =	vst v3  }
.Ltmp5:
0x10d: {  	s29 =	smov.u32 s26;
	v2 =	vmul.f32 $3.125000000e-02, v2;
	v3 =	vld [tilespmem:s26+$0x14060];
	[tilespmem:s26+$0x14070] =	vst v4;
	s26 =	sor.u32 s3, s0;
	(pc) =	sbr.rel @p0 .LBB2_12-.Ltmp5, $4  }
0x10e: {  	v4 =	vld [tilespmem:s26+$0x14070];
	[tilespmem:s29+$0x14000] =	vst v1;
	v0 =	vmul.f32 $3.125000000e-02, v0  }
0x10f: {  	v1 =	vld [tilespmem:s26+$0x14000];
	[tilespmem:s29+$0x14010] =	vst v2;
	v7 =	vmul.f32 $3.125000000e-02, v7  }
0x110: {  	v2 =	vld [tilespmem:s26+$0x14010];
	[tilespmem:s29+$0x14020] =	vst v0;
	v6 =	vmul.f32 $3.125000000e-02, v6  }
0x111: {  	v0 =	vld [tilespmem:s26+$0x14020];
	[tilespmem:s29+$0x14030] =	vst v7;
	v5 =	vmul.f32 $3.125000000e-02, v5  }
0x112: {  	v7 =	vld [tilespmem:s26+$0x14030];
	[tilespmem:s29+$0x14040] =	vst v6;
	v3 =	vmul.f32 $3.125000000e-02, v3  }
0x113: {  	v6 =	vld [tilespmem:s26+$0x14040];
	v4 =	vmul.f32 $3.125000000e-02, v4;
	[tilespmem:s29+$0x14050] =	vst v5  }
0x114: {  	v5 =	vld [tilespmem:s26+$0x14050];
	v1 =	vmul.f32 $3.125000000e-02, v1;
	[tilespmem:s29+$0x14060] =	vst v3  }
0x115: {  	v3 =	vld [tilespmem:s26+$0x14060];
	v2 =	vmul.f32 $3.125000000e-02, v2;
	[tilespmem:s26+$0x14070] =	vst v4  }
0x116: {  	[tilespmem:s26+$0x14000] =	vst v1;
	v0 =	vmul.f32 $3.125000000e-02, v0  }
0x117: {  	[tilespmem:s26+$0x14010] =	vst v2;
	v1 =	vmul.f32 $3.125000000e-02, v7  }
0x118: {  	[tilespmem:s26+$0x14020] =	vst v0;
	v0 =	vmul.f32 $3.125000000e-02, v6  }
0x119: {  	[tilespmem:s26+$0x14030] =	vst v1;
	v1 =	vmul.f32 $3.125000000e-02, v5  }
0x11a: {  	[tilespmem:s26+$0x14040] =	vst v0;
	v0 =	vmul.f32 $3.125000000e-02, v3  }
0x11b: {  	[tilespmem:s26+$0x14050] =	vst v1  }
0x11c: {  	[tilespmem:s26+$0x14060] =	vst v0  }
0x11d: {  	s0 =	simm.s32 $0x0;
	s2 =	rddreg [dreg:$0x12]  }
0x11e: {  	[hbm4b:s2+s0] =	stream.linear.scatter [tilespmem:s9], [sflag:$0xD], $0x4000, $0x38;
	[tilespmem:$0x1C000] =	vst v63  }
0x11f: {  	_ =	swait.ge [sflag:s21], $0x4000  }
0x120: {  	[sflag:s21] =	ssyncset.done $0x0  }
0x121: {  	s26 =	simm.s32 $0x0;
	s3 =	rddreg [dreg:$0x18];
	[sflag:s21] =	ssyncadd.s32 $0xFFFFC000  }
0x122: {  	[tilespmem:s8], [sflag:$0x5] =	stream.linear.gather [hbm4b:s3+s0], $0x4000, $0x38;
	[tilespmem:$0x1C000] =	vst v63  }
0x123: {  	s2 =	sand.u32 $0x2000, s26;
	s3 =	sand.u32 $0x1C00, s0;
	_ =	swait.ge [sflag:s22], $0x4000  }
0x124: {  	s0 =	sand.u32 $0x380, s0;
	s2 =	sor.u32 s3, s2;
	[sflag:s22] =	ssyncset.done $0x0  }
0x125: {  	s29 =	sor.u32 s0, s2;
	[sflag:s22] =	ssyncadd.s32 $0xFFFFC000  }
0x126: {  	v0 =	vld [tilespmem:s29+$0x18070]  }
0x127: {  	v1 =	vld [tilespmem:s29+$0x18000]  }
0x128: {  	v2 =	vld [tilespmem:s29+$0x18010]  }
0x129: {  	v5 =	vld [tilespmem:s29+$0x18020]  }
0x12a: {  	s30 =	simm.s32 $0x80;
	s31 =	simm.s32 $0x400;
	v6 =	vld [tilespmem:s29+$0x18030]  }
0x12b: {  	s28 =	simm.s32 $0x10;
	s3 =	sand.u32 $0x1C00, s31;
	s2 =	sand.u32 $0x2000, s30;
	v7 =	vld [tilespmem:s29+$0x18040];
	v0 =	vmul.f32 $3.125000000e-02, v0  }
0x12c: {  	s26 =	sand.u32 $0x380, s28;
	s0 =	sor.u32 s3, s2;
	v8 =	vld [tilespmem:s29+$0x18050];
	v1 =	vmul.f32 $3.125000000e-02, v1  }
0x12d: {  	s26 =	sor.u32 s26, s0;
	v3 =	vld [tilespmem:s29+$0x18060];
	v2 =	vmul.f32 $3.125000000e-02, v2;
	[tilespmem:s29+$0x18070] =	vst v0  }
0x12e: {  	v4 =	vld [tilespmem:s26+$0x18070];
	[tilespmem:s29+$0x18000] =	vst v1;
	v0 =	vmul.f32 $3.125000000e-02, v5  }
0x12f: {  	v1 =	vld [tilespmem:s26+$0x18000];
	[tilespmem:s29+$0x18010] =	vst v2;
	v5 =	vmul.f32 $3.125000000e-02, v6  }
0x130: {  	v2 =	vld [tilespmem:s26+$0x18010];
	v6 =	vmul.f32 $3.125000000e-02, v7;
	[tilespmem:s29+$0x18020] =	vst v0  }
0x131: {  	v0 =	vld [tilespmem:s26+$0x18020];
	[tilespmem:s29+$0x18030] =	vst v5;
	v5 =	vmul.f32 $3.125000000e-02, v8  }
.LBB2_14:
0x132: {  	s30 =	sadd.s32 $0x80, s30;
	v7 =	vld [tilespmem:s26+$0x18030];
	s31 =	sadd.s32 $0x400, s31;
	[tilespmem:s29+$0x18040] =	vst v6;
	v3 =	vmul.f32 $3.125000000e-02, v3  }
0x133: {  	s28 =	sadd.s32 $0x10, s28;
	s0 =	sand.u32 $0x2000, s30;
	s2 =	sand.u32 $0x1C00, s31;
	v6 =	vld [tilespmem:s26+$0x18040];
	v4 =	vmul.f32 $3.125000000e-02, v4;
	[tilespmem:s29+$0x18050] =	vst v5  }
0x134: {  	s3 =	sand.u32 $0x380, s28;
	p0 =	slt.u32 s30, $0x3F80;
	s0 =	sor.u32 s2, s0;
	v1 =	vmul.f32 $3.125000000e-02, v1;
	v5 =	vld [tilespmem:s26+$0x18050];
	[tilespmem:s29+$0x18060] =	vst v3  }
.Ltmp6:
0x135: {  	s29 =	smov.u32 s26;
	v2 =	vmul.f32 $3.125000000e-02, v2;
	v3 =	vld [tilespmem:s26+$0x18060];
	[tilespmem:s26+$0x18070] =	vst v4;
	s26 =	sor.u32 s3, s0;
	(pc) =	sbr.rel @p0 .LBB2_14-.Ltmp6, $4  }
0x136: {  	v4 =	vld [tilespmem:s26+$0x18070];
	[tilespmem:s29+$0x18000] =	vst v1;
	v0 =	vmul.f32 $3.125000000e-02, v0  }
0x137: {  	v1 =	vld [tilespmem:s26+$0x18000];
	[tilespmem:s29+$0x18010] =	vst v2;
	v7 =	vmul.f32 $3.125000000e-02, v7  }
0x138: {  	v2 =	vld [tilespmem:s26+$0x18010];
	[tilespmem:s29+$0x18020] =	vst v0;
	v6 =	vmul.f32 $3.125000000e-02, v6  }
0x139: {  	v0 =	vld [tilespmem:s26+$0x18020];
	[tilespmem:s29+$0x18030] =	vst v7;
	v5 =	vmul.f32 $3.125000000e-02, v5  }
0x13a: {  	v7 =	vld [tilespmem:s26+$0x18030];
	[tilespmem:s29+$0x18040] =	vst v6;
	v3 =	vmul.f32 $3.125000000e-02, v3  }
0x13b: {  	v6 =	vld [tilespmem:s26+$0x18040];
	v4 =	vmul.f32 $3.125000000e-02, v4;
	[tilespmem:s29+$0x18050] =	vst v5  }
0x13c: {  	v5 =	vld [tilespmem:s26+$0x18050];
	v1 =	vmul.f32 $3.125000000e-02, v1;
	[tilespmem:s29+$0x18060] =	vst v3  }
0x13d: {  	v3 =	vld [tilespmem:s26+$0x18060];
	v2 =	vmul.f32 $3.125000000e-02, v2;
	[tilespmem:s26+$0x18070] =	vst v4  }
0x13e: {  	[tilespmem:s26+$0x18000] =	vst v1;
	v0 =	vmul.f32 $3.125000000e-02, v0  }
0x13f: {  	[tilespmem:s26+$0x18010] =	vst v2;
	v1 =	vmul.f32 $3.125000000e-02, v7  }
0x140: {  	[tilespmem:s26+$0x18020] =	vst v0;
	v0 =	vmul.f32 $3.125000000e-02, v6  }
0x141: {  	[tilespmem:s26+$0x18030] =	vst v1;
	v1 =	vmul.f32 $3.125000000e-02, v5  }
0x142: {  	[tilespmem:s26+$0x18040] =	vst v0;
	v0 =	vmul.f32 $3.125000000e-02, v3  }
0x143: {  	[tilespmem:s26+$0x18050] =	vst v1  }
0x144: {  	[tilespmem:s26+$0x18060] =	vst v0  }
0x145: {  	s0 =	simm.s32 $0x0;
	s2 =	rddreg [dreg:$0x13]  }
0x146: {  	[hbm4b:s2+s0] =	stream.linear.scatter [tilespmem:s10], [sflag:$0xE], $0x4000, $0x38;
	[tilespmem:$0x1C000] =	vst v63  }
0x147: {  	_ =	swait.ge [sflag:s23], $0x4000  }
0x148: {  	[sflag:s23] =	ssyncset.done $0x0  }
0x149: {  	s26 =	simm.s32 $0x0;
	s3 =	rddreg [dreg:$0x19];
	[sflag:s23] =	ssyncadd.s32 $0xFFFFC000  }
0x14a: {  	[tilespmem:s9], [sflag:$0x6] =	stream.linear.gather [hbm4b:s3+s0], $0x4000, $0x38;
	[tilespmem:$0x1C000] =	vst v63  }
0x14b: {  	s2 =	sand.u32 $0x2000, s26;
	s3 =	sand.u32 $0x1C00, s0;
	_ =	swait.ge [sflag:s11], $0x4000  }
0x14c: {  	s0 =	sand.u32 $0x380, s0;
	s2 =	sor.u32 s3, s2;
	[sflag:s11] =	ssyncset.done $0x0  }
0x14d: {  	s29 =	sor.u32 s0, s2;
	[sflag:s11] =	ssyncadd.s32 $0xFFFFC000  }
0x14e: {  	v0 =	vld [tilespmem:s29+$0x70]  }
0x14f: {  	v1 =	vld [tilespmem:s29+$0x0]  }
0x150: {  	v2 =	vld [tilespmem:s29+$0x10]  }
0x151: {  	v5 =	vld [tilespmem:s29+$0x20]  }
0x152: {  	s30 =	simm.s32 $0x80;
	s31 =	simm.s32 $0x400;
	v6 =	vld [tilespmem:s29+$0x30]  }
0x153: {  	s28 =	simm.s32 $0x10;
	s3 =	sand.u32 $0x1C00, s31;
	s2 =	sand.u32 $0x2000, s30;
	v7 =	vld [tilespmem:s29+$0x40];
	v0 =	vmul.f32 $3.125000000e-02, v0  }
0x154: {  	s26 =	sand.u32 $0x380, s28;
	s0 =	sor.u32 s3, s2;
	v8 =	vld [tilespmem:s29+$0x50];
	v1 =	vmul.f32 $3.125000000e-02, v1  }
0x155: {  	s26 =	sor.u32 s26, s0;
	v3 =	vld [tilespmem:s29+$0x60];
	v2 =	vmul.f32 $3.125000000e-02, v2;
	[tilespmem:s29+$0x70] =	vst v0  }
0x156: {  	v4 =	vld [tilespmem:s26+$0x70];
	[tilespmem:s29+$0x0] =	vst v1;
	v0 =	vmul.f32 $3.125000000e-02, v5  }
0x157: {  	v1 =	vld [tilespmem:s26+$0x0];
	[tilespmem:s29+$0x10] =	vst v2;
	v5 =	vmul.f32 $3.125000000e-02, v6  }
0x158: {  	v2 =	vld [tilespmem:s26+$0x10];
	v6 =	vmul.f32 $3.125000000e-02, v7;
	[tilespmem:s29+$0x20] =	vst v0  }
0x159: {  	v0 =	vld [tilespmem:s26+$0x20];
	[tilespmem:s29+$0x30] =	vst v5;
	v5 =	vmul.f32 $3.125000000e-02, v8  }
.LBB2_16:
0x15a: {  	s30 =	sadd.s32 $0x80, s30;
	v7 =	vld [tilespmem:s26+$0x30];
	s31 =	sadd.s32 $0x400, s31;
	[tilespmem:s29+$0x40] =	vst v6;
	v3 =	vmul.f32 $3.125000000e-02, v3  }
0x15b: {  	s28 =	sadd.s32 $0x10, s28;
	s0 =	sand.u32 $0x2000, s30;
	s2 =	sand.u32 $0x1C00, s31;
	v6 =	vld [tilespmem:s26+$0x40];
	v4 =	vmul.f32 $3.125000000e-02, v4;
	[tilespmem:s29+$0x50] =	vst v5  }
0x15c: {  	s3 =	sand.u32 $0x380, s28;
	p0 =	slt.u32 s30, $0x3F80;
	s0 =	sor.u32 s2, s0;
	v1 =	vmul.f32 $3.125000000e-02, v1;
	v5 =	vld [tilespmem:s26+$0x50];
	[tilespmem:s29+$0x60] =	vst v3  }
.Ltmp7:
0x15d: {  	s29 =	smov.u32 s26;
	v2 =	vmul.f32 $3.125000000e-02, v2;
	v3 =	vld [tilespmem:s26+$0x60];
	[tilespmem:s26+$0x70] =	vst v4;
	s26 =	sor.u32 s3, s0;
	(pc) =	sbr.rel @p0 .LBB2_16-.Ltmp7, $4  }
0x15e: {  	v4 =	vld [tilespmem:s26+$0x70];
	[tilespmem:s29+$0x0] =	vst v1;
	v0 =	vmul.f32 $3.125000000e-02, v0  }
0x15f: {  	v1 =	vld [tilespmem:s26+$0x0];
	[tilespmem:s29+$0x10] =	vst v2;
	v7 =	vmul.f32 $3.125000000e-02, v7  }
0x160: {  	v2 =	vld [tilespmem:s26+$0x10];
	[tilespmem:s29+$0x20] =	vst v0;
	v6 =	vmul.f32 $3.125000000e-02, v6  }
0x161: {  	v0 =	vld [tilespmem:s26+$0x20];
	[tilespmem:s29+$0x30] =	vst v7;
	v5 =	vmul.f32 $3.125000000e-02, v5  }
0x162: {  	v7 =	vld [tilespmem:s26+$0x30];
	[tilespmem:s29+$0x40] =	vst v6;
	v3 =	vmul.f32 $3.125000000e-02, v3  }
0x163: {  	v6 =	vld [tilespmem:s26+$0x40];
	v4 =	vmul.f32 $3.125000000e-02, v4;
	[tilespmem:s29+$0x50] =	vst v5  }
0x164: {  	v5 =	vld [tilespmem:s26+$0x50];
	v1 =	vmul.f32 $3.125000000e-02, v1;
	[tilespmem:s29+$0x60] =	vst v3  }
0x165: {  	v3 =	vld [tilespmem:s26+$0x60];
	v2 =	vmul.f32 $3.125000000e-02, v2;
	[tilespmem:s26+$0x70] =	vst v4  }
0x166: {  	[tilespmem:s26+$0x0] =	vst v1;
	v0 =	vmul.f32 $3.125000000e-02, v0  }
0x167: {  	[tilespmem:s26+$0x10] =	vst v2;
	v1 =	vmul.f32 $3.125000000e-02, v7  }
0x168: {  	[tilespmem:s26+$0x20] =	vst v0;
	v0 =	vmul.f32 $3.125000000e-02, v6  }
0x169: {  	[tilespmem:s26+$0x30] =	vst v1;
	v1 =	vmul.f32 $3.125000000e-02, v5  }
0x16a: {  	[tilespmem:s26+$0x40] =	vst v0;
	v0 =	vmul.f32 $3.125000000e-02, v3  }
0x16b: {  	[tilespmem:s26+$0x50] =	vst v1  }
0x16c: {  	[tilespmem:s26+$0x60] =	vst v0  }
0x16d: {  	s0 =	simm.s32 $0x0;
	s2 =	rddreg [dreg:$0x14]  }
0x16e: {  	[hbm4b:s2+s0] =	stream.linear.scatter [tilespmem:s0], [sflag:$0x8], $0x4000, $0x38;
	[tilespmem:$0x1C000] =	vst v63  }
0x16f: {  	_ =	swait.ge [sflag:s24], $0x4000  }
0x170: {  	[sflag:s24] =	ssyncset.done $0x0  }
0x171: {  	s26 =	simm.s32 $0x0;
	s3 =	rddreg [dreg:$0x1a];
	[sflag:s24] =	ssyncadd.s32 $0xFFFFC000  }
0x172: {  	[tilespmem:s10], [sflag:$0x7] =	stream.linear.gather [hbm4b:s3+s0], $0x4000, $0x38;
	[tilespmem:$0x1C000] =	vst v63  }
0x173: {  	s2 =	sand.u32 $0x2000, s26;
	s3 =	sand.u32 $0x1C00, s0;
	_ =	swait.ge [sflag:s12], $0x4000  }
0x174: {  	s0 =	sand.u32 $0x380, s0;
	s2 =	sor.u32 s3, s2;
	[sflag:s12] =	ssyncset.done $0x0  }
0x175: {  	s29 =	sor.u32 s0, s2;
	[sflag:s12] =	ssyncadd.s32 $0xFFFFC000  }
0x176: {  	v0 =	vld [tilespmem:s29+$0x4070]  }
0x177: {  	v1 =	vld [tilespmem:s29+$0x4000]  }
0x178: {  	v2 =	vld [tilespmem:s29+$0x4010]  }
0x179: {  	v5 =	vld [tilespmem:s29+$0x4020]  }
0x17a: {  	s30 =	simm.s32 $0x80;
	s31 =	simm.s32 $0x400;
	v6 =	vld [tilespmem:s29+$0x4030]  }
0x17b: {  	s28 =	simm.s32 $0x10;
	s3 =	sand.u32 $0x1C00, s31;
	s2 =	sand.u32 $0x2000, s30;
	v7 =	vld [tilespmem:s29+$0x4040];
	v0 =	vmul.f32 $3.125000000e-02, v0  }
0x17c: {  	s26 =	sand.u32 $0x380, s28;
	s0 =	sor.u32 s3, s2;
	v8 =	vld [tilespmem:s29+$0x4050];
	v1 =	vmul.f32 $3.125000000e-02, v1  }
0x17d: {  	s26 =	sor.u32 s26, s0;
	v3 =	vld [tilespmem:s29+$0x4060];
	v2 =	vmul.f32 $3.125000000e-02, v2;
	[tilespmem:s29+$0x4070] =	vst v0  }
0x17e: {  	v4 =	vld [tilespmem:s26+$0x4070];
	[tilespmem:s29+$0x4000] =	vst v1;
	v0 =	vmul.f32 $3.125000000e-02, v5  }
0x17f: {  	v1 =	vld [tilespmem:s26+$0x4000];
	[tilespmem:s29+$0x4010] =	vst v2;
	v5 =	vmul.f32 $3.125000000e-02, v6  }
0x180: {  	v2 =	vld [tilespmem:s26+$0x4010];
	v6 =	vmul.f32 $3.125000000e-02, v7;
	[tilespmem:s29+$0x4020] =	vst v0  }
0x181: {  	v0 =	vld [tilespmem:s26+$0x4020];
	[tilespmem:s29+$0x4030] =	vst v5;
	v5 =	vmul.f32 $3.125000000e-02, v8  }
.LBB2_18:
0x182: {  	s30 =	sadd.s32 $0x80, s30;
	v7 =	vld [tilespmem:s26+$0x4030];
	s31 =	sadd.s32 $0x400, s31;
	[tilespmem:s29+$0x4040] =	vst v6;
	v3 =	vmul.f32 $3.125000000e-02, v3  }
0x183: {  	s28 =	sadd.s32 $0x10, s28;
	s0 =	sand.u32 $0x2000, s30;
	s2 =	sand.u32 $0x1C00, s31;
	v6 =	vld [tilespmem:s26+$0x4040];
	v4 =	vmul.f32 $3.125000000e-02, v4;
	[tilespmem:s29+$0x4050] =	vst v5  }
0x184: {  	s3 =	sand.u32 $0x380, s28;
	p0 =	slt.u32 s30, $0x3F80;
	s0 =	sor.u32 s2, s0;
	v1 =	vmul.f32 $3.125000000e-02, v1;
	v5 =	vld [tilespmem:s26+$0x4050];
	[tilespmem:s29+$0x4060] =	vst v3  }
.Ltmp8:
0x185: {  	s29 =	smov.u32 s26;
	v2 =	vmul.f32 $3.125000000e-02, v2;
	v3 =	vld [tilespmem:s26+$0x4060];
	[tilespmem:s26+$0x4070] =	vst v4;
	s26 =	sor.u32 s3, s0;
	(pc) =	sbr.rel @p0 .LBB2_18-.Ltmp8, $4  }
0x186: {  	v4 =	vld [tilespmem:s26+$0x4070];
	[tilespmem:s29+$0x4000] =	vst v1;
	v0 =	vmul.f32 $3.125000000e-02, v0  }
0x187: {  	v1 =	vld [tilespmem:s26+$0x4000];
	[tilespmem:s29+$0x4010] =	vst v2;
	v7 =	vmul.f32 $3.125000000e-02, v7  }
0x188: {  	v2 =	vld [tilespmem:s26+$0x4010];
	[tilespmem:s29+$0x4020] =	vst v0;
	v6 =	vmul.f32 $3.125000000e-02, v6  }
0x189: {  	v0 =	vld [tilespmem:s26+$0x4020];
	[tilespmem:s29+$0x4030] =	vst v7;
	v5 =	vmul.f32 $3.125000000e-02, v5  }
0x18a: {  	v7 =	vld [tilespmem:s26+$0x4030];
	[tilespmem:s29+$0x4040] =	vst v6;
	v3 =	vmul.f32 $3.125000000e-02, v3  }
0x18b: {  	v6 =	vld [tilespmem:s26+$0x4040];
	v4 =	vmul.f32 $3.125000000e-02, v4;
	[tilespmem:s29+$0x4050] =	vst v5  }
0x18c: {  	v5 =	vld [tilespmem:s26+$0x4050];
	v1 =	vmul.f32 $3.125000000e-02, v1;
	[tilespmem:s29+$0x4060] =	vst v3  }
0x18d: {  	v3 =	vld [tilespmem:s26+$0x4060];
	v2 =	vmul.f32 $3.125000000e-02, v2;
	[tilespmem:s26+$0x4070] =	vst v4  }
0x18e: {  	[tilespmem:s26+$0x4000] =	vst v1;
	v0 =	vmul.f32 $3.125000000e-02, v0  }
0x18f: {  	[tilespmem:s26+$0x4010] =	vst v2;
	v1 =	vmul.f32 $3.125000000e-02, v7  }
0x190: {  	[tilespmem:s26+$0x4020] =	vst v0;
	v0 =	vmul.f32 $3.125000000e-02, v6  }
0x191: {  	[tilespmem:s26+$0x4030] =	vst v1;
	v1 =	vmul.f32 $3.125000000e-02, v5  }
0x192: {  	[tilespmem:s26+$0x4040] =	vst v0;
	v0 =	vmul.f32 $3.125000000e-02, v3  }
0x193: {  	[tilespmem:s26+$0x4050] =	vst v1  }
0x194: {  	[tilespmem:s26+$0x4060] =	vst v0  }
0x195: {  	s0 =	simm.s32 $0x0;
	s2 =	rddreg [dreg:$0x15]  }
0x196: {  	[hbm4b:s2+s0] =	stream.linear.scatter [tilespmem:s5], [sflag:$0x9], $0x4000, $0x38;
	[tilespmem:$0x1C000] =	vst v63  }
0x197: {  	_ =	swait.ge [sflag:s13], $0x4000  }
0x198: {  	[sflag:s13] =	ssyncset.done $0x0  }
0x199: {  	s26 =	simm.s32 $0x0;
	s3 =	rddreg [dreg:$0x1b];
	[sflag:s13] =	ssyncadd.s32 $0xFFFFC000  }
0x19a: {  	[tilespmem:s0], [sflag:$0x1] =	stream.linear.gather [hbm4b:s3+s0], $0x4000, $0x38;
	[tilespmem:$0x1C000] =	vst v63  }
0x19b: {  	s2 =	sand.u32 $0x2000, s26;
	s3 =	sand.u32 $0x1C00, s0;
	_ =	swait.ge [sflag:s14], $0x4000  }
0x19c: {  	s0 =	sand.u32 $0x380, s0;
	s2 =	sor.u32 s3, s2;
	[sflag:s14] =	ssyncset.done $0x0  }
0x19d: {  	s29 =	sor.u32 s0, s2;
	[sflag:s14] =	ssyncadd.s32 $0xFFFFC000  }
0x19e: {  	v0 =	vld [tilespmem:s29+$0x8070]  }
0x19f: {  	v1 =	vld [tilespmem:s29+$0x8000]  }
0x1a0: {  	v2 =	vld [tilespmem:s29+$0x8010]  }
0x1a1: {  	v5 =	vld [tilespmem:s29+$0x8020]  }
0x1a2: {  	s30 =	simm.s32 $0x80;
	s31 =	simm.s32 $0x400;
	v6 =	vld [tilespmem:s29+$0x8030]  }
0x1a3: {  	s28 =	simm.s32 $0x10;
	s3 =	sand.u32 $0x1C00, s31;
	s2 =	sand.u32 $0x2000, s30;
	v7 =	vld [tilespmem:s29+$0x8040];
	v0 =	vmul.f32 $3.125000000e-02, v0  }
0x1a4: {  	s26 =	sand.u32 $0x380, s28;
	s0 =	sor.u32 s3, s2;
	v8 =	vld [tilespmem:s29+$0x8050];
	v1 =	vmul.f32 $3.125000000e-02, v1  }
0x1a5: {  	s26 =	sor.u32 s26, s0;
	v3 =	vld [tilespmem:s29+$0x8060];
	v2 =	vmul.f32 $3.125000000e-02, v2;
	[tilespmem:s29+$0x8070] =	vst v0  }
0x1a6: {  	v4 =	vld [tilespmem:s26+$0x8070];
	[tilespmem:s29+$0x8000] =	vst v1;
	v0 =	vmul.f32 $3.125000000e-02, v5  }
0x1a7: {  	v1 =	vld [tilespmem:s26+$0x8000];
	[tilespmem:s29+$0x8010] =	vst v2;
	v5 =	vmul.f32 $3.125000000e-02, v6  }
0x1a8: {  	v2 =	vld [tilespmem:s26+$0x8010];
	v6 =	vmul.f32 $3.125000000e-02, v7;
	[tilespmem:s29+$0x8020] =	vst v0  }
0x1a9: {  	v0 =	vld [tilespmem:s26+$0x8020];
	[tilespmem:s29+$0x8030] =	vst v5;
	v5 =	vmul.f32 $3.125000000e-02, v8  }
.LBB2_20:
0x1aa: {  	s30 =	sadd.s32 $0x80, s30;
	v7 =	vld [tilespmem:s26+$0x8030];
	s31 =	sadd.s32 $0x400, s31;
	[tilespmem:s29+$0x8040] =	vst v6;
	v3 =	vmul.f32 $3.125000000e-02, v3  }
0x1ab: {  	s28 =	sadd.s32 $0x10, s28;
	s0 =	sand.u32 $0x2000, s30;
	s2 =	sand.u32 $0x1C00, s31;
	v6 =	vld [tilespmem:s26+$0x8040];
	v4 =	vmul.f32 $3.125000000e-02, v4;
	[tilespmem:s29+$0x8050] =	vst v5  }
0x1ac: {  	s3 =	sand.u32 $0x380, s28;
	p0 =	slt.u32 s30, $0x3F80;
	s0 =	sor.u32 s2, s0;
	v1 =	vmul.f32 $3.125000000e-02, v1;
	v5 =	vld [tilespmem:s26+$0x8050];
	[tilespmem:s29+$0x8060] =	vst v3  }
.Ltmp9:
0x1ad: {  	s29 =	smov.u32 s26;
	v2 =	vmul.f32 $3.125000000e-02, v2;
	v3 =	vld [tilespmem:s26+$0x8060];
	[tilespmem:s26+$0x8070] =	vst v4;
	s26 =	sor.u32 s3, s0;
	(pc) =	sbr.rel @p0 .LBB2_20-.Ltmp9, $4  }
0x1ae: {  	v4 =	vld [tilespmem:s26+$0x8070];
	[tilespmem:s29+$0x8000] =	vst v1;
	v0 =	vmul.f32 $3.125000000e-02, v0  }
0x1af: {  	v1 =	vld [tilespmem:s26+$0x8000];
	[tilespmem:s29+$0x8010] =	vst v2;
	v7 =	vmul.f32 $3.125000000e-02, v7  }
0x1b0: {  	v2 =	vld [tilespmem:s26+$0x8010];
	[tilespmem:s29+$0x8020] =	vst v0;
	v6 =	vmul.f32 $3.125000000e-02, v6  }
0x1b1: {  	v0 =	vld [tilespmem:s26+$0x8020];
	[tilespmem:s29+$0x8030] =	vst v7;
	v5 =	vmul.f32 $3.125000000e-02, v5  }
0x1b2: {  	v7 =	vld [tilespmem:s26+$0x8030];
	[tilespmem:s29+$0x8040] =	vst v6;
	v3 =	vmul.f32 $3.125000000e-02, v3  }
0x1b3: {  	v6 =	vld [tilespmem:s26+$0x8040];
	v4 =	vmul.f32 $3.125000000e-02, v4;
	[tilespmem:s29+$0x8050] =	vst v5  }
0x1b4: {  	v5 =	vld [tilespmem:s26+$0x8050];
	v1 =	vmul.f32 $3.125000000e-02, v1;
	[tilespmem:s29+$0x8060] =	vst v3  }
0x1b5: {  	v3 =	vld [tilespmem:s26+$0x8060];
	v2 =	vmul.f32 $3.125000000e-02, v2;
	[tilespmem:s26+$0x8070] =	vst v4  }
0x1b6: {  	[tilespmem:s26+$0x8000] =	vst v1;
	v0 =	vmul.f32 $3.125000000e-02, v0  }
0x1b7: {  	[tilespmem:s26+$0x8010] =	vst v2;
	v1 =	vmul.f32 $3.125000000e-02, v7  }
0x1b8: {  	[tilespmem:s26+$0x8020] =	vst v0;
	v0 =	vmul.f32 $3.125000000e-02, v6  }
0x1b9: {  	[tilespmem:s26+$0x8030] =	vst v1;
	v1 =	vmul.f32 $3.125000000e-02, v5  }
0x1ba: {  	[tilespmem:s26+$0x8040] =	vst v0;
	v0 =	vmul.f32 $3.125000000e-02, v3  }
0x1bb: {  	[tilespmem:s26+$0x8050] =	vst v1  }
0x1bc: {  	[tilespmem:s26+$0x8060] =	vst v0  }
0x1bd: {  	s0 =	simm.s32 $0x0;
	s2 =	rddreg [dreg:$0x16]  }
0x1be: {  	[hbm4b:s2+s0] =	stream.linear.scatter [tilespmem:s6], [sflag:$0xA], $0x4000, $0x38;
	[tilespmem:$0x1C000] =	vst v63  }
0x1bf: {  	_ =	swait.ge [sflag:s15], $0x4000  }
0x1c0: {  	[sflag:s15] =	ssyncset.done $0x0  }
0x1c1: {  	s26 =	simm.s32 $0x0;
	s3 =	rddreg [dreg:$0x1c];
	[sflag:s15] =	ssyncadd.s32 $0xFFFFC000  }
0x1c2: {  	[tilespmem:s5], [sflag:$0x2] =	stream.linear.gather [hbm4b:s3+s0], $0x4000, $0x38;
	[tilespmem:$0x1C000] =	vst v63  }
0x1c3: {  	s2 =	sand.u32 $0x2000, s26;
	s3 =	sand.u32 $0x1C00, s0;
	_ =	swait.ge [sflag:s16], $0x4000  }
0x1c4: {  	s0 =	sand.u32 $0x380, s0;
	s2 =	sor.u32 s3, s2;
	[sflag:s16] =	ssyncset.done $0x0  }
0x1c5: {  	s29 =	sor.u32 s0, s2;
	[sflag:s16] =	ssyncadd.s32 $0xFFFFC000  }
0x1c6: {  	v0 =	vld [tilespmem:s29+$0xC070]  }
0x1c7: {  	v1 =	vld [tilespmem:s29+$0xC000]  }
0x1c8: {  	v2 =	vld [tilespmem:s29+$0xC010]  }
0x1c9: {  	v5 =	vld [tilespmem:s29+$0xC020]  }
0x1ca: {  	s30 =	simm.s32 $0x80;
	s31 =	simm.s32 $0x400;
	v6 =	vld [tilespmem:s29+$0xC030]  }
0x1cb: {  	s28 =	simm.s32 $0x10;
	s3 =	sand.u32 $0x1C00, s31;
	s2 =	sand.u32 $0x2000, s30;
	v7 =	vld [tilespmem:s29+$0xC040];
	v0 =	vmul.f32 $3.125000000e-02, v0  }
0x1cc: {  	s26 =	sand.u32 $0x380, s28;
	s0 =	sor.u32 s3, s2;
	v8 =	vld [tilespmem:s29+$0xC050];
	v1 =	vmul.f32 $3.125000000e-02, v1  }
0x1cd: {  	s26 =	sor.u32 s26, s0;
	v3 =	vld [tilespmem:s29+$0xC060];
	v2 =	vmul.f32 $3.125000000e-02, v2;
	[tilespmem:s29+$0xC070] =	vst v0  }
0x1ce: {  	v4 =	vld [tilespmem:s26+$0xC070];
	[tilespmem:s29+$0xC000] =	vst v1;
	v0 =	vmul.f32 $3.125000000e-02, v5  }
0x1cf: {  	v1 =	vld [tilespmem:s26+$0xC000];
	[tilespmem:s29+$0xC010] =	vst v2;
	v5 =	vmul.f32 $3.125000000e-02, v6  }
0x1d0: {  	v2 =	vld [tilespmem:s26+$0xC010];
	v6 =	vmul.f32 $3.125000000e-02, v7;
	[tilespmem:s29+$0xC020] =	vst v0  }
0x1d1: {  	v0 =	vld [tilespmem:s26+$0xC020];
	[tilespmem:s29+$0xC030] =	vst v5;
	v5 =	vmul.f32 $3.125000000e-02, v8  }
.LBB2_22:
0x1d2: {  	s30 =	sadd.s32 $0x80, s30;
	v7 =	vld [tilespmem:s26+$0xC030];
	s31 =	sadd.s32 $0x400, s31;
	[tilespmem:s29+$0xC040] =	vst v6;
	v3 =	vmul.f32 $3.125000000e-02, v3  }
0x1d3: {  	s28 =	sadd.s32 $0x10, s28;
	s0 =	sand.u32 $0x2000, s30;
	s2 =	sand.u32 $0x1C00, s31;
	v6 =	vld [tilespmem:s26+$0xC040];
	v4 =	vmul.f32 $3.125000000e-02, v4;
	[tilespmem:s29+$0xC050] =	vst v5  }
0x1d4: {  	s3 =	sand.u32 $0x380, s28;
	p0 =	slt.u32 s30, $0x3F80;
	s0 =	sor.u32 s2, s0;
	v1 =	vmul.f32 $3.125000000e-02, v1;
	v5 =	vld [tilespmem:s26+$0xC050];
	[tilespmem:s29+$0xC060] =	vst v3  }
.Ltmp10:
0x1d5: {  	s29 =	smov.u32 s26;
	v2 =	vmul.f32 $3.125000000e-02, v2;
	v3 =	vld [tilespmem:s26+$0xC060];
	[tilespmem:s26+$0xC070] =	vst v4;
	s26 =	sor.u32 s3, s0;
	(pc) =	sbr.rel @p0 .LBB2_22-.Ltmp10, $4  }
0x1d6: {  	v4 =	vld [tilespmem:s26+$0xC070];
	[tilespmem:s29+$0xC000] =	vst v1;
	v0 =	vmul.f32 $3.125000000e-02, v0  }
0x1d7: {  	v1 =	vld [tilespmem:s26+$0xC000];
	[tilespmem:s29+$0xC010] =	vst v2;
	v7 =	vmul.f32 $3.125000000e-02, v7  }
0x1d8: {  	v2 =	vld [tilespmem:s26+$0xC010];
	[tilespmem:s29+$0xC020] =	vst v0;
	v6 =	vmul.f32 $3.125000000e-02, v6  }
0x1d9: {  	v0 =	vld [tilespmem:s26+$0xC020];
	[tilespmem:s29+$0xC030] =	vst v7;
	v5 =	vmul.f32 $3.125000000e-02, v5  }
0x1da: {  	v7 =	vld [tilespmem:s26+$0xC030];
	[tilespmem:s29+$0xC040] =	vst v6;
	v3 =	vmul.f32 $3.125000000e-02, v3  }
0x1db: {  	v6 =	vld [tilespmem:s26+$0xC040];
	v4 =	vmul.f32 $3.125000000e-02, v4;
	[tilespmem:s29+$0xC050] =	vst v5  }
0x1dc: {  	v5 =	vld [tilespmem:s26+$0xC050];
	v1 =	vmul.f32 $3.125000000e-02, v1;
	[tilespmem:s29+$0xC060] =	vst v3  }
0x1dd: {  	v3 =	vld [tilespmem:s26+$0xC060];
	v2 =	vmul.f32 $3.125000000e-02, v2;
	[tilespmem:s26+$0xC070] =	vst v4  }
0x1de: {  	[tilespmem:s26+$0xC000] =	vst v1;
	v0 =	vmul.f32 $3.125000000e-02, v0  }
0x1df: {  	[tilespmem:s26+$0xC010] =	vst v2;
	v1 =	vmul.f32 $3.125000000e-02, v7  }
0x1e0: {  	[tilespmem:s26+$0xC020] =	vst v0;
	v0 =	vmul.f32 $3.125000000e-02, v6  }
0x1e1: {  	[tilespmem:s26+$0xC030] =	vst v1;
	v1 =	vmul.f32 $3.125000000e-02, v5  }
0x1e2: {  	[tilespmem:s26+$0xC040] =	vst v0;
	v0 =	vmul.f32 $3.125000000e-02, v3  }
0x1e3: {  	[tilespmem:s26+$0xC050] =	vst v1  }
0x1e4: {  	[tilespmem:s26+$0xC060] =	vst v0  }
0x1e5: {  	s0 =	simm.s32 $0x0;
	s26 =	simm.s32 $0x0;
	s2 =	rddreg [dreg:$0x1d]  }
0x1e6: {  	[hbm4b:s2+s0] =	stream.linear.scatter [tilespmem:s7], [sflag:$0xB], $0x4000, $0x38;
	[tilespmem:$0x1C000] =	vst v63  }
0x1e7: {  	s3 =	sand.u32 $0x1C00, s0;
	s2 =	sand.u32 $0x2000, s26;
	_ =	swait.ge [sflag:s18], $0x4000  }
0x1e8: {  	s0 =	sand.u32 $0x380, s0;
	s2 =	sor.u32 s3, s2;
	[sflag:s18] =	ssyncset.done $0x0  }
0x1e9: {  	s29 =	sor.u32 s0, s2;
	[sflag:s18] =	ssyncadd.s32 $0xFFFFC000  }
0x1ea: {  	v0 =	vld [tilespmem:s29+$0x10070]  }
0x1eb: {  	v1 =	vld [tilespmem:s29+$0x10000]  }
0x1ec: {  	v2 =	vld [tilespmem:s29+$0x10010]  }
0x1ed: {  	v5 =	vld [tilespmem:s29+$0x10020]  }
0x1ee: {  	s30 =	simm.s32 $0x80;
	s31 =	simm.s32 $0x400;
	v6 =	vld [tilespmem:s29+$0x10030]  }
0x1ef: {  	s28 =	simm.s32 $0x10;
	s3 =	sand.u32 $0x1C00, s31;
	s2 =	sand.u32 $0x2000, s30;
	v7 =	vld [tilespmem:s29+$0x10040];
	v0 =	vmul.f32 $3.125000000e-02, v0  }
0x1f0: {  	s26 =	sand.u32 $0x380, s28;
	s0 =	sor.u32 s3, s2;
	v8 =	vld [tilespmem:s29+$0x10050];
	v1 =	vmul.f32 $3.125000000e-02, v1  }
0x1f1: {  	s26 =	sor.u32 s26, s0;
	v3 =	vld [tilespmem:s29+$0x10060];
	v2 =	vmul.f32 $3.125000000e-02, v2;
	[tilespmem:s29+$0x10070] =	vst v0  }
0x1f2: {  	v4 =	vld [tilespmem:s26+$0x10070];
	[tilespmem:s29+$0x10000] =	vst v1;
	v0 =	vmul.f32 $3.125000000e-02, v5  }
0x1f3: {  	v1 =	vld [tilespmem:s26+$0x10000];
	[tilespmem:s29+$0x10010] =	vst v2;
	v5 =	vmul.f32 $3.125000000e-02, v6  }
0x1f4: {  	v2 =	vld [tilespmem:s26+$0x10010];
	v6 =	vmul.f32 $3.125000000e-02, v7;
	[tilespmem:s29+$0x10020] =	vst v0  }
0x1f5: {  	v0 =	vld [tilespmem:s26+$0x10020];
	[tilespmem:s29+$0x10030] =	vst v5;
	v5 =	vmul.f32 $3.125000000e-02, v8  }
.LBB2_24:
0x1f6: {  	s30 =	sadd.s32 $0x80, s30;
	v7 =	vld [tilespmem:s26+$0x10030];
	s31 =	sadd.s32 $0x400, s31;
	[tilespmem:s29+$0x10040] =	vst v6;
	v3 =	vmul.f32 $3.125000000e-02, v3  }
0x1f7: {  	s28 =	sadd.s32 $0x10, s28;
	s0 =	sand.u32 $0x2000, s30;
	s2 =	sand.u32 $0x1C00, s31;
	v6 =	vld [tilespmem:s26+$0x10040];
	v4 =	vmul.f32 $3.125000000e-02, v4;
	[tilespmem:s29+$0x10050] =	vst v5  }
0x1f8: {  	s3 =	sand.u32 $0x380, s28;
	p0 =	slt.u32 s30, $0x3F80;
	s0 =	sor.u32 s2, s0;
	v1 =	vmul.f32 $3.125000000e-02, v1;
	v5 =	vld [tilespmem:s26+$0x10050];
	[tilespmem:s29+$0x10060] =	vst v3  }
.Ltmp11:
0x1f9: {  	s29 =	smov.u32 s26;
	v2 =	vmul.f32 $3.125000000e-02, v2;
	v3 =	vld [tilespmem:s26+$0x10060];
	[tilespmem:s26+$0x10070] =	vst v4;
	s26 =	sor.u32 s3, s0;
	(pc) =	sbr.rel @p0 .LBB2_24-.Ltmp11, $4  }
0x1fa: {  	v4 =	vld [tilespmem:s26+$0x10070];
	[tilespmem:s29+$0x10000] =	vst v1;
	v0 =	vmul.f32 $3.125000000e-02, v0  }
0x1fb: {  	v1 =	vld [tilespmem:s26+$0x10000];
	[tilespmem:s29+$0x10010] =	vst v2;
	v7 =	vmul.f32 $3.125000000e-02, v7  }
0x1fc: {  	v2 =	vld [tilespmem:s26+$0x10010];
	[tilespmem:s29+$0x10020] =	vst v0;
	v6 =	vmul.f32 $3.125000000e-02, v6  }
0x1fd: {  	v0 =	vld [tilespmem:s26+$0x10020];
	[tilespmem:s29+$0x10030] =	vst v7;
	v5 =	vmul.f32 $3.125000000e-02, v5  }
0x1fe: {  	v7 =	vld [tilespmem:s26+$0x10030];
	[tilespmem:s29+$0x10040] =	vst v6;
	v3 =	vmul.f32 $3.125000000e-02, v3  }
0x1ff: {  	v6 =	vld [tilespmem:s26+$0x10040];
	v4 =	vmul.f32 $3.125000000e-02, v4;
	[tilespmem:s29+$0x10050] =	vst v5  }
0x200: {  	v5 =	vld [tilespmem:s26+$0x10050];
	v1 =	vmul.f32 $3.125000000e-02, v1;
	[tilespmem:s29+$0x10060] =	vst v3  }
0x201: {  	v3 =	vld [tilespmem:s26+$0x10060];
	v2 =	vmul.f32 $3.125000000e-02, v2;
	[tilespmem:s26+$0x10070] =	vst v4  }
0x202: {  	[tilespmem:s26+$0x10000] =	vst v1;
	v0 =	vmul.f32 $3.125000000e-02, v0  }
0x203: {  	[tilespmem:s26+$0x10010] =	vst v2;
	v1 =	vmul.f32 $3.125000000e-02, v7  }
0x204: {  	[tilespmem:s26+$0x10020] =	vst v0;
	v0 =	vmul.f32 $3.125000000e-02, v6  }
0x205: {  	[tilespmem:s26+$0x10030] =	vst v1;
	v1 =	vmul.f32 $3.125000000e-02, v5  }
0x206: {  	[tilespmem:s26+$0x10040] =	vst v0;
	v0 =	vmul.f32 $3.125000000e-02, v3  }
0x207: {  	[tilespmem:s26+$0x10050] =	vst v1  }
0x208: {  	[tilespmem:s26+$0x10060] =	vst v0  }
0x209: {  	s0 =	simm.s32 $0x0;
	s26 =	simm.s32 $0x0;
	s2 =	rddreg [dreg:$0x1e]  }
0x20a: {  	[hbm4b:s2+s0] =	stream.linear.scatter [tilespmem:s8], [sflag:$0xC], $0x4000, $0x38;
	[tilespmem:$0x1C000] =	vst v63  }
0x20b: {  	s3 =	sand.u32 $0x1C00, s0;
	s2 =	sand.u32 $0x2000, s26;
	_ =	swait.ge [sflag:s20], $0x4000  }
0x20c: {  	s0 =	sand.u32 $0x380, s0;
	s2 =	sor.u32 s3, s2;
	[sflag:s20] =	ssyncset.done $0x0  }
0x20d: {  	s29 =	sor.u32 s0, s2;
	[sflag:s20] =	ssyncadd.s32 $0xFFFFC000  }
0x20e: {  	v0 =	vld [tilespmem:s29+$0x14070]  }
0x20f: {  	v1 =	vld [tilespmem:s29+$0x14000]  }
0x210: {  	v2 =	vld [tilespmem:s29+$0x14010]  }
0x211: {  	v5 =	vld [tilespmem:s29+$0x14020]  }
0x212: {  	s30 =	simm.s32 $0x80;
	s31 =	simm.s32 $0x400;
	v6 =	vld [tilespmem:s29+$0x14030]  }
0x213: {  	s28 =	simm.s32 $0x10;
	s3 =	sand.u32 $0x1C00, s31;
	s2 =	sand.u32 $0x2000, s30;
	v7 =	vld [tilespmem:s29+$0x14040];
	v0 =	vmul.f32 $3.125000000e-02, v0  }
0x214: {  	s26 =	sand.u32 $0x380, s28;
	s0 =	sor.u32 s3, s2;
	v8 =	vld [tilespmem:s29+$0x14050];
	v1 =	vmul.f32 $3.125000000e-02, v1  }
0x215: {  	s26 =	sor.u32 s26, s0;
	v3 =	vld [tilespmem:s29+$0x14060];
	v2 =	vmul.f32 $3.125000000e-02, v2;
	[tilespmem:s29+$0x14070] =	vst v0  }
0x216: {  	v4 =	vld [tilespmem:s26+$0x14070];
	[tilespmem:s29+$0x14000] =	vst v1;
	v0 =	vmul.f32 $3.125000000e-02, v5  }
0x217: {  	v1 =	vld [tilespmem:s26+$0x14000];
	[tilespmem:s29+$0x14010] =	vst v2;
	v5 =	vmul.f32 $3.125000000e-02, v6  }
0x218: {  	v2 =	vld [tilespmem:s26+$0x14010];
	v6 =	vmul.f32 $3.125000000e-02, v7;
	[tilespmem:s29+$0x14020] =	vst v0  }
0x219: {  	v0 =	vld [tilespmem:s26+$0x14020];
	[tilespmem:s29+$0x14030] =	vst v5;
	v5 =	vmul.f32 $3.125000000e-02, v8  }
.LBB2_26:
0x21a: {  	s30 =	sadd.s32 $0x80, s30;
	v7 =	vld [tilespmem:s26+$0x14030];
	s31 =	sadd.s32 $0x400, s31;
	[tilespmem:s29+$0x14040] =	vst v6;
	v3 =	vmul.f32 $3.125000000e-02, v3  }
0x21b: {  	s28 =	sadd.s32 $0x10, s28;
	s0 =	sand.u32 $0x2000, s30;
	s2 =	sand.u32 $0x1C00, s31;
	v6 =	vld [tilespmem:s26+$0x14040];
	v4 =	vmul.f32 $3.125000000e-02, v4;
	[tilespmem:s29+$0x14050] =	vst v5  }
0x21c: {  	s3 =	sand.u32 $0x380, s28;
	p0 =	slt.u32 s30, $0x3F80;
	s0 =	sor.u32 s2, s0;
	v1 =	vmul.f32 $3.125000000e-02, v1;
	v5 =	vld [tilespmem:s26+$0x14050];
	[tilespmem:s29+$0x14060] =	vst v3  }
.Ltmp12:
0x21d: {  	s29 =	smov.u32 s26;
	v2 =	vmul.f32 $3.125000000e-02, v2;
	v3 =	vld [tilespmem:s26+$0x14060];
	[tilespmem:s26+$0x14070] =	vst v4;
	s26 =	sor.u32 s3, s0;
	(pc) =	sbr.rel @p0 .LBB2_26-.Ltmp12, $4  }
0x21e: {  	v4 =	vld [tilespmem:s26+$0x14070];
	[tilespmem:s29+$0x14000] =	vst v1;
	v0 =	vmul.f32 $3.125000000e-02, v0  }
0x21f: {  	v1 =	vld [tilespmem:s26+$0x14000];
	[tilespmem:s29+$0x14010] =	vst v2;
	v7 =	vmul.f32 $3.125000000e-02, v7  }
0x220: {  	v2 =	vld [tilespmem:s26+$0x14010];
	[tilespmem:s29+$0x14020] =	vst v0;
	v6 =	vmul.f32 $3.125000000e-02, v6  }
0x221: {  	v0 =	vld [tilespmem:s26+$0x14020];
	[tilespmem:s29+$0x14030] =	vst v7;
	v5 =	vmul.f32 $3.125000000e-02, v5  }
0x222: {  	v7 =	vld [tilespmem:s26+$0x14030];
	[tilespmem:s29+$0x14040] =	vst v6;
	v3 =	vmul.f32 $3.125000000e-02, v3  }
0x223: {  	v6 =	vld [tilespmem:s26+$0x14040];
	v4 =	vmul.f32 $3.125000000e-02, v4;
	[tilespmem:s29+$0x14050] =	vst v5  }
0x224: {  	v5 =	vld [tilespmem:s26+$0x14050];
	v1 =	vmul.f32 $3.125000000e-02, v1;
	[tilespmem:s29+$0x14060] =	vst v3  }
0x225: {  	v3 =	vld [tilespmem:s26+$0x14060];
	v2 =	vmul.f32 $3.125000000e-02, v2;
	[tilespmem:s26+$0x14070] =	vst v4  }
0x226: {  	[tilespmem:s26+$0x14000] =	vst v1;
	v0 =	vmul.f32 $3.125000000e-02, v0  }
0x227: {  	[tilespmem:s26+$0x14010] =	vst v2;
	v1 =	vmul.f32 $3.125000000e-02, v7  }
0x228: {  	[tilespmem:s26+$0x14020] =	vst v0;
	v0 =	vmul.f32 $3.125000000e-02, v6  }
0x229: {  	[tilespmem:s26+$0x14030] =	vst v1;
	v1 =	vmul.f32 $3.125000000e-02, v5  }
0x22a: {  	[tilespmem:s26+$0x14040] =	vst v0;
	v0 =	vmul.f32 $3.125000000e-02, v3  }
0x22b: {  	[tilespmem:s26+$0x14050] =	vst v1  }
0x22c: {  	[tilespmem:s26+$0x14060] =	vst v0  }
0x22d: {  	s0 =	simm.s32 $0x0;
	s26 =	simm.s32 $0x0;
	s2 =	rddreg [dreg:$0x1f]  }
0x22e: {  	[hbm4b:s2+s0] =	stream.linear.scatter [tilespmem:s9], [sflag:$0xD], $0x4000, $0x38;
	[tilespmem:$0x1C000] =	vst v63  }
0x22f: {  	s3 =	sand.u32 $0x1C00, s0;
	s2 =	sand.u32 $0x2000, s26;
	_ =	swait.ge [sflag:s22], $0x4000  }
0x230: {  	s0 =	sand.u32 $0x380, s0;
	s2 =	sor.u32 s3, s2;
	[sflag:s22] =	ssyncset.done $0x0  }
0x231: {  	s29 =	sor.u32 s0, s2;
	[sflag:s22] =	ssyncadd.s32 $0xFFFFC000  }
0x232: {  	v0 =	vld [tilespmem:s29+$0x18070]  }
0x233: {  	v1 =	vld [tilespmem:s29+$0x18000]  }
0x234: {  	v2 =	vld [tilespmem:s29+$0x18010]  }
0x235: {  	v5 =	vld [tilespmem:s29+$0x18020]  }
0x236: {  	s30 =	simm.s32 $0x80;
	s31 =	simm.s32 $0x400;
	v6 =	vld [tilespmem:s29+$0x18030]  }
0x237: {  	s28 =	simm.s32 $0x10;
	s3 =	sand.u32 $0x1C00, s31;
	s2 =	sand.u32 $0x2000, s30;
	v7 =	vld [tilespmem:s29+$0x18040];
	v0 =	vmul.f32 $3.125000000e-02, v0  }
0x238: {  	s26 =	sand.u32 $0x380, s28;
	s0 =	sor.u32 s3, s2;
	v8 =	vld [tilespmem:s29+$0x18050];
	v1 =	vmul.f32 $3.125000000e-02, v1  }
0x239: {  	s26 =	sor.u32 s26, s0;
	v3 =	vld [tilespmem:s29+$0x18060];
	v2 =	vmul.f32 $3.125000000e-02, v2;
	[tilespmem:s29+$0x18070] =	vst v0  }
0x23a: {  	v4 =	vld [tilespmem:s26+$0x18070];
	[tilespmem:s29+$0x18000] =	vst v1;
	v0 =	vmul.f32 $3.125000000e-02, v5  }
0x23b: {  	v1 =	vld [tilespmem:s26+$0x18000];
	[tilespmem:s29+$0x18010] =	vst v2;
	v5 =	vmul.f32 $3.125000000e-02, v6  }
0x23c: {  	v2 =	vld [tilespmem:s26+$0x18010];
	v6 =	vmul.f32 $3.125000000e-02, v7;
	[tilespmem:s29+$0x18020] =	vst v0  }
0x23d: {  	v0 =	vld [tilespmem:s26+$0x18020];
	[tilespmem:s29+$0x18030] =	vst v5;
	v5 =	vmul.f32 $3.125000000e-02, v8  }
.LBB2_28:
0x23e: {  	s30 =	sadd.s32 $0x80, s30;
	v7 =	vld [tilespmem:s26+$0x18030];
	s31 =	sadd.s32 $0x400, s31;
	[tilespmem:s29+$0x18040] =	vst v6;
	v3 =	vmul.f32 $3.125000000e-02, v3  }
0x23f: {  	s28 =	sadd.s32 $0x10, s28;
	s0 =	sand.u32 $0x2000, s30;
	s2 =	sand.u32 $0x1C00, s31;
	v6 =	vld [tilespmem:s26+$0x18040];
	v4 =	vmul.f32 $3.125000000e-02, v4;
	[tilespmem:s29+$0x18050] =	vst v5  }
0x240: {  	s3 =	sand.u32 $0x380, s28;
	p0 =	slt.u32 s30, $0x3F80;
	s0 =	sor.u32 s2, s0;
	v1 =	vmul.f32 $3.125000000e-02, v1;
	v5 =	vld [tilespmem:s26+$0x18050];
	[tilespmem:s29+$0x18060] =	vst v3  }
.Ltmp13:
0x241: {  	s29 =	smov.u32 s26;
	v2 =	vmul.f32 $3.125000000e-02, v2;
	v3 =	vld [tilespmem:s26+$0x18060];
	[tilespmem:s26+$0x18070] =	vst v4;
	s26 =	sor.u32 s3, s0;
	(pc) =	sbr.rel @p0 .LBB2_28-.Ltmp13, $4  }
0x242: {  	v4 =	vld [tilespmem:s26+$0x18070];
	[tilespmem:s29+$0x18000] =	vst v1;
	v0 =	vmul.f32 $3.125000000e-02, v0  }
0x243: {  	v1 =	vld [tilespmem:s26+$0x18000];
	[tilespmem:s29+$0x18010] =	vst v2;
	v7 =	vmul.f32 $3.125000000e-02, v7  }
0x244: {  	v2 =	vld [tilespmem:s26+$0x18010];
	[tilespmem:s29+$0x18020] =	vst v0;
	v6 =	vmul.f32 $3.125000000e-02, v6  }
0x245: {  	v0 =	vld [tilespmem:s26+$0x18020];
	[tilespmem:s29+$0x18030] =	vst v7;
	v5 =	vmul.f32 $3.125000000e-02, v5  }
0x246: {  	v7 =	vld [tilespmem:s26+$0x18030];
	[tilespmem:s29+$0x18040] =	vst v6;
	v3 =	vmul.f32 $3.125000000e-02, v3  }
0x247: {  	v6 =	vld [tilespmem:s26+$0x18040];
	v4 =	vmul.f32 $3.125000000e-02, v4;
	[tilespmem:s29+$0x18050] =	vst v5  }
0x248: {  	v5 =	vld [tilespmem:s26+$0x18050];
	v1 =	vmul.f32 $3.125000000e-02, v1;
	[tilespmem:s29+$0x18060] =	vst v3  }
0x249: {  	v3 =	vld [tilespmem:s26+$0x18060];
	v2 =	vmul.f32 $3.125000000e-02, v2;
	[tilespmem:s26+$0x18070] =	vst v4  }
0x24a: {  	[tilespmem:s26+$0x18000] =	vst v1;
	v0 =	vmul.f32 $3.125000000e-02, v0  }
0x24b: {  	[tilespmem:s26+$0x18010] =	vst v2;
	v1 =	vmul.f32 $3.125000000e-02, v7  }
0x24c: {  	[tilespmem:s26+$0x18020] =	vst v0;
	v0 =	vmul.f32 $3.125000000e-02, v6  }
0x24d: {  	[tilespmem:s26+$0x18030] =	vst v1;
	v1 =	vmul.f32 $3.125000000e-02, v5  }
0x24e: {  	[tilespmem:s26+$0x18040] =	vst v0;
	v0 =	vmul.f32 $3.125000000e-02, v3  }
0x24f: {  	[tilespmem:s26+$0x18050] =	vst v1  }
0x250: {  	[tilespmem:s26+$0x18060] =	vst v0  }
0x251: {  	s2 =	sld [smem:$0x7FB];
	_ =	sdelay $0x1  }
0x252: {  	s0 =	simm.s32 $0x0;
	s26 =	simm.s32 $0x0  }
0x253: {  	[hbm4b:s2+s0] =	stream.linear.scatter [tilespmem:s10], [sflag:$0xE], $0x4000, $0x38;
	[tilespmem:$0x1C000] =	vst v63  }
0x254: {  	s3 =	sand.u32 $0x1C00, s0;
	s2 =	sand.u32 $0x2000, s26;
	_ =	swait.ge [sflag:s11], $0x4000  }
0x255: {  	s0 =	sand.u32 $0x380, s0;
	s2 =	sor.u32 s3, s2;
	[sflag:s11] =	ssyncset.done $0x0  }
0x256: {  	s29 =	sor.u32 s0, s2;
	[sflag:s11] =	ssyncadd.s32 $0xFFFFC000  }
0x257: {  	v0 =	vld [tilespmem:s29+$0x70]  }
0x258: {  	v1 =	vld [tilespmem:s29+$0x0]  }
0x259: {  	v2 =	vld [tilespmem:s29+$0x10]  }
0x25a: {  	v5 =	vld [tilespmem:s29+$0x20]  }
0x25b: {  	s30 =	simm.s32 $0x80;
	s31 =	simm.s32 $0x400;
	v6 =	vld [tilespmem:s29+$0x30]  }
0x25c: {  	s28 =	simm.s32 $0x10;
	s3 =	sand.u32 $0x1C00, s31;
	s2 =	sand.u32 $0x2000, s30;
	v7 =	vld [tilespmem:s29+$0x40];
	v0 =	vmul.f32 $3.125000000e-02, v0  }
0x25d: {  	s26 =	sand.u32 $0x380, s28;
	s0 =	sor.u32 s3, s2;
	v8 =	vld [tilespmem:s29+$0x50];
	v1 =	vmul.f32 $3.125000000e-02, v1  }
0x25e: {  	s26 =	sor.u32 s26, s0;
	v3 =	vld [tilespmem:s29+$0x60];
	v2 =	vmul.f32 $3.125000000e-02, v2;
	[tilespmem:s29+$0x70] =	vst v0  }
0x25f: {  	v4 =	vld [tilespmem:s26+$0x70];
	[tilespmem:s29+$0x0] =	vst v1;
	v0 =	vmul.f32 $3.125000000e-02, v5  }
0x260: {  	v1 =	vld [tilespmem:s26+$0x0];
	[tilespmem:s29+$0x10] =	vst v2;
	v5 =	vmul.f32 $3.125000000e-02, v6  }
0x261: {  	v2 =	vld [tilespmem:s26+$0x10];
	v6 =	vmul.f32 $3.125000000e-02, v7;
	[tilespmem:s29+$0x20] =	vst v0  }
0x262: {  	v0 =	vld [tilespmem:s26+$0x20];
	[tilespmem:s29+$0x30] =	vst v5;
	v5 =	vmul.f32 $3.125000000e-02, v8  }
.LBB2_30:
0x263: {  	s30 =	sadd.s32 $0x80, s30;
	v7 =	vld [tilespmem:s26+$0x30];
	s31 =	sadd.s32 $0x400, s31;
	[tilespmem:s29+$0x40] =	vst v6;
	v3 =	vmul.f32 $3.125000000e-02, v3  }
0x264: {  	s28 =	sadd.s32 $0x10, s28;
	s0 =	sand.u32 $0x2000, s30;
	s2 =	sand.u32 $0x1C00, s31;
	v6 =	vld [tilespmem:s26+$0x40];
	v4 =	vmul.f32 $3.125000000e-02, v4;
	[tilespmem:s29+$0x50] =	vst v5  }
0x265: {  	s3 =	sand.u32 $0x380, s28;
	p0 =	slt.u32 s30, $0x3F80;
	s0 =	sor.u32 s2, s0;
	v1 =	vmul.f32 $3.125000000e-02, v1;
	v5 =	vld [tilespmem:s26+$0x50];
	[tilespmem:s29+$0x60] =	vst v3  }
.Ltmp14:
0x266: {  	s29 =	smov.u32 s26;
	v2 =	vmul.f32 $3.125000000e-02, v2;
	v3 =	vld [tilespmem:s26+$0x60];
	[tilespmem:s26+$0x70] =	vst v4;
	s26 =	sor.u32 s3, s0;
	(pc) =	sbr.rel @p0 .LBB2_30-.Ltmp14, $4  }
0x267: {  	v4 =	vld [tilespmem:s26+$0x70];
	[tilespmem:s29+$0x0] =	vst v1;
	v0 =	vmul.f32 $3.125000000e-02, v0  }
0x268: {  	v1 =	vld [tilespmem:s26+$0x0];
	[tilespmem:s29+$0x10] =	vst v2;
	v7 =	vmul.f32 $3.125000000e-02, v7  }
0x269: {  	v2 =	vld [tilespmem:s26+$0x10];
	[tilespmem:s29+$0x20] =	vst v0;
	v6 =	vmul.f32 $3.125000000e-02, v6  }
0x26a: {  	v0 =	vld [tilespmem:s26+$0x20];
	[tilespmem:s29+$0x30] =	vst v7;
	v5 =	vmul.f32 $3.125000000e-02, v5  }
0x26b: {  	v7 =	vld [tilespmem:s26+$0x30];
	[tilespmem:s29+$0x40] =	vst v6;
	v3 =	vmul.f32 $3.125000000e-02, v3  }
0x26c: {  	v6 =	vld [tilespmem:s26+$0x40];
	v4 =	vmul.f32 $3.125000000e-02, v4;
	[tilespmem:s29+$0x50] =	vst v5  }
0x26d: {  	v5 =	vld [tilespmem:s26+$0x50];
	v1 =	vmul.f32 $3.125000000e-02, v1;
	[tilespmem:s29+$0x60] =	vst v3  }
0x26e: {  	v3 =	vld [tilespmem:s26+$0x60];
	v2 =	vmul.f32 $3.125000000e-02, v2;
	[tilespmem:s26+$0x70] =	vst v4  }
0x26f: {  	[tilespmem:s26+$0x0] =	vst v1;
	v0 =	vmul.f32 $3.125000000e-02, v0  }
0x270: {  	[tilespmem:s26+$0x10] =	vst v2;
	v1 =	vmul.f32 $3.125000000e-02, v7  }
0x271: {  	[tilespmem:s26+$0x20] =	vst v0;
	v0 =	vmul.f32 $3.125000000e-02, v6  }
0x272: {  	[tilespmem:s26+$0x30] =	vst v1;
	v1 =	vmul.f32 $3.125000000e-02, v5  }
0x273: {  	[tilespmem:s26+$0x40] =	vst v0;
	v0 =	vmul.f32 $3.125000000e-02, v3  }
0x274: {  	[tilespmem:s26+$0x50] =	vst v1  }
0x275: {  	[tilespmem:s26+$0x60] =	vst v0  }
0x276: {  	s2 =	sld [smem:$0x7FC];
	_ =	sdelay $0x1  }
0x277: {  	s0 =	simm.s32 $0x0;
	s26 =	simm.s32 $0x0  }
0x278: {  	[hbm4b:s2+s0] =	stream.linear.scatter [tilespmem:s0], [sflag:$0x8], $0x4000, $0x38;
	[tilespmem:$0x1C000] =	vst v63  }
0x279: {  	s3 =	sand.u32 $0x1C00, s0;
	s2 =	sand.u32 $0x2000, s26;
	_ =	swait.ge [sflag:s12], $0x4000  }
0x27a: {  	s0 =	sand.u32 $0x380, s0;
	s2 =	sor.u32 s3, s2;
	[sflag:s12] =	ssyncset.done $0x0  }
0x27b: {  	s29 =	sor.u32 s0, s2;
	[sflag:s12] =	ssyncadd.s32 $0xFFFFC000  }
0x27c: {  	v0 =	vld [tilespmem:s29+$0x4070]  }
0x27d: {  	v1 =	vld [tilespmem:s29+$0x4000]  }
0x27e: {  	v2 =	vld [tilespmem:s29+$0x4010]  }
0x27f: {  	v5 =	vld [tilespmem:s29+$0x4020]  }
0x280: {  	s30 =	simm.s32 $0x80;
	s31 =	simm.s32 $0x400;
	v6 =	vld [tilespmem:s29+$0x4030]  }
0x281: {  	s28 =	simm.s32 $0x10;
	s3 =	sand.u32 $0x1C00, s31;
	s2 =	sand.u32 $0x2000, s30;
	v7 =	vld [tilespmem:s29+$0x4040];
	v0 =	vmul.f32 $3.125000000e-02, v0  }
0x282: {  	s26 =	sand.u32 $0x380, s28;
	s0 =	sor.u32 s3, s2;
	v8 =	vld [tilespmem:s29+$0x4050];
	v1 =	vmul.f32 $3.125000000e-02, v1  }
0x283: {  	s26 =	sor.u32 s26, s0;
	v3 =	vld [tilespmem:s29+$0x4060];
	v2 =	vmul.f32 $3.125000000e-02, v2;
	[tilespmem:s29+$0x4070] =	vst v0  }
0x284: {  	v4 =	vld [tilespmem:s26+$0x4070];
	[tilespmem:s29+$0x4000] =	vst v1;
	v0 =	vmul.f32 $3.125000000e-02, v5  }
0x285: {  	v1 =	vld [tilespmem:s26+$0x4000];
	[tilespmem:s29+$0x4010] =	vst v2;
	v5 =	vmul.f32 $3.125000000e-02, v6  }
0x286: {  	v2 =	vld [tilespmem:s26+$0x4010];
	v6 =	vmul.f32 $3.125000000e-02, v7;
	[tilespmem:s29+$0x4020] =	vst v0  }
0x287: {  	v0 =	vld [tilespmem:s26+$0x4020];
	[tilespmem:s29+$0x4030] =	vst v5;
	v5 =	vmul.f32 $3.125000000e-02, v8  }
.LBB2_32:
0x288: {  	s30 =	sadd.s32 $0x80, s30;
	v7 =	vld [tilespmem:s26+$0x4030];
	s31 =	sadd.s32 $0x400, s31;
	[tilespmem:s29+$0x4040] =	vst v6;
	v3 =	vmul.f32 $3.125000000e-02, v3  }
0x289: {  	s28 =	sadd.s32 $0x10, s28;
	s0 =	sand.u32 $0x2000, s30;
	s2 =	sand.u32 $0x1C00, s31;
	v6 =	vld [tilespmem:s26+$0x4040];
	v4 =	vmul.f32 $3.125000000e-02, v4;
	[tilespmem:s29+$0x4050] =	vst v5  }
0x28a: {  	s3 =	sand.u32 $0x380, s28;
	p0 =	slt.u32 s30, $0x3F80;
	s0 =	sor.u32 s2, s0;
	v1 =	vmul.f32 $3.125000000e-02, v1;
	v5 =	vld [tilespmem:s26+$0x4050];
	[tilespmem:s29+$0x4060] =	vst v3  }
.Ltmp15:
0x28b: {  	s29 =	smov.u32 s26;
	v2 =	vmul.f32 $3.125000000e-02, v2;
	v3 =	vld [tilespmem:s26+$0x4060];
	[tilespmem:s26+$0x4070] =	vst v4;
	s26 =	sor.u32 s3, s0;
	(pc) =	sbr.rel @p0 .LBB2_32-.Ltmp15, $4  }
0x28c: {  	v4 =	vld [tilespmem:s26+$0x4070];
	[tilespmem:s29+$0x4000] =	vst v1;
	v0 =	vmul.f32 $3.125000000e-02, v0  }
0x28d: {  	v1 =	vld [tilespmem:s26+$0x4000];
	[tilespmem:s29+$0x4010] =	vst v2;
	v7 =	vmul.f32 $3.125000000e-02, v7  }
0x28e: {  	v2 =	vld [tilespmem:s26+$0x4010];
	[tilespmem:s29+$0x4020] =	vst v0;
	v6 =	vmul.f32 $3.125000000e-02, v6  }
0x28f: {  	v0 =	vld [tilespmem:s26+$0x4020];
	[tilespmem:s29+$0x4030] =	vst v7;
	v5 =	vmul.f32 $3.125000000e-02, v5  }
0x290: {  	v7 =	vld [tilespmem:s26+$0x4030];
	[tilespmem:s29+$0x4040] =	vst v6;
	v3 =	vmul.f32 $3.125000000e-02, v3  }
0x291: {  	v57 =	vld [tilespmem:s26+$0x4040];
	v4 =	vmul.f32 $3.125000000e-02, v4;
	[tilespmem:s29+$0x4050] =	vst v5  }
0x292: {  	v58 =	vld [tilespmem:s26+$0x4050];
	v1 =	vmul.f32 $3.125000000e-02, v1;
	[tilespmem:s29+$0x4060] =	vst v3  }
0x293: {  	v59 =	vld [tilespmem:s26+$0x4060];
	v2 =	vmul.f32 $3.125000000e-02, v2;
	[tilespmem:s26+$0x4070] =	vst v4  }
0x294: {  	[tilespmem:s26+$0x4000] =	vst v1;
	v0 =	vmul.f32 $3.125000000e-02, v0  }
0x295: {  	[tilespmem:s26+$0x4010] =	vst v2;
	v60 =	vmul.f32 $3.125000000e-02, v7  }
0x296: {  	v61 =	vmul.f32 $3.125000000e-02, v57;
	[tilespmem:s26+$0x4020] =	vst v0  }
0x297: {  	v62 =	vmul.f32 $3.125000000e-02, v58;
	[tilespmem:s26+$0x4030] =	vst v60  }
0x298: {  	v63 =	vmul.f32 $3.125000000e-02, v59;
	[tilespmem:s26+$0x4040] =	vst v61  }
0x299: {  	[tilespmem:s26+$0x4050] =	vst v62  }
0x29a: {  	[tilespmem:s26+$0x4060] =	vst v63  }
0x29b: {  	s0 =	sld [smem:$0x7FD];
	_ =	sdelay $0x2  }
0x29c: {  	[hbm4b:s0+s1] =	stream.linear.scatter [tilespmem:s5], [sflag:$0x9], $0x4000, $0x38;
	[tilespmem:$0x1C000] =	vst v63  }
0x29d: {  	_ =	swait.ge [sflag:s17], $0x4000  }
0x29e: {  	[sflag:s17] =	ssyncset.done $0x0  }
0x29f: {  	[sflag:s17] =	ssyncadd.s32 $0xFFFFC000  }
0x2a0: {  	_ =	swait.ge [sflag:s19], $0x4000  }
0x2a1: {  	[sflag:s19] =	ssyncset.done $0x0  }
0x2a2: {  	[sflag:s19] =	ssyncadd.s32 $0xFFFFC000  }
0x2a3: {  	_ =	swait.ge [sflag:s21], $0x4000  }
0x2a4: {  	[sflag:s21] =	ssyncset.done $0x0  }
0x2a5: {  	[sflag:s21] =	ssyncadd.s32 $0xFFFFC000  }
0x2a6: {  	_ =	swait.ge [sflag:s23], $0x4000  }
0x2a7: {  	[sflag:s23] =	ssyncset.done $0x0  }
0x2a8: {  	[sflag:s23] =	ssyncadd.s32 $0xFFFFC000  }
0x2a9: {  	_ =	swait.ge [sflag:s24], $0x4000  }
0x2aa: {  	[sflag:s24] =	ssyncset.done $0x0  }
0x2ab: {  	s25 =	sadd.s32 $0x1, s25;
	[sflag:s24] =	ssyncadd.s32 $0xFFFFC000  }
0x2ac: {  	p0 =	sne.s32 s25, s4;
	_ =	swait.ge [sflag:s13], $0x4000  }
.Ltmp16:
0x2ad: {  	[sflag:s13] =	ssyncset.done $0x0;
	(pc) =	sbr.rel @p0 .LBB2_1-.Ltmp16, $4  }
0x2ae: {  	[sflag:s13] =	ssyncadd.s32 $0xFFFFC000  }
0x2af: {  	_ =	swait.ge [sflag:s15], $0x4000  }
0x2b0: {  	[sflag:s15] =	ssyncset.done $0x0  }
0x2b1: {  	[sflag:s15] =	ssyncadd.s32 $0xFFFFC000  }
0x2b2: {  	_ =	sfence.sel $0x180000  }
0x2b3: {  	[bflag:$0x0] =	sbarrier.arrive $0xFFFF  }
0x2b4: {  	_ =	strace $0x90000047  }
0x2b5: {  	s0 =	stileid.u32;
	[bflag:$0x2] =	sbarrier.arrive $0xFFFF  }
0x2b6: {  	p0 =	sne.s32 s0, $0x0;
	s0 =	rddreg [dreg:$0x2]  }
0x2b7: {  	s0 =	sadd.s32 @!p0 $0x100000, s0  }
0x2b8: {  	[sflag:s0] =	ssyncadd.tile.s32 @!p0 $0x1;
	_ =	shalt  }
.Lfunc_end2:
_tile_overlayer_lowered:
.L_overlay_start_2:
0x2b9: {  	(tag) =	ssettag $0x2  }
0x2ba: {  	s0 =	rddreg [dreg:$0x0];
	s2 =	stileid.u32  }
0x2bb: {  	s1 =	rddreg [dreg:$0x1];
	p0 =	sne.s32 s2, $0x0  }
0x2bc: {  	s3 =	rddreg [dreg:$0x2];
	[bflag:$0x3] =	sbarrier.arrive $0xFFFF;
	s2 =	simm.s32 @!p0 $0x1C0F  }
0x2bd: {  	[timem:s3], [sflag:s2] =	dma.local @!p0 [hbm:s0], s1  }
0x2be: {  	s0 =	simm.s32 @!p0 $0xF  }
0x2bf: {  	_ =	swait.ge @!p0 [sflag:s0], s1  }
0x2c0: {  	s1 =	ssub.s32 @!p0 $0x0, s1;
	[sflag:s0] =	ssyncset.done @!p0 $0x0  }
0x2c1: {  	[sflag:s0] =	ssyncadd.s32 @!p0 s1  }
0x2c2: {  	[bflag:$0x3] =	sbarrier.arrive $0xFFFF  }
0x2c3: {  	_ =	shalt  }

</sc_bundles>
